<compile_context>
chip_gen: v7x
topology: tpu7x:2x2x1
jax: 0.10.2.dev20260603
libtpu: 0.0.44.dev20260713+nightly
codegen_flags: <defaults>
</compile_context>

<pallas_src>
import functools

import jax
import jax.numpy as jnp
from jax import lax
from jax.experimental import pallas as pl
from jax.experimental.pallas import tpu as pltpu
from jax.experimental.pallas import tpu_sc as plsc

_N = 10000
_D = 128
_NPAD = 10240
_NC = 2
_NS = 16
_W = _NC * _NS
_RPT = _NPAD // _NS
_CK = 128
_CW = 80
_GC = 40
_EPAD = _W * _CW * _CK
_BN = 1024

_mesh = plsc.VectorSubcoreMesh(core_axis_name="c", subcore_axis_name="s")


def _sc_deg_body(dst2d, deg0, deg1, idx_v, ones_v, zero_v, deg_sh, sem):
    c = lax.axis_index("c")
    s = lax.axis_index("s")
    wid = c * _NS + s

    def fill_ones(i, carry):
        ones_v[pl.ds(i * 16, 16)] = jnp.full((16,), 1.0, jnp.float32)
        return carry

    lax.fori_loop(0, _CK // 16, fill_ones, 0)

    def fill_zero(i, carry):
        zero_v[pl.ds(i * 16, 16)] = jnp.zeros((16,), jnp.float32)
        return carry

    lax.fori_loop(0, 640 // 16, fill_zero, 0)

    pltpu.sync_copy(zero_v.at[pl.ds(0, _RPT)], deg_sh.at[pl.ds(s * _RPT, _RPT)])
    pltpu.sync_copy(dst2d.at[pl.ds(wid * _CW, _CW)], idx_v)
    plsc.subcore_barrier()

    def body(j, carry):
        pltpu.sync_copy(ones_v, deg_sh.at[idx_v.at[j]], add=True)
        return carry

    lax.fori_loop(0, _CW, body, 0)
    plsc.subcore_barrier()

    pltpu.sync_copy(deg_sh.at[pl.ds(s * _RPT, _RPT)], zero_v.at[pl.ds(0, _RPT)])

    @pl.when(c == 0)
    def _():
        pltpu.sync_copy(zero_v.at[pl.ds(0, _RPT)], deg0.at[pl.ds(s * _RPT, _RPT)])

    @pl.when(c == 1)
    def _():
        pltpu.sync_copy(zero_v.at[pl.ds(0, _RPT)], deg1.at[pl.ds(s * _RPT, _RPT)])


@functools.partial(
    pl.kernel,
    out_type=(
        jax.ShapeDtypeStruct((_NPAD,), jnp.float32),
        jax.ShapeDtypeStruct((_NPAD,), jnp.float32),
    ),
    mesh=_mesh,
    scratch_types=[
        pltpu.VMEM((_CW, _CK), jnp.int32),
        pltpu.VMEM((_CK,), jnp.float32),
        pltpu.VMEM((640,), jnp.float32),
        pltpu.VMEM_SHARED((_NPAD,), jnp.float32),
        pltpu.SemaphoreType.DMA,
    ],
)
def _sc_deg(*refs):
    _sc_deg_body(*refs)


def _sc_seg_body(
    g_hbm, src2d, dst2d, out0, out1, sidx, didx, rows2, acc_sh,
    gsem0, gsem1, ssem0, ssem1,
):
    c = lax.axis_index("c")
    s = lax.axis_index("s")
    wid = c * _NS + s
    buf0 = rows2.at[0]
    buf1 = rows2.at[1]
    dummy = g_hbm.at[pl.ds(0, _CK)]

    def fz(i, carry):
        rows2[0, i // 8, pl.ds((i % 8) * 16, 16)] = jnp.zeros((16,), jnp.float32)
        return carry

    lax.fori_loop(0, _CK * 8, fz, 0)
    for q in range(_RPT // _CK):
        pltpu.sync_copy(buf0, acc_sh.at[pl.ds(s * _RPT + q * _CK, _CK)])
    plsc.subcore_barrier()

    for g in range(_CW // _GC):
        if g > 0:
            pltpu.make_async_copy(buf0, acc_sh.at[didx.at[0]], ssem0).wait()
            pltpu.make_async_copy(buf1, acc_sh.at[didx.at[0]], ssem1).wait()
        base = wid * _CW + g * _GC
        pltpu.sync_copy(src2d.at[pl.ds(base, _GC)], sidx)
        pltpu.sync_copy(dst2d.at[pl.ds(base, _GC)], didx)
        pltpu.async_copy(g_hbm.at[sidx.at[0]], buf0, gsem0)

        def body(t, carry):
            q = 2 * t
            pltpu.make_async_copy(dummy, buf0, gsem0).wait()
            pltpu.async_copy(buf0, acc_sh.at[didx.at[q]], ssem0, add=True)

            @pl.when(t > 0)
            def _():
                pltpu.make_async_copy(buf1, acc_sh.at[didx.at[0]], ssem1).wait()

            pltpu.async_copy(g_hbm.at[sidx.at[q + 1]], buf1, gsem1)

            pltpu.make_async_copy(dummy, buf1, gsem1).wait()
            pltpu.async_copy(buf1, acc_sh.at[didx.at[q + 1]], ssem1, add=True)

            @pl.when(t < _GC // 2 - 1)
            def _():
                pltpu.make_async_copy(buf0, acc_sh.at[didx.at[0]], ssem0).wait()
                pltpu.async_copy(g_hbm.at[sidx.at[q + 2]], buf0, gsem0)

            return carry

        lax.fori_loop(0, _GC // 2, body, 0)

    pltpu.make_async_copy(buf0, acc_sh.at[didx.at[0]], ssem0).wait()
    pltpu.make_async_copy(buf1, acc_sh.at[didx.at[0]], ssem1).wait()
    plsc.subcore_barrier()

    @pl.when(c == 0)
    def _():
        pltpu.sync_copy(acc_sh.at[pl.ds(s * _RPT, _RPT)], out0.at[pl.ds(s * _RPT, _RPT)])

    @pl.when(c == 1)
    def _():
        pltpu.sync_copy(acc_sh.at[pl.ds(s * _RPT, _RPT)], out1.at[pl.ds(s * _RPT, _RPT)])


@functools.partial(
    pl.kernel,
    out_type=(
        jax.ShapeDtypeStruct((_NPAD, _D), jnp.float32),
        jax.ShapeDtypeStruct((_NPAD, _D), jnp.float32),
    ),
    mesh=_mesh,
    scratch_types=[
        pltpu.VMEM((_GC, _CK), jnp.int32),
        pltpu.VMEM((_GC, _CK), jnp.int32),
        pltpu.VMEM((2, _CK, _D), jnp.float32),
        pltpu.VMEM_SHARED((_NPAD, _D), jnp.float32),
        pltpu.SemaphoreType.DMA,
        pltpu.SemaphoreType.DMA,
        pltpu.SemaphoreType.DMA,
        pltpu.SemaphoreType.DMA,
    ],
)
def _sc_seg(*refs):
    _sc_seg_body(*refs)


def _tc_prep_body(deg0_ref, deg1_ref, x_ref, dinv_ref, g_ref):
    d = deg0_ref[...] + deg1_ref[...] + 1.0
    dcol = lax.rsqrt(d)[:, None]
    dinv_ref[...] = dcol
    g_ref[...] = dcol * x_ref[...]


def _tc_prep(deg0, deg1, x_pad):
    grid = _NPAD // _BN
    return pl.pallas_call(
        _tc_prep_body,
        grid=(grid,),
        in_specs=[
            pl.BlockSpec((_BN,), lambda i: (i,)),
            pl.BlockSpec((_BN,), lambda i: (i,)),
            pl.BlockSpec((_BN, _D), lambda i: (i, 0)),
        ],
        out_specs=[
            pl.BlockSpec((_BN, 1), lambda i: (i, 0)),
            pl.BlockSpec((_BN, _D), lambda i: (i, 0)),
        ],
        out_shape=[
            jax.ShapeDtypeStruct((_NPAD, 1), jnp.float32),
            jax.ShapeDtypeStruct((_NPAD, _D), jnp.float32),
        ],
    )(deg0, deg1, x_pad)


def _tc_mid_body(acc0_ref, acc1_ref, g_ref, dinv_ref, w_ref, b_ref, out_ref):
    dcol = dinv_ref[...]
    agg = dcol * (acc0_ref[...] + acc1_ref[...] + g_ref[...])
    h = jnp.dot(agg, w_ref[...], preferred_element_type=jnp.float32) + b_ref[...]
    out_ref[...] = dcol * jnp.maximum(h, 0.0)


def _tc_mid(acc0, acc1, g, dinv, w1t, b1r):
    grid = _NPAD // _BN
    return pl.pallas_call(
        _tc_mid_body,
        grid=(grid,),
        in_specs=[
            pl.BlockSpec((_BN, _D), lambda i: (i, 0)),
            pl.BlockSpec((_BN, _D), lambda i: (i, 0)),
            pl.BlockSpec((_BN, _D), lambda i: (i, 0)),
            pl.BlockSpec((_BN, 1), lambda i: (i, 0)),
            pl.BlockSpec((_D, _D), lambda i: (0, 0)),
            pl.BlockSpec((1, _D), lambda i: (0, 0)),
        ],
        out_specs=pl.BlockSpec((_BN, _D), lambda i: (i, 0)),
        out_shape=jax.ShapeDtypeStruct((_NPAD, _D), jnp.float32),
    )(acc0, acc1, g, dinv, w1t, b1r)


def _tc_final_body(acc0_ref, acc1_ref, g_ref, dinv_ref, w2_ref, b2_ref, w3_ref, b3_ref, out_ref):
    agg = dinv_ref[...] * (acc0_ref[...] + acc1_ref[...] + g_ref[...])
    h = jnp.dot(agg, w2_ref[...], preferred_element_type=jnp.float32) + b2_ref[...]
    h = jnp.maximum(h, 0.0)
    out_ref[...] = jnp.dot(h, w3_ref[...], preferred_element_type=jnp.float32) + b3_ref[...]


def _tc_final(acc0, acc1, g, dinv, w2t, b2r, w3t, b3r):
    grid = _NPAD // _BN
    cpad = w3t.shape[1]
    return pl.pallas_call(
        _tc_final_body,
        grid=(grid,),
        in_specs=[
            pl.BlockSpec((_BN, _D), lambda i: (i, 0)),
            pl.BlockSpec((_BN, _D), lambda i: (i, 0)),
            pl.BlockSpec((_BN, _D), lambda i: (i, 0)),
            pl.BlockSpec((_BN, 1), lambda i: (i, 0)),
            pl.BlockSpec((_D, _D), lambda i: (0, 0)),
            pl.BlockSpec((1, _D), lambda i: (0, 0)),
            pl.BlockSpec((_D, cpad), lambda i: (0, 0)),
            pl.BlockSpec((1, cpad), lambda i: (0, 0)),
        ],
        out_specs=pl.BlockSpec((_BN, cpad), lambda i: (i, 0)),
        out_shape=jax.ShapeDtypeStruct((_NPAD, cpad), jnp.float32),
    )(acc0, acc1, g, dinv, w2t, b2r, w3t, b3r)


def kernel(x, edge_index, W1, b1, W2, b2, W3, b3):
    n, d = x.shape
    e = edge_index.shape[1]
    cpad = 48

    x_pad = jnp.zeros((_NPAD, _D), jnp.float32).at[:n].set(x)
    pad = _N + (jnp.arange(_EPAD - e, dtype=jnp.int32) % (_NPAD - _N))
    src = jnp.concatenate([edge_index[0].astype(jnp.int32), pad])
    dst = jnp.concatenate([edge_index[1].astype(jnp.int32), pad])
    src2d = src.reshape(_W * _CW, _CK)
    dst2d = dst.reshape(_W * _CW, _CK)

    w1t = W1.T
    w2t = W2.T
    w3t = jnp.zeros((_D, cpad), jnp.float32).at[:, : W3.shape[0]].set(W3.T)
    b1r = b1.reshape(1, _D)
    b2r = b2.reshape(1, _D)
    b3r = jnp.zeros((1, cpad), jnp.float32).at[0, : W3.shape[0]].set(b3)

    deg0, deg1 = _sc_deg(dst2d)
    dinv, g1 = _tc_prep(deg0, deg1, x_pad)
    a10, a11 = _sc_seg(g1, src2d, dst2d)
    g2 = _tc_mid(a10, a11, g1, dinv, w1t, b1r)
    a20, a21 = _sc_seg(g2, src2d, dst2d)
    outp = _tc_final(a20, a21, g2, dinv, w2t, b2r, w3t, b3r)
    return outp[:n, : W3.shape[0]]

# --- scband reference (transcript-rebuilt; emitter-appended) ---
"""Pipeline reference for scband-sgcmodel-61538291417128 (READ-ONLY COPY).

The authoritative reference and input builder live on the scoring server;
editing this copy changes nothing except your own understanding.
"""

import jax, jax.numpy as jnp
import numpy as np

N = 10000
E = 320000
D = 128
H1 = 128
H2 = 128
C = 40


def setup_inputs(seed: int = 0) -> dict:
    key = jax.random.key(seed)
    ks = jax.random.split(key, 8)
    x = jax.random.normal(ks[0], (N, D), dtype=jnp.float32)
    edge_index = jax.random.randint(ks[1], (2, E), 0, N, dtype=jnp.int32)
    s1 = 1.0 / np.sqrt(D)
    W1 = jax.random.uniform(ks[2], (H1, D), minval=-s1, maxval=s1, dtype=jnp.float32)
    b1 = jax.random.uniform(ks[3], (H1,), minval=-s1, maxval=s1, dtype=jnp.float32)
    s2 = 1.0 / np.sqrt(H1)
    W2 = jax.random.uniform(ks[4], (H2, H1), minval=-s2, maxval=s2, dtype=jnp.float32)
    b2 = jax.random.uniform(ks[5], (H2,), minval=-s2, maxval=s2, dtype=jnp.float32)
    s3 = 1.0 / np.sqrt(H2)
    W3 = jax.random.uniform(ks[6], (C, H2), minval=-s3, maxval=s3, dtype=jnp.float32)
    b3 = jax.random.uniform(ks[7], (C,), minval=-s3, maxval=s3, dtype=jnp.float32)
    return {"x": x, "edge_index": edge_index, "W1": W1, "b1": b1, "W2": W2, "b2": b2, "W3": W3, "b3": b3}


def _sgconv(h, edge_index, W, b):
    # SGConv with K=1: gcn_norm (add self loops, symmetric normalization), propagate, then linear
    n = h.shape[0]
    loop = jnp.arange(n, dtype=edge_index.dtype)
    src = jnp.concatenate([edge_index[0], loop])
    dst = jnp.concatenate([edge_index[1], loop])
    deg = jnp.zeros((n,), dtype=h.dtype).at[dst].add(1.0)
    dinv = jnp.where(deg > 0, 1.0 / jnp.sqrt(deg), 0.0)
    norm = dinv[src] * dinv[dst]
    msg = h[src] * norm[:, None]
    agg = jnp.zeros((n, h.shape[1]), dtype=h.dtype).at[dst].add(msg)
    return agg @ W.T + b


def reference(x, edge_index, W1, b1, W2, b2, W3, b3):
    h = jax.nn.relu(_sgconv(x, edge_index, W1, b1))
    # dropout is identity in eval mode
    h = jax.nn.relu(_sgconv(h, edge_index, W2, b2))
    out = h @ W3.T + b3
    return out

if __name__ == "__main__":
    import jax
    _d = setup_inputs()
    print(jax.jit(kernel)(*tuple(_d.values())))

</pallas_src>

<mosaic_0001>
#map = affine_map<(d0, d1) -> (0, 0)>
module attributes {stable_mosaic.version = 14 : i64} {
  func.func @_sc_seg(%arg0: i32, %arg1: i32, %arg2: memref<10240x128xf32, #tpu.memory_space<hbm>>, %arg3: memref<2560x128xi32, #tpu.memory_space<hbm>>, %arg4: memref<2560x128xi32, #tpu.memory_space<hbm>>, %arg5: memref<10240x128xf32, #tpu.memory_space<hbm>>, %arg6: memref<10240x128xf32, #tpu.memory_space<hbm>>, %arg7: memref<40x128xi32, #tpu.memory_space<vmem>>, %arg8: memref<40x128xi32, #tpu.memory_space<vmem>>, %arg9: memref<2x128x128xf32, #tpu.memory_space<vmem>>, %arg10: memref<10240x128xf32, #tpu.memory_space<vmem_shared>>, %arg11: memref<!tpu.dma_semaphore, #tpu.memory_space<semaphore_mem>>, %arg12: memref<!tpu.dma_semaphore, #tpu.memory_space<semaphore_mem>>, %arg13: memref<!tpu.dma_semaphore, #tpu.memory_space<semaphore_mem>>, %arg14: memref<!tpu.dma_semaphore, #tpu.memory_space<semaphore_mem>>) attributes {dimension_semantics = [#tpu.dimension_semantics<core_parallel>, #tpu.dimension_semantics<subcore_parallel>], iteration_bounds = array<i64: 2, 16>, scalar_prefetch = 0 : i64, scratch_operands = 8 : i64, tpu.core_type = #tpu.core_type<sc_vector_subcore>, window_params = [{transform_indices = #map}, {transform_indices = #map}, {transform_indices = #map}, {transform_indices = #map}, {transform_indices = #map}]} {
    %mul3A = arith.constant 16 : i32
    %mul3A_0 = arith.muli %arg0, %mul3A : i32
    %add3A = arith.addi %mul3A_0, %arg1 : i32
    %scan3A = arith.constant 0 : i32
    %scan3A_1 = arith.constant 0 : i32
    %scan3A_2 = arith.constant 1024 : i32
    %scan3A_3 = arith.addi %scan3A_1, %scan3A_2 : i32
    %scan3A_4 = arith.constant 1 : i32
    scf.for %scan3A_132 = %scan3A_1 to %scan3A_3 step %scan3A_4  : i32 {
      %broadcast_in_dim3A = arith.constant 0.000000e+00 : f32
      %broadcast_in_dim3A_133 = vector.broadcast %broadcast_in_dim3A : f32 to vector<16xf32>
      %jit3A = arith.constant 8 : i32
      %div3A = arith.divsi %scan3A_132, %jit3A : i32
      %sign3A = arith.constant 0 : i32
      %sign3A_134 = arith.cmpi sgt, %scan3A_132, %sign3A : i32
      %sign3A_135 = arith.extui %sign3A_134 : i1 to i32
      %sign3A_136 = arith.constant 0 : i32
      %sign3A_137 = arith.cmpi slt, %scan3A_132, %sign3A_136 : i32
      %sign3A_138 = arith.extui %sign3A_137 : i1 to i32
      %sign3A_139 = arith.subi %sign3A_135, %sign3A_138 : i32
      %sign3A_140 = arith.constant 0 : i32
      %sign3A_141 = arith.cmpi sgt, %jit3A, %sign3A_140 : i32
      %sign3A_142 = arith.extui %sign3A_141 : i1 to i32
      %sign3A_143 = arith.constant 0 : i32
      %sign3A_144 = arith.cmpi slt, %jit3A, %sign3A_143 : i32
      %sign3A_145 = arith.extui %sign3A_144 : i1 to i32
      %sign3A_146 = arith.subi %sign3A_142, %sign3A_145 : i32
      %ne3A = arith.cmpi ne, %sign3A_139, %sign3A_146 : i32
      %rem3A = arith.remsi %scan3A_132, %jit3A : i32
      %ne3A_147 = arith.constant 0 : i32
      %ne3A_148 = arith.cmpi ne, %rem3A, %ne3A_147 : i32
      %and3A = arith.andi %ne3A, %ne3A_148 : i1
      %sub3A = arith.constant 1 : i32
      %sub3A_149 = arith.subi %div3A, %sub3A : i32
      %select_n3A = arith.select %and3A, %sub3A_149, %div3A : i32
      %jit3A_150 = arith.constant 8 : i32
      %eq3A_151 = arith.constant 0 : i32
      %eq3A_152 = arith.cmpi eq, %jit3A_150, %eq3A_151 : i32
      %jit3A_153 = arith.constant 1 : i32
      %select_n3A_154 = arith.select %eq3A_152, %jit3A_153, %jit3A_150 : i32
      %rem3A_155 = arith.remsi %scan3A_132, %select_n3A_154 : i32
      %ne3A_156 = arith.constant 0 : i32
      %ne3A_157 = arith.cmpi ne, %rem3A_155, %ne3A_156 : i32
      %lt3A = arith.constant 0 : i32
      %lt3A_158 = arith.cmpi slt, %rem3A_155, %lt3A : i32
      %lt3A_159 = arith.constant 0 : i32
      %lt3A_160 = arith.cmpi slt, %select_n3A_154, %lt3A_159 : i32
      %ne3A_161 = arith.xori %lt3A_158, %lt3A_160 : i1
      %and3A_162 = arith.andi %ne3A_161, %ne3A_157 : i1
      %add3A_163 = arith.addi %rem3A_155, %select_n3A_154 : i32
      %select_n3A_164 = arith.select %and3A_162, %add3A_163, %rem3A_155 : i32
      %mul3A_165 = arith.constant 16 : i32
      %mul3A_166 = arith.muli %select_n3A_164, %mul3A_165 : i32
      %swap3A = arith.constant 0 : i32
      %swap3A_167 = arith.index_cast %swap3A : i32 to index
      %swap3A_168 = arith.index_cast %select_n3A : i32 to index
      %swap3A_169 = arith.index_cast %mul3A_166 : i32 to index
      %swap3A_170 = tpu.vector_load %arg9[%swap3A_167, %swap3A_168, %swap3A_169] {strides = array<i32>} : memref<2x128x128xf32, #tpu.memory_space<vmem>>, vector<1x1x16xf32>,
      %swap3A_171 = vector.shape_cast %swap3A_170 : vector<1x1x16xf32> to vector<16xf32>
      %swap3A_172 = vector.shape_cast %broadcast_in_dim3A_133 : vector<16xf32> to vector<1x1x16xf32>
      tpu.vector_store %arg9[%swap3A_167, %swap3A_168, %swap3A_169], %swap3A_172 {strides = array<i32>} : memref<2x128x128xf32, #tpu.memory_space<vmem>>, vector<1x1x16xf32>,
    }
    %scan3A_5 = arith.constant 1024 : i32
    %mul3A_6 = arith.constant 640 : i32
    %mul3A_7 = arith.muli %arg1, %mul3A_6 : i32
    %add3A_8 = arith.constant 0 : i32
    %add3A_9 = arith.addi %mul3A_7, %add3A_8 : i32
    %run_scoped3A = arith.constant 0 : i32
    "tpu.region"() ({
      %run_scoped3A_132 = tpu.sem_alloc : memref<!tpu.dma_semaphore, #tpu.memory_space<semaphore_mem>>
      %dma_start3A_133 = arith.constant 0 : i32
      %dma_start3A_134 = arith.constant 0 : i32
      %dma_start3A_135 = tpu.memref_slice %arg9[%run_scoped3A, %dma_start3A_133, %dma_start3A_134] : memref<2x128x128xf32, #tpu.memory_space<vmem>> -> memref<1x128x128xf32, #tpu.memory_space<vmem>>
      %dma_start3A_136 = tpu.memref_squeeze %dma_start3A_135 : memref<1x128x128xf32, #tpu.memory_space<vmem>> -> memref<128x128xf32, #tpu.memory_space<vmem>>
      %dma_start3A_137 = arith.constant 0 : i32
      %dma_start3A_138 = tpu.memref_slice %arg10[%add3A_9, %dma_start3A_137] : memref<10240x128xf32, #tpu.memory_space<vmem_shared>> -> memref<128x128xf32, #tpu.memory_space<vmem_shared>>
      %dma_start3A_139 = arith.constant 0 : i32
      %dma_start3A_140 = tpu.memref_slice %arg10[%add3A_9, %dma_start3A_139] : memref<10240x128xf32, #tpu.memory_space<vmem_shared>> -> memref<128x128xf32, #tpu.memory_space<vmem_shared>>
      %dma_start3A_141 = arith.constant 0 : i32
      %dma_start3A_142 = arith.constant 0 : i32
      %dma_start3A_143 = tpu.memref_slice %arg9[%run_scoped3A, %dma_start3A_141, %dma_start3A_142] : memref<2x128x128xf32, #tpu.memory_space<vmem>> -> memref<1x128x128xf32, #tpu.memory_space<vmem>>
      %dma_start3A_144 = tpu.memref_squeeze %dma_start3A_143 : memref<1x128x128xf32, #tpu.memory_space<vmem>> -> memref<128x128xf32, #tpu.memory_space<vmem>>
      tpu.enqueue_dma source(%dma_start3A_144 : memref<128x128xf32, #tpu.memory_space<vmem>>) target(%dma_start3A_140 : memref<128x128xf32, #tpu.memory_space<vmem_shared>>) target_semaphore(%run_scoped3A_132 : memref<!tpu.dma_semaphore, #tpu.memory_space<semaphore_mem>>)
      %dma_wait3A_145 = arith.constant 0 : i32
      %dma_wait3A_146 = arith.constant 0 : i32
      %dma_wait3A_147 = tpu.memref_slice %arg9[%run_scoped3A, %dma_wait3A_145, %dma_wait3A_146] : memref<2x128x128xf32, #tpu.memory_space<vmem>> -> memref<1x128x128xf32, #tpu.memory_space<vmem>>
      %dma_wait3A_148 = tpu.memref_squeeze %dma_wait3A_147 : memref<1x128x128xf32, #tpu.memory_space<vmem>> -> memref<128x128xf32, #tpu.memory_space<vmem>>
      %dma_wait3A_149 = arith.constant 0 : i32
      %dma_wait3A_150 = tpu.memref_slice %arg10[%add3A_9, %dma_wait3A_149] : memref<10240x128xf32, #tpu.memory_space<vmem_shared>> -> memref<128x128xf32, #tpu.memory_space<vmem_shared>>
      %dma_wait3A_151 = arith.constant 0 : i32
      %dma_wait3A_152 = tpu.memref_slice %arg10[%add3A_9, %dma_wait3A_151] : memref<10240x128xf32, #tpu.memory_space<vmem_shared>> -> memref<128x128xf32, #tpu.memory_space<vmem_shared>>
      %dma_wait3A_153 = arith.constant 0 : i32
      %dma_wait3A_154 = arith.constant 0 : i32
      %dma_wait3A_155 = tpu.memref_slice %arg9[%run_scoped3A, %dma_wait3A_153, %dma_wait3A_154] : memref<2x128x128xf32, #tpu.memory_space<vmem>> -> memref<1x128x128xf32, #tpu.memory_space<vmem>>
      %dma_wait3A_156 = tpu.memref_squeeze %dma_wait3A_155 : memref<1x128x128xf32, #tpu.memory_space<vmem>> -> memref<128x128xf32, #tpu.memory_space<vmem>>
      tpu.wait_dma2 semaphore(%run_scoped3A_132 : memref<!tpu.dma_semaphore, #tpu.memory_space<semaphore_mem>>) src(%dma_wait3A_156 : memref<128x128xf32, #tpu.memory_space<vmem>>) dst(%dma_wait3A_152 : memref<128x128xf32, #tpu.memory_space<vmem_shared>>)
      tpu.yield
    }) : () -> ()
    %mul3A_10 = arith.constant 640 : i32
    %mul3A_11 = arith.muli %arg1, %mul3A_10 : i32
    %add3A_12 = arith.constant 128 : i32
    %add3A_13 = arith.addi %mul3A_11, %add3A_12 : i32
    %run_scoped3A_14 = arith.constant 0 : i32
    "tpu.region"() ({
      %run_scoped3A_132 = tpu.sem_alloc : memref<!tpu.dma_semaphore, #tpu.memory_space<semaphore_mem>>
      %dma_start3A_133 = arith.constant 0 : i32
      %dma_start3A_134 = arith.constant 0 : i32
      %dma_start3A_135 = tpu.memref_slice %arg9[%run_scoped3A_14, %dma_start3A_133, %dma_start3A_134] : memref<2x128x128xf32, #tpu.memory_space<vmem>> -> memref<1x128x128xf32, #tpu.memory_space<vmem>>
      %dma_start3A_136 = tpu.memref_squeeze %dma_start3A_135 : memref<1x128x128xf32, #tpu.memory_space<vmem>> -> memref<128x128xf32, #tpu.memory_space<vmem>>
      %dma_start3A_137 = arith.constant 0 : i32
      %dma_start3A_138 = tpu.memref_slice %arg10[%add3A_13, %dma_start3A_137] : memref<10240x128xf32, #tpu.memory_space<vmem_shared>> -> memref<128x128xf32, #tpu.memory_space<vmem_shared>>
      %dma_start3A_139 = arith.constant 0 : i32
      %dma_start3A_140 = tpu.memref_slice %arg10[%add3A_13, %dma_start3A_139] : memref<10240x128xf32, #tpu.memory_space<vmem_shared>> -> memref<128x128xf32, #tpu.memory_space<vmem_shared>>
      %dma_start3A_141 = arith.constant 0 : i32
      %dma_start3A_142 = arith.constant 0 : i32
      %dma_start3A_143 = tpu.memref_slice %arg9[%run_scoped3A_14, %dma_start3A_141, %dma_start3A_142] : memref<2x128x128xf32, #tpu.memory_space<vmem>> -> memref<1x128x128xf32, #tpu.memory_space<vmem>>
      %dma_start3A_144 = tpu.memref_squeeze %dma_start3A_143 : memref<1x128x128xf32, #tpu.memory_space<vmem>> -> memref<128x128xf32, #tpu.memory_space<vmem>>
      tpu.enqueue_dma source(%dma_start3A_144 : memref<128x128xf32, #tpu.memory_space<vmem>>) target(%dma_start3A_140 : memref<128x128xf32, #tpu.memory_space<vmem_shared>>) target_semaphore(%run_scoped3A_132 : memref<!tpu.dma_semaphore, #tpu.memory_space<semaphore_mem>>)
      %dma_wait3A_145 = arith.constant 0 : i32
      %dma_wait3A_146 = arith.constant 0 : i32
      %dma_wait3A_147 = tpu.memref_slice %arg9[%run_scoped3A_14, %dma_wait3A_145, %dma_wait3A_146] : memref<2x128x128xf32, #tpu.memory_space<vmem>> -> memref<1x128x128xf32, #tpu.memory_space<vmem>>
      %dma_wait3A_148 = tpu.memref_squeeze %dma_wait3A_147 : memref<1x128x128xf32, #tpu.memory_space<vmem>> -> memref<128x128xf32, #tpu.memory_space<vmem>>
      %dma_wait3A_149 = arith.constant 0 : i32
      %dma_wait3A_150 = tpu.memref_slice %arg10[%add3A_13, %dma_wait3A_149] : memref<10240x128xf32, #tpu.memory_space<vmem_shared>> -> memref<128x128xf32, #tpu.memory_space<vmem_shared>>
      %dma_wait3A_151 = arith.constant 0 : i32
      %dma_wait3A_152 = tpu.memref_slice %arg10[%add3A_13, %dma_wait3A_151] : memref<10240x128xf32, #tpu.memory_space<vmem_shared>> -> memref<128x128xf32, #tpu.memory_space<vmem_shared>>
      %dma_wait3A_153 = arith.constant 0 : i32
      %dma_wait3A_154 = arith.constant 0 : i32
      %dma_wait3A_155 = tpu.memref_slice %arg9[%run_scoped3A_14, %dma_wait3A_153, %dma_wait3A_154] : memref<2x128x128xf32, #tpu.memory_space<vmem>> -> memref<1x128x128xf32, #tpu.memory_space<vmem>>
      %dma_wait3A_156 = tpu.memref_squeeze %dma_wait3A_155 : memref<1x128x128xf32, #tpu.memory_space<vmem>> -> memref<128x128xf32, #tpu.memory_space<vmem>>
      tpu.wait_dma2 semaphore(%run_scoped3A_132 : memref<!tpu.dma_semaphore, #tpu.memory_space<semaphore_mem>>) src(%dma_wait3A_156 : memref<128x128xf32, #tpu.memory_space<vmem>>) dst(%dma_wait3A_152 : memref<128x128xf32, #tpu.memory_space<vmem_shared>>)
      tpu.yield
    }) : () -> ()
    %mul3A_15 = arith.constant 640 : i32
    %mul3A_16 = arith.muli %arg1, %mul3A_15 : i32
    %add3A_17 = arith.constant 256 : i32
    %add3A_18 = arith.addi %mul3A_16, %add3A_17 : i32
    %run_scoped3A_19 = arith.constant 0 : i32
    "tpu.region"() ({
      %run_scoped3A_132 = tpu.sem_alloc : memref<!tpu.dma_semaphore, #tpu.memory_space<semaphore_mem>>
      %dma_start3A_133 = arith.constant 0 : i32
      %dma_start3A_134 = arith.constant 0 : i32
      %dma_start3A_135 = tpu.memref_slice %arg9[%run_scoped3A_19, %dma_start3A_133, %dma_start3A_134] : memref<2x128x128xf32, #tpu.memory_space<vmem>> -> memref<1x128x128xf32, #tpu.memory_space<vmem>>
      %dma_start3A_136 = tpu.memref_squeeze %dma_start3A_135 : memref<1x128x128xf32, #tpu.memory_space<vmem>> -> memref<128x128xf32, #tpu.memory_space<vmem>>
      %dma_start3A_137 = arith.constant 0 : i32
      %dma_start3A_138 = tpu.memref_slice %arg10[%add3A_18, %dma_start3A_137] : memref<10240x128xf32, #tpu.memory_space<vmem_shared>> -> memref<128x128xf32, #tpu.memory_space<vmem_shared>>
      %dma_start3A_139 = arith.constant 0 : i32
      %dma_start3A_140 = tpu.memref_slice %arg10[%add3A_18, %dma_start3A_139] : memref<10240x128xf32, #tpu.memory_space<vmem_shared>> -> memref<128x128xf32, #tpu.memory_space<vmem_shared>>
      %dma_start3A_141 = arith.constant 0 : i32
      %dma_start3A_142 = arith.constant 0 : i32
      %dma_start3A_143 = tpu.memref_slice %arg9[%run_scoped3A_19, %dma_start3A_141, %dma_start3A_142] : memref<2x128x128xf32, #tpu.memory_space<vmem>> -> memref<1x128x128xf32, #tpu.memory_space<vmem>>
      %dma_start3A_144 = tpu.memref_squeeze %dma_start3A_143 : memref<1x128x128xf32, #tpu.memory_space<vmem>> -> memref<128x128xf32, #tpu.memory_space<vmem>>
      tpu.enqueue_dma source(%dma_start3A_144 : memref<128x128xf32, #tpu.memory_space<vmem>>) target(%dma_start3A_140 : memref<128x128xf32, #tpu.memory_space<vmem_shared>>) target_semaphore(%run_scoped3A_132 : memref<!tpu.dma_semaphore, #tpu.memory_space<semaphore_mem>>)
      %dma_wait3A_145 = arith.constant 0 : i32
      %dma_wait3A_146 = arith.constant 0 : i32
      %dma_wait3A_147 = tpu.memref_slice %arg9[%run_scoped3A_19, %dma_wait3A_145, %dma_wait3A_146] : memref<2x128x128xf32, #tpu.memory_space<vmem>> -> memref<1x128x128xf32, #tpu.memory_space<vmem>>
      %dma_wait3A_148 = tpu.memref_squeeze %dma_wait3A_147 : memref<1x128x128xf32, #tpu.memory_space<vmem>> -> memref<128x128xf32, #tpu.memory_space<vmem>>
      %dma_wait3A_149 = arith.constant 0 : i32
      %dma_wait3A_150 = tpu.memref_slice %arg10[%add3A_18, %dma_wait3A_149] : memref<10240x128xf32, #tpu.memory_space<vmem_shared>> -> memref<128x128xf32, #tpu.memory_space<vmem_shared>>
      %dma_wait3A_151 = arith.constant 0 : i32
      %dma_wait3A_152 = tpu.memref_slice %arg10[%add3A_18, %dma_wait3A_151] : memref<10240x128xf32, #tpu.memory_space<vmem_shared>> -> memref<128x128xf32, #tpu.memory_space<vmem_shared>>
      %dma_wait3A_153 = arith.constant 0 : i32
      %dma_wait3A_154 = arith.constant 0 : i32
      %dma_wait3A_155 = tpu.memref_slice %arg9[%run_scoped3A_19, %dma_wait3A_153, %dma_wait3A_154] : memref<2x128x128xf32, #tpu.memory_space<vmem>> -> memref<1x128x128xf32, #tpu.memory_space<vmem>>
      %dma_wait3A_156 = tpu.memref_squeeze %dma_wait3A_155 : memref<1x128x128xf32, #tpu.memory_space<vmem>> -> memref<128x128xf32, #tpu.memory_space<vmem>>
      tpu.wait_dma2 semaphore(%run_scoped3A_132 : memref<!tpu.dma_semaphore, #tpu.memory_space<semaphore_mem>>) src(%dma_wait3A_156 : memref<128x128xf32, #tpu.memory_space<vmem>>) dst(%dma_wait3A_152 : memref<128x128xf32, #tpu.memory_space<vmem_shared>>)
      tpu.yield
    }) : () -> ()
    %mul3A_20 = arith.constant 640 : i32
    %mul3A_21 = arith.muli %arg1, %mul3A_20 : i32
    %add3A_22 = arith.constant 384 : i32
    %add3A_23 = arith.addi %mul3A_21, %add3A_22 : i32
    %run_scoped3A_24 = arith.constant 0 : i32
    "tpu.region"() ({
      %run_scoped3A_132 = tpu.sem_alloc : memref<!tpu.dma_semaphore, #tpu.memory_space<semaphore_mem>>
      %dma_start3A_133 = arith.constant 0 : i32
      %dma_start3A_134 = arith.constant 0 : i32
      %dma_start3A_135 = tpu.memref_slice %arg9[%run_scoped3A_24, %dma_start3A_133, %dma_start3A_134] : memref<2x128x128xf32, #tpu.memory_space<vmem>> -> memref<1x128x128xf32, #tpu.memory_space<vmem>>
      %dma_start3A_136 = tpu.memref_squeeze %dma_start3A_135 : memref<1x128x128xf32, #tpu.memory_space<vmem>> -> memref<128x128xf32, #tpu.memory_space<vmem>>
      %dma_start3A_137 = arith.constant 0 : i32
      %dma_start3A_138 = tpu.memref_slice %arg10[%add3A_23, %dma_start3A_137] : memref<10240x128xf32, #tpu.memory_space<vmem_shared>> -> memref<128x128xf32, #tpu.memory_space<vmem_shared>>
      %dma_start3A_139 = arith.constant 0 : i32
      %dma_start3A_140 = tpu.memref_slice %arg10[%add3A_23, %dma_start3A_139] : memref<10240x128xf32, #tpu.memory_space<vmem_shared>> -> memref<128x128xf32, #tpu.memory_space<vmem_shared>>
      %dma_start3A_141 = arith.constant 0 : i32
      %dma_start3A_142 = arith.constant 0 : i32
      %dma_start3A_143 = tpu.memref_slice %arg9[%run_scoped3A_24, %dma_start3A_141, %dma_start3A_142] : memref<2x128x128xf32, #tpu.memory_space<vmem>> -> memref<1x128x128xf32, #tpu.memory_space<vmem>>
      %dma_start3A_144 = tpu.memref_squeeze %dma_start3A_143 : memref<1x128x128xf32, #tpu.memory_space<vmem>> -> memref<128x128xf32, #tpu.memory_space<vmem>>
      tpu.enqueue_dma source(%dma_start3A_144 : memref<128x128xf32, #tpu.memory_space<vmem>>) target(%dma_start3A_140 : memref<128x128xf32, #tpu.memory_space<vmem_shared>>) target_semaphore(%run_scoped3A_132 : memref<!tpu.dma_semaphore, #tpu.memory_space<semaphore_mem>>)
      %dma_wait3A_145 = arith.constant 0 : i32
      %dma_wait3A_146 = arith.constant 0 : i32
      %dma_wait3A_147 = tpu.memref_slice %arg9[%run_scoped3A_24, %dma_wait3A_145, %dma_wait3A_146] : memref<2x128x128xf32, #tpu.memory_space<vmem>> -> memref<1x128x128xf32, #tpu.memory_space<vmem>>
      %dma_wait3A_148 = tpu.memref_squeeze %dma_wait3A_147 : memref<1x128x128xf32, #tpu.memory_space<vmem>> -> memref<128x128xf32, #tpu.memory_space<vmem>>
      %dma_wait3A_149 = arith.constant 0 : i32
      %dma_wait3A_150 = tpu.memref_slice %arg10[%add3A_23, %dma_wait3A_149] : memref<10240x128xf32, #tpu.memory_space<vmem_shared>> -> memref<128x128xf32, #tpu.memory_space<vmem_shared>>
      %dma_wait3A_151 = arith.constant 0 : i32
      %dma_wait3A_152 = tpu.memref_slice %arg10[%add3A_23, %dma_wait3A_151] : memref<10240x128xf32, #tpu.memory_space<vmem_shared>> -> memref<128x128xf32, #tpu.memory_space<vmem_shared>>
      %dma_wait3A_153 = arith.constant 0 : i32
      %dma_wait3A_154 = arith.constant 0 : i32
      %dma_wait3A_155 = tpu.memref_slice %arg9[%run_scoped3A_24, %dma_wait3A_153, %dma_wait3A_154] : memref<2x128x128xf32, #tpu.memory_space<vmem>> -> memref<1x128x128xf32, #tpu.memory_space<vmem>>
      %dma_wait3A_156 = tpu.memref_squeeze %dma_wait3A_155 : memref<1x128x128xf32, #tpu.memory_space<vmem>> -> memref<128x128xf32, #tpu.memory_space<vmem>>
      tpu.wait_dma2 semaphore(%run_scoped3A_132 : memref<!tpu.dma_semaphore, #tpu.memory_space<semaphore_mem>>) src(%dma_wait3A_156 : memref<128x128xf32, #tpu.memory_space<vmem>>) dst(%dma_wait3A_152 : memref<128x128xf32, #tpu.memory_space<vmem_shared>>)
      tpu.yield
    }) : () -> ()
    %mul3A_25 = arith.constant 640 : i32
    %mul3A_26 = arith.muli %arg1, %mul3A_25 : i32
    %add3A_27 = arith.constant 512 : i32
    %add3A_28 = arith.addi %mul3A_26, %add3A_27 : i32
    %run_scoped3A_29 = arith.constant 0 : i32
    "tpu.region"() ({
      %run_scoped3A_132 = tpu.sem_alloc : memref<!tpu.dma_semaphore, #tpu.memory_space<semaphore_mem>>
      %dma_start3A_133 = arith.constant 0 : i32
      %dma_start3A_134 = arith.constant 0 : i32
      %dma_start3A_135 = tpu.memref_slice %arg9[%run_scoped3A_29, %dma_start3A_133, %dma_start3A_134] : memref<2x128x128xf32, #tpu.memory_space<vmem>> -> memref<1x128x128xf32, #tpu.memory_space<vmem>>
      %dma_start3A_136 = tpu.memref_squeeze %dma_start3A_135 : memref<1x128x128xf32, #tpu.memory_space<vmem>> -> memref<128x128xf32, #tpu.memory_space<vmem>>
      %dma_start3A_137 = arith.constant 0 : i32
      %dma_start3A_138 = tpu.memref_slice %arg10[%add3A_28, %dma_start3A_137] : memref<10240x128xf32, #tpu.memory_space<vmem_shared>> -> memref<128x128xf32, #tpu.memory_space<vmem_shared>>
      %dma_start3A_139 = arith.constant 0 : i32
      %dma_start3A_140 = tpu.memref_slice %arg10[%add3A_28, %dma_start3A_139] : memref<10240x128xf32, #tpu.memory_space<vmem_shared>> -> memref<128x128xf32, #tpu.memory_space<vmem_shared>>
      %dma_start3A_141 = arith.constant 0 : i32
      %dma_start3A_142 = arith.constant 0 : i32
      %dma_start3A_143 = tpu.memref_slice %arg9[%run_scoped3A_29, %dma_start3A_141, %dma_start3A_142] : memref<2x128x128xf32, #tpu.memory_space<vmem>> -> memref<1x128x128xf32, #tpu.memory_space<vmem>>
      %dma_start3A_144 = tpu.memref_squeeze %dma_start3A_143 : memref<1x128x128xf32, #tpu.memory_space<vmem>> -> memref<128x128xf32, #tpu.memory_space<vmem>>
      tpu.enqueue_dma source(%dma_start3A_144 : memref<128x128xf32, #tpu.memory_space<vmem>>) target(%dma_start3A_140 : memref<128x128xf32, #tpu.memory_space<vmem_shared>>) target_semaphore(%run_scoped3A_132 : memref<!tpu.dma_semaphore, #tpu.memory_space<semaphore_mem>>)
      %dma_wait3A_145 = arith.constant 0 : i32
      %dma_wait3A_146 = arith.constant 0 : i32
      %dma_wait3A_147 = tpu.memref_slice %arg9[%run_scoped3A_29, %dma_wait3A_145, %dma_wait3A_146] : memref<2x128x128xf32, #tpu.memory_space<vmem>> -> memref<1x128x128xf32, #tpu.memory_space<vmem>>
      %dma_wait3A_148 = tpu.memref_squeeze %dma_wait3A_147 : memref<1x128x128xf32, #tpu.memory_space<vmem>> -> memref<128x128xf32, #tpu.memory_space<vmem>>
      %dma_wait3A_149 = arith.constant 0 : i32
      %dma_wait3A_150 = tpu.memref_slice %arg10[%add3A_28, %dma_wait3A_149] : memref<10240x128xf32, #tpu.memory_space<vmem_shared>> -> memref<128x128xf32, #tpu.memory_space<vmem_shared>>
      %dma_wait3A_151 = arith.constant 0 : i32
      %dma_wait3A_152 = tpu.memref_slice %arg10[%add3A_28, %dma_wait3A_151] : memref<10240x128xf32, #tpu.memory_space<vmem_shared>> -> memref<128x128xf32, #tpu.memory_space<vmem_shared>>
      %dma_wait3A_153 = arith.constant 0 : i32
      %dma_wait3A_154 = arith.constant 0 : i32
      %dma_wait3A_155 = tpu.memref_slice %arg9[%run_scoped3A_29, %dma_wait3A_153, %dma_wait3A_154] : memref<2x128x128xf32, #tpu.memory_space<vmem>> -> memref<1x128x128xf32, #tpu.memory_space<vmem>>
      %dma_wait3A_156 = tpu.memref_squeeze %dma_wait3A_155 : memref<1x128x128xf32, #tpu.memory_space<vmem>> -> memref<128x128xf32, #tpu.memory_space<vmem>>
      tpu.wait_dma2 semaphore(%run_scoped3A_132 : memref<!tpu.dma_semaphore, #tpu.memory_space<semaphore_mem>>) src(%dma_wait3A_156 : memref<128x128xf32, #tpu.memory_space<vmem>>) dst(%dma_wait3A_152 : memref<128x128xf32, #tpu.memory_space<vmem_shared>>)
      tpu.yield
    }) : () -> ()
    %barrier3A = arith.constant 0 : index
    tpu.barrier barrier_id(%barrier3A)
    %mul3A_30 = arith.constant 80 : i32
    %mul3A_31 = arith.muli %add3A, %mul3A_30 : i32
    %add3A_32 = arith.constant 0 : i32
    %add3A_33 = arith.addi %mul3A_31, %add3A_32 : i32
    "tpu.region"() ({
      %run_scoped3A_132 = tpu.sem_alloc : memref<!tpu.dma_semaphore, #tpu.memory_space<semaphore_mem>>
      %dma_start3A_133 = arith.constant 0 : i32
      %dma_start3A_134 = tpu.memref_slice %arg3[%add3A_33, %dma_start3A_133] : memref<2560x128xi32, #tpu.memory_space<hbm>> -> memref<40x128xi32, #tpu.memory_space<hbm>>
      %dma_start3A_135 = arith.constant 0 : i32
      %dma_start3A_136 = tpu.memref_slice %arg3[%add3A_33, %dma_start3A_135] : memref<2560x128xi32, #tpu.memory_space<hbm>> -> memref<40x128xi32, #tpu.memory_space<hbm>>
      tpu.enqueue_dma source(%dma_start3A_136 : memref<40x128xi32, #tpu.memory_space<hbm>>) target(%arg7 : memref<40x128xi32, #tpu.memory_space<vmem>>) target_semaphore(%run_scoped3A_132 : memref<!tpu.dma_semaphore, #tpu.memory_space<semaphore_mem>>)
      %dma_wait3A_137 = arith.constant 0 : i32
      %dma_wait3A_138 = tpu.memref_slice %arg3[%add3A_33, %dma_wait3A_137] : memref<2560x128xi32, #tpu.memory_space<hbm>> -> memref<40x128xi32, #tpu.memory_space<hbm>>
      %dma_wait3A_139 = arith.constant 0 : i32
      %dma_wait3A_140 = tpu.memref_slice %arg3[%add3A_33, %dma_wait3A_139] : memref<2560x128xi32, #tpu.memory_space<hbm>> -> memref<40x128xi32, #tpu.memory_space<hbm>>
      tpu.wait_dma2 semaphore(%run_scoped3A_132 : memref<!tpu.dma_semaphore, #tpu.memory_space<semaphore_mem>>) src(%dma_wait3A_140 : memref<40x128xi32, #tpu.memory_space<hbm>>) dst(%arg7 : memref<40x128xi32, #tpu.memory_space<vmem>>)
      tpu.yield
    }) : () -> ()
    "tpu.region"() ({
      %run_scoped3A_132 = tpu.sem_alloc : memref<!tpu.dma_semaphore, #tpu.memory_space<semaphore_mem>>
      %dma_start3A_133 = arith.constant 0 : i32
      %dma_start3A_134 = tpu.memref_slice %arg4[%add3A_33, %dma_start3A_133] : memref<2560x128xi32, #tpu.memory_space<hbm>> -> memref<40x128xi32, #tpu.memory_space<hbm>>
      %dma_start3A_135 = arith.constant 0 : i32
      %dma_start3A_136 = tpu.memref_slice %arg4[%add3A_33, %dma_start3A_135] : memref<2560x128xi32, #tpu.memory_space<hbm>> -> memref<40x128xi32, #tpu.memory_space<hbm>>
      tpu.enqueue_dma source(%dma_start3A_136 : memref<40x128xi32, #tpu.memory_space<hbm>>) target(%arg8 : memref<40x128xi32, #tpu.memory_space<vmem>>) target_semaphore(%run_scoped3A_132 : memref<!tpu.dma_semaphore, #tpu.memory_space<semaphore_mem>>)
      %dma_wait3A_137 = arith.constant 0 : i32
      %dma_wait3A_138 = tpu.memref_slice %arg4[%add3A_33, %dma_wait3A_137] : memref<2560x128xi32, #tpu.memory_space<hbm>> -> memref<40x128xi32, #tpu.memory_space<hbm>>
      %dma_wait3A_139 = arith.constant 0 : i32
      %dma_wait3A_140 = tpu.memref_slice %arg4[%add3A_33, %dma_wait3A_139] : memref<2560x128xi32, #tpu.memory_space<hbm>> -> memref<40x128xi32, #tpu.memory_space<hbm>>
      tpu.wait_dma2 semaphore(%run_scoped3A_132 : memref<!tpu.dma_semaphore, #tpu.memory_space<semaphore_mem>>) src(%dma_wait3A_140 : memref<40x128xi32, #tpu.memory_space<hbm>>) dst(%arg8 : memref<40x128xi32, #tpu.memory_space<vmem>>)
      tpu.yield
    }) : () -> ()
    %dma_start3A = arith.constant 0 : i32
    %dma_start3A_34 = arith.constant 0 : i32
    %dma_start3A_35 = arith.constant 0 : i32
    %dma_start3A_36 = arith.constant 0 : i32
    %dma_start3A_37 = tpu.memref_slice %arg9[%dma_start3A_34, %dma_start3A_35, %dma_start3A_36] : memref<2x128x128xf32, #tpu.memory_space<vmem>> -> memref<1x128x128xf32, #tpu.memory_space<vmem>>
    %dma_start3A_38 = tpu.memref_squeeze %dma_start3A_37 : memref<1x128x128xf32, #tpu.memory_space<vmem>> -> memref<128x128xf32, #tpu.memory_space<vmem>>
    %dma_start3A_39 = arith.constant 0 : i32
    %dma_start3A_40 = tpu.memref_slice %arg7[%dma_start3A, %dma_start3A_39] : memref<40x128xi32, #tpu.memory_space<vmem>> -> memref<1x128xi32, #tpu.memory_space<vmem>>
    %dma_start3A_41 = tpu.memref_squeeze %dma_start3A_40 : memref<1x128xi32, #tpu.memory_space<vmem>> -> memref<128xi32, #tpu.memory_space<vmem>>
    %dma_start3A_42 = arith.constant 0 : i32
    %dma_start3A_43 = arith.constant 0 : i32
    %dma_start3A_44 = tpu.memref_slice %arg2[%dma_start3A_42, %dma_start3A_43] : memref<10240x128xf32, #tpu.memory_space<hbm>> -> memref<10240x128xf32, #tpu.memory_space<hbm>>
    tpu.enqueue_indirect_dma source(%dma_start3A_44 : memref<10240x128xf32, #tpu.memory_space<hbm>>) target(%dma_start3A_38 : memref<128x128xf32, #tpu.memory_space<vmem>>) offsets(%dma_start3A_41 : memref<128xi32, #tpu.memory_space<vmem>>) semaphore(%arg11 : memref<!tpu.dma_semaphore, #tpu.memory_space<semaphore_mem>>)
    %scan3A_45 = arith.constant 0 : i32
    %scan3A_46 = arith.constant 0 : i32
    %scan3A_47 = arith.constant 1 : i32
    %scan3A_48 = arith.constant 0 : i32
    %scan3A_49 = arith.constant 20 : i32
    %scan3A_50 = arith.addi %scan3A_48, %scan3A_49 : i32
    %scan3A_51 = arith.constant 1 : i32
    scf.for %scan3A_132 = %scan3A_48 to %scan3A_50 step %scan3A_51  : i32 {
      %mul3A_133 = arith.constant 2 : i32
      %mul3A_134 = arith.muli %mul3A_133, %scan3A_132 : i32
      %dma_wait3A_135 = arith.constant 0 : i32
      %dma_wait3A_136 = arith.constant 0 : i32
      %dma_wait3A_137 = tpu.memref_slice %arg9[%scan3A_46, %dma_wait3A_135, %dma_wait3A_136] : memref<2x128x128xf32, #tpu.memory_space<vmem>> -> memref<1x128x128xf32, #tpu.memory_space<vmem>>
      %dma_wait3A_138 = tpu.memref_squeeze %dma_wait3A_137 : memref<1x128x128xf32, #tpu.memory_space<vmem>> -> memref<128x128xf32, #tpu.memory_space<vmem>>
      %dma_wait3A_139 = arith.constant 0 : i32
      %dma_wait3A_140 = arith.constant 0 : i32
      %dma_wait3A_141 = tpu.memref_slice %arg2[%dma_wait3A_139, %dma_wait3A_140] : memref<10240x128xf32, #tpu.memory_space<hbm>> -> memref<128x128xf32, #tpu.memory_space<hbm>>
      %dma_wait3A_142 = arith.constant 0 : i32
      %dma_wait3A_143 = arith.constant 0 : i32
      %dma_wait3A_144 = tpu.memref_slice %arg9[%scan3A_46, %dma_wait3A_142, %dma_wait3A_143] : memref<2x128x128xf32, #tpu.memory_space<vmem>> -> memref<1x128x128xf32, #tpu.memory_space<vmem>>
      %dma_wait3A_145 = tpu.memref_squeeze %dma_wait3A_144 : memref<1x128x128xf32, #tpu.memory_space<vmem>> -> memref<128x128xf32, #tpu.memory_space<vmem>>
      %dma_wait3A_146 = arith.constant 0 : i32
      %dma_wait3A_147 = arith.constant 0 : i32
      %dma_wait3A_148 = tpu.memref_slice %arg2[%dma_wait3A_146, %dma_wait3A_147] : memref<10240x128xf32, #tpu.memory_space<hbm>> -> memref<128x128xf32, #tpu.memory_space<hbm>>
      tpu.wait_dma2 semaphore(%arg11 : memref<!tpu.dma_semaphore, #tpu.memory_space<semaphore_mem>>) src(%dma_wait3A_148 : memref<128x128xf32, #tpu.memory_space<hbm>>) dst(%dma_wait3A_145 : memref<128x128xf32, #tpu.memory_space<vmem>>)
      %dma_start3A_149 = arith.constant 0 : i32
      %dma_start3A_150 = arith.constant 0 : i32
      %dma_start3A_151 = tpu.memref_slice %arg9[%scan3A_46, %dma_start3A_149, %dma_start3A_150] : memref<2x128x128xf32, #tpu.memory_space<vmem>> -> memref<1x128x128xf32, #tpu.memory_space<vmem>>
      %dma_start3A_152 = tpu.memref_squeeze %dma_start3A_151 : memref<1x128x128xf32, #tpu.memory_space<vmem>> -> memref<128x128xf32, #tpu.memory_space<vmem>>
      %dma_start3A_153 = arith.constant 0 : i32
      %dma_start3A_154 = tpu.memref_slice %arg8[%mul3A_134, %dma_start3A_153] : memref<40x128xi32, #tpu.memory_space<vmem>> -> memref<1x128xi32, #tpu.memory_space<vmem>>
      %dma_start3A_155 = tpu.memref_squeeze %dma_start3A_154 : memref<1x128xi32, #tpu.memory_space<vmem>> -> memref<128xi32, #tpu.memory_space<vmem>>
      %dma_start3A_156 = arith.constant 0 : i32
      %dma_start3A_157 = arith.constant 0 : i32
      %dma_start3A_158 = tpu.memref_slice %arg10[%dma_start3A_156, %dma_start3A_157] : memref<10240x128xf32, #tpu.memory_space<vmem_shared>> -> memref<10240x128xf32, #tpu.memory_space<vmem_shared>>
      tpu.enqueue_indirect_dma source(%dma_start3A_152 : memref<128x128xf32, #tpu.memory_space<vmem>>) target(%dma_start3A_158 : memref<10240x128xf32, #tpu.memory_space<vmem_shared>>) offsets(%dma_start3A_155 : memref<128xi32, #tpu.memory_space<vmem>>) semaphore(%arg13 : memref<!tpu.dma_semaphore, #tpu.memory_space<semaphore_mem>>) {add = true}
      %gt3A = arith.constant 0 : i32
      %gt3A_159 = arith.cmpi sgt, %scan3A_132, %gt3A : i32
      %convert_element_type3A_160 = arith.extui %gt3A_159 : i1 to i32
      %cond3A_161 = arith.constant 0 : i32
      %cond3A_162 = arith.cmpi ne, %convert_element_type3A_160, %cond3A_161 : i32
      scf.if %cond3A_162 {
        %dma_wait3A_205 = arith.constant 0 : i32
        %dma_wait3A_206 = arith.constant 0 : i32
        %dma_wait3A_207 = arith.constant 0 : i32
        %dma_wait3A_208 = tpu.memref_slice %arg9[%scan3A_47, %dma_wait3A_206, %dma_wait3A_207] : memref<2x128x128xf32, #tpu.memory_space<vmem>> -> memref<1x128x128xf32, #tpu.memory_space<vmem>>
        %dma_wait3A_209 = tpu.memref_squeeze %dma_wait3A_208 : memref<1x128x128xf32, #tpu.memory_space<vmem>> -> memref<128x128xf32, #tpu.memory_space<vmem>>
        %dma_wait3A_210 = arith.constant 0 : i32
        %dma_wait3A_211 = tpu.memref_slice %arg8[%dma_wait3A_205, %dma_wait3A_210] : memref<40x128xi32, #tpu.memory_space<vmem>> -> memref<1x128xi32, #tpu.memory_space<vmem>>
        %dma_wait3A_212 = tpu.memref_squeeze %dma_wait3A_211 : memref<1x128xi32, #tpu.memory_space<vmem>> -> memref<128xi32, #tpu.memory_space<vmem>>
        %dma_wait3A_213 = arith.constant 0 : i32
        %dma_wait3A_214 = arith.constant 0 : i32
        %dma_wait3A_215 = tpu.memref_slice %arg10[%dma_wait3A_213, %dma_wait3A_214] : memref<10240x128xf32, #tpu.memory_space<vmem_shared>> -> memref<10240x128xf32, #tpu.memory_space<vmem_shared>>
        tpu.wait_indirect_dma semaphore(%arg14 : memref<!tpu.dma_semaphore, #tpu.memory_space<semaphore_mem>>) src(%dma_wait3A_209 : memref<128x128xf32, #tpu.memory_space<vmem>>) dst(%dma_wait3A_215 : memref<10240x128xf32, #tpu.memory_space<vmem_shared>>)
      } else {
      }
      %add3A_163 = arith.constant 1 : i32
      %add3A_164 = arith.addi %mul3A_134, %add3A_163 : i32
      %dma_start3A_165 = arith.constant 0 : i32
      %dma_start3A_166 = arith.constant 0 : i32
      %dma_start3A_167 = tpu.memref_slice %arg9[%scan3A_47, %dma_start3A_165, %dma_start3A_166] : memref<2x128x128xf32, #tpu.memory_space<vmem>> -> memref<1x128x128xf32, #tpu.memory_space<vmem>>
      %dma_start3A_168 = tpu.memref_squeeze %dma_start3A_167 : memref<1x128x128xf32, #tpu.memory_space<vmem>> -> memref<128x128xf32, #tpu.memory_space<vmem>>
      %dma_start3A_169 = arith.constant 0 : i32
      %dma_start3A_170 = tpu.memref_slice %arg7[%add3A_164, %dma_start3A_169] : memref<40x128xi32, #tpu.memory_space<vmem>> -> memref<1x128xi32, #tpu.memory_space<vmem>>
      %dma_start3A_171 = tpu.memref_squeeze %dma_start3A_170 : memref<1x128xi32, #tpu.memory_space<vmem>> -> memref<128xi32, #tpu.memory_space<vmem>>
      %dma_start3A_172 = arith.constant 0 : i32
      %dma_start3A_173 = arith.constant 0 : i32
      %dma_start3A_174 = tpu.memref_slice %arg2[%dma_start3A_172, %dma_start3A_173] : memref<10240x128xf32, #tpu.memory_space<hbm>> -> memref<10240x128xf32, #tpu.memory_space<hbm>>
      tpu.enqueue_indirect_dma source(%dma_start3A_174 : memref<10240x128xf32, #tpu.memory_space<hbm>>) target(%dma_start3A_168 : memref<128x128xf32, #tpu.memory_space<vmem>>) offsets(%dma_start3A_171 : memref<128xi32, #tpu.memory_space<vmem>>) semaphore(%arg12 : memref<!tpu.dma_semaphore, #tpu.memory_space<semaphore_mem>>)
      %dma_wait3A_175 = arith.constant 0 : i32
      %dma_wait3A_176 = arith.constant 0 : i32
      %dma_wait3A_177 = tpu.memref_slice %arg9[%scan3A_47, %dma_wait3A_175, %dma_wait3A_176] : memref<2x128x128xf32, #tpu.memory_space<vmem>> -> memref<1x128x128xf32, #tpu.memory_space<vmem>>
      %dma_wait3A_178 = tpu.memref_squeeze %dma_wait3A_177 : memref<1x128x128xf32, #tpu.memory_space<vmem>> -> memref<128x128xf32, #tpu.memory_space<vmem>>
      %dma_wait3A_179 = arith.constant 0 : i32
      %dma_wait3A_180 = arith.constant 0 : i32
      %dma_wait3A_181 = tpu.memref_slice %arg2[%dma_wait3A_179, %dma_wait3A_180] : memref<10240x128xf32, #tpu.memory_space<hbm>> -> memref<128x128xf32, #tpu.memory_space<hbm>>
      %dma_wait3A_182 = arith.constant 0 : i32
      %dma_wait3A_183 = arith.constant 0 : i32
      %dma_wait3A_184 = tpu.memref_slice %arg9[%scan3A_47, %dma_wait3A_182, %dma_wait3A_183] : memref<2x128x128xf32, #tpu.memory_space<vmem>> -> memref<1x128x128xf32, #tpu.memory_space<vmem>>
      %dma_wait3A_185 = tpu.memref_squeeze %dma_wait3A_184 : memref<1x128x128xf32, #tpu.memory_space<vmem>> -> memref<128x128xf32, #tpu.memory_space<vmem>>
      %dma_wait3A_186 = arith.constant 0 : i32
      %dma_wait3A_187 = arith.constant 0 : i32
      %dma_wait3A_188 = tpu.memref_slice %arg2[%dma_wait3A_186, %dma_wait3A_187] : memref<10240x128xf32, #tpu.memory_space<hbm>> -> memref<128x128xf32, #tpu.memory_space<hbm>>
      tpu.wait_dma2 semaphore(%arg12 : memref<!tpu.dma_semaphore, #tpu.memory_space<semaphore_mem>>) src(%dma_wait3A_188 : memref<128x128xf32, #tpu.memory_space<hbm>>) dst(%dma_wait3A_185 : memref<128x128xf32, #tpu.memory_space<vmem>>)
      %add3A_189 = arith.constant 1 : i32
      %add3A_190 = arith.addi %mul3A_134, %add3A_189 : i32
      %dma_start3A_191 = arith.constant 0 : i32
      %dma_start3A_192 = arith.constant 0 : i32
      %dma_start3A_193 = tpu.memref_slice %arg9[%scan3A_47, %dma_start3A_191, %dma_start3A_192] : memref<2x128x128xf32, #tpu.memory_space<vmem>> -> memref<1x128x128xf32, #tpu.memory_space<vmem>>
      %dma_start3A_194 = tpu.memref_squeeze %dma_start3A_193 : memref<1x128x128xf32, #tpu.memory_space<vmem>> -> memref<128x128xf32, #tpu.memory_space<vmem>>
      %dma_start3A_195 = arith.constant 0 : i32
      %dma_start3A_196 = tpu.memref_slice %arg8[%add3A_190, %dma_start3A_195] : memref<40x128xi32, #tpu.memory_space<vmem>> -> memref<1x128xi32, #tpu.memory_space<vmem>>
      %dma_start3A_197 = tpu.memref_squeeze %dma_start3A_196 : memref<1x128xi32, #tpu.memory_space<vmem>> -> memref<128xi32, #tpu.memory_space<vmem>>
      %dma_start3A_198 = arith.constant 0 : i32
      %dma_start3A_199 = arith.constant 0 : i32
      %dma_start3A_200 = tpu.memref_slice %arg10[%dma_start3A_198, %dma_start3A_199] : memref<10240x128xf32, #tpu.memory_space<vmem_shared>> -> memref<10240x128xf32, #tpu.memory_space<vmem_shared>>
      tpu.enqueue_indirect_dma source(%dma_start3A_194 : memref<128x128xf32, #tpu.memory_space<vmem>>) target(%dma_start3A_200 : memref<10240x128xf32, #tpu.memory_space<vmem_shared>>) offsets(%dma_start3A_197 : memref<128xi32, #tpu.memory_space<vmem>>) semaphore(%arg14 : memref<!tpu.dma_semaphore, #tpu.memory_space<semaphore_mem>>) {add = true}
      %lt3A = arith.constant 19 : i32
      %lt3A_201 = arith.cmpi slt, %scan3A_132, %lt3A : i32
      %convert_element_type3A_202 = arith.extui %lt3A_201 : i1 to i32
      %cond3A_203 = arith.constant 0 : i32
      %cond3A_204 = arith.cmpi ne, %convert_element_type3A_202, %cond3A_203 : i32
      scf.if %cond3A_204 {
        %dma_wait3A_205 = arith.constant 0 : i32
        %dma_wait3A_206 = arith.constant 0 : i32
        %dma_wait3A_207 = arith.constant 0 : i32
        %dma_wait3A_208 = tpu.memref_slice %arg9[%scan3A_46, %dma_wait3A_206, %dma_wait3A_207] : memref<2x128x128xf32, #tpu.memory_space<vmem>> -> memref<1x128x128xf32, #tpu.memory_space<vmem>>
        %dma_wait3A_209 = tpu.memref_squeeze %dma_wait3A_208 : memref<1x128x128xf32, #tpu.memory_space<vmem>> -> memref<128x128xf32, #tpu.memory_space<vmem>>
        %dma_wait3A_210 = arith.constant 0 : i32
        %dma_wait3A_211 = tpu.memref_slice %arg8[%dma_wait3A_205, %dma_wait3A_210] : memref<40x128xi32, #tpu.memory_space<vmem>> -> memref<1x128xi32, #tpu.memory_space<vmem>>
        %dma_wait3A_212 = tpu.memref_squeeze %dma_wait3A_211 : memref<1x128xi32, #tpu.memory_space<vmem>> -> memref<128xi32, #tpu.memory_space<vmem>>
        %dma_wait3A_213 = arith.constant 0 : i32
        %dma_wait3A_214 = arith.constant 0 : i32
        %dma_wait3A_215 = tpu.memref_slice %arg10[%dma_wait3A_213, %dma_wait3A_214] : memref<10240x128xf32, #tpu.memory_space<vmem_shared>> -> memref<10240x128xf32, #tpu.memory_space<vmem_shared>>
        tpu.wait_indirect_dma semaphore(%arg13 : memref<!tpu.dma_semaphore, #tpu.memory_space<semaphore_mem>>) src(%dma_wait3A_209 : memref<128x128xf32, #tpu.memory_space<vmem>>) dst(%dma_wait3A_215 : memref<10240x128xf32, #tpu.memory_space<vmem_shared>>)
        %add3A_216 = arith.constant 2 : i32
        %add3A_217 = arith.addi %mul3A_134, %add3A_216 : i32
        %dma_start3A_218 = arith.constant 0 : i32
        %dma_start3A_219 = arith.constant 0 : i32
        %dma_start3A_220 = tpu.memref_slice %arg9[%scan3A_46, %dma_start3A_218, %dma_start3A_219] : memref<2x128x128xf32, #tpu.memory_space<vmem>> -> memref<1x128x128xf32, #tpu.memory_space<vmem>>
        %dma_start3A_221 = tpu.memref_squeeze %dma_start3A_220 : memref<1x128x128xf32, #tpu.memory_space<vmem>> -> memref<128x128xf32, #tpu.memory_space<vmem>>
        %dma_start3A_222 = arith.constant 0 : i32
        %dma_start3A_223 = tpu.memref_slice %arg7[%add3A_217, %dma_start3A_222] : memref<40x128xi32, #tpu.memory_space<vmem>> -> memref<1x128xi32, #tpu.memory_space<vmem>>
        %dma_start3A_224 = tpu.memref_squeeze %dma_start3A_223 : memref<1x128xi32, #tpu.memory_space<vmem>> -> memref<128xi32, #tpu.memory_space<vmem>>
        %dma_start3A_225 = arith.constant 0 : i32
        %dma_start3A_226 = arith.constant 0 : i32
        %dma_start3A_227 = tpu.memref_slice %arg2[%dma_start3A_225, %dma_start3A_226] : memref<10240x128xf32, #tpu.memory_space<hbm>> -> memref<10240x128xf32, #tpu.memory_space<hbm>>
        tpu.enqueue_indirect_dma source(%dma_start3A_227 : memref<10240x128xf32, #tpu.memory_space<hbm>>) target(%dma_start3A_221 : memref<128x128xf32, #tpu.memory_space<vmem>>) offsets(%dma_start3A_224 : memref<128xi32, #tpu.memory_space<vmem>>) semaphore(%arg11 : memref<!tpu.dma_semaphore, #tpu.memory_space<semaphore_mem>>)
      } else {
      }
    }
    %scan3A_52 = arith.constant 20 : i32
    %dma_wait3A = arith.constant 0 : i32
    %dma_wait3A_53 = arith.constant 0 : i32
    %dma_wait3A_54 = arith.constant 0 : i32
    %dma_wait3A_55 = arith.constant 0 : i32
    %dma_wait3A_56 = tpu.memref_slice %arg9[%dma_wait3A, %dma_wait3A_54, %dma_wait3A_55] : memref<2x128x128xf32, #tpu.memory_space<vmem>> -> memref<1x128x128xf32, #tpu.memory_space<vmem>>
    %dma_wait3A_57 = tpu.memref_squeeze %dma_wait3A_56 : memref<1x128x128xf32, #tpu.memory_space<vmem>> -> memref<128x128xf32, #tpu.memory_space<vmem>>
    %dma_wait3A_58 = arith.constant 0 : i32
    %dma_wait3A_59 = tpu.memref_slice %arg8[%dma_wait3A_53, %dma_wait3A_58] : memref<40x128xi32, #tpu.memory_space<vmem>> -> memref<1x128xi32, #tpu.memory_space<vmem>>
    %dma_wait3A_60 = tpu.memref_squeeze %dma_wait3A_59 : memref<1x128xi32, #tpu.memory_space<vmem>> -> memref<128xi32, #tpu.memory_space<vmem>>
    %dma_wait3A_61 = arith.constant 0 : i32
    %dma_wait3A_62 = arith.constant 0 : i32
    %dma_wait3A_63 = tpu.memref_slice %arg10[%dma_wait3A_61, %dma_wait3A_62] : memref<10240x128xf32, #tpu.memory_space<vmem_shared>> -> memref<10240x128xf32, #tpu.memory_space<vmem_shared>>
    tpu.wait_indirect_dma semaphore(%arg13 : memref<!tpu.dma_semaphore, #tpu.memory_space<semaphore_mem>>) src(%dma_wait3A_57 : memref<128x128xf32, #tpu.memory_space<vmem>>) dst(%dma_wait3A_63 : memref<10240x128xf32, #tpu.memory_space<vmem_shared>>)
    %dma_wait3A_64 = arith.constant 1 : i32
    %dma_wait3A_65 = arith.constant 0 : i32
    %dma_wait3A_66 = arith.constant 0 : i32
    %dma_wait3A_67 = arith.constant 0 : i32
    %dma_wait3A_68 = tpu.memref_slice %arg9[%dma_wait3A_64, %dma_wait3A_66, %dma_wait3A_67] : memref<2x128x128xf32, #tpu.memory_space<vmem>> -> memref<1x128x128xf32, #tpu.memory_space<vmem>>
    %dma_wait3A_69 = tpu.memref_squeeze %dma_wait3A_68 : memref<1x128x128xf32, #tpu.memory_space<vmem>> -> memref<128x128xf32, #tpu.memory_space<vmem>>
    %dma_wait3A_70 = arith.constant 0 : i32
    %dma_wait3A_71 = tpu.memref_slice %arg8[%dma_wait3A_65, %dma_wait3A_70] : memref<40x128xi32, #tpu.memory_space<vmem>> -> memref<1x128xi32, #tpu.memory_space<vmem>>
    %dma_wait3A_72 = tpu.memref_squeeze %dma_wait3A_71 : memref<1x128xi32, #tpu.memory_space<vmem>> -> memref<128xi32, #tpu.memory_space<vmem>>
    %dma_wait3A_73 = arith.constant 0 : i32
    %dma_wait3A_74 = arith.constant 0 : i32
    %dma_wait3A_75 = tpu.memref_slice %arg10[%dma_wait3A_73, %dma_wait3A_74] : memref<10240x128xf32, #tpu.memory_space<vmem_shared>> -> memref<10240x128xf32, #tpu.memory_space<vmem_shared>>
    tpu.wait_indirect_dma semaphore(%arg14 : memref<!tpu.dma_semaphore, #tpu.memory_space<semaphore_mem>>) src(%dma_wait3A_69 : memref<128x128xf32, #tpu.memory_space<vmem>>) dst(%dma_wait3A_75 : memref<10240x128xf32, #tpu.memory_space<vmem_shared>>)
    %mul3A_76 = arith.constant 80 : i32
    %mul3A_77 = arith.muli %add3A, %mul3A_76 : i32
    %add3A_78 = arith.constant 40 : i32
    %add3A_79 = arith.addi %mul3A_77, %add3A_78 : i32
    "tpu.region"() ({
      %run_scoped3A_132 = tpu.sem_alloc : memref<!tpu.dma_semaphore, #tpu.memory_space<semaphore_mem>>
      %dma_start3A_133 = arith.constant 0 : i32
      %dma_start3A_134 = tpu.memref_slice %arg3[%add3A_79, %dma_start3A_133] : memref<2560x128xi32, #tpu.memory_space<hbm>> -> memref<40x128xi32, #tpu.memory_space<hbm>>
      %dma_start3A_135 = arith.constant 0 : i32
      %dma_start3A_136 = tpu.memref_slice %arg3[%add3A_79, %dma_start3A_135] : memref<2560x128xi32, #tpu.memory_space<hbm>> -> memref<40x128xi32, #tpu.memory_space<hbm>>
      tpu.enqueue_dma source(%dma_start3A_136 : memref<40x128xi32, #tpu.memory_space<hbm>>) target(%arg7 : memref<40x128xi32, #tpu.memory_space<vmem>>) target_semaphore(%run_scoped3A_132 : memref<!tpu.dma_semaphore, #tpu.memory_space<semaphore_mem>>)
      %dma_wait3A_137 = arith.constant 0 : i32
      %dma_wait3A_138 = tpu.memref_slice %arg3[%add3A_79, %dma_wait3A_137] : memref<2560x128xi32, #tpu.memory_space<hbm>> -> memref<40x128xi32, #tpu.memory_space<hbm>>
      %dma_wait3A_139 = arith.constant 0 : i32
      %dma_wait3A_140 = tpu.memref_slice %arg3[%add3A_79, %dma_wait3A_139] : memref<2560x128xi32, #tpu.memory_space<hbm>> -> memref<40x128xi32, #tpu.memory_space<hbm>>
      tpu.wait_dma2 semaphore(%run_scoped3A_132 : memref<!tpu.dma_semaphore, #tpu.memory_space<semaphore_mem>>) src(%dma_wait3A_140 : memref<40x128xi32, #tpu.memory_space<hbm>>) dst(%arg7 : memref<40x128xi32, #tpu.memory_space<vmem>>)
      tpu.yield
    }) : () -> ()
    "tpu.region"() ({
      %run_scoped3A_132 = tpu.sem_alloc : memref<!tpu.dma_semaphore, #tpu.memory_space<semaphore_mem>>
      %dma_start3A_133 = arith.constant 0 : i32
      %dma_start3A_134 = tpu.memref_slice %arg4[%add3A_79, %dma_start3A_133] : memref<2560x128xi32, #tpu.memory_space<hbm>> -> memref<40x128xi32, #tpu.memory_space<hbm>>
      %dma_start3A_135 = arith.constant 0 : i32
      %dma_start3A_136 = tpu.memref_slice %arg4[%add3A_79, %dma_start3A_135] : memref<2560x128xi32, #tpu.memory_space<hbm>> -> memref<40x128xi32, #tpu.memory_space<hbm>>
      tpu.enqueue_dma source(%dma_start3A_136 : memref<40x128xi32, #tpu.memory_space<hbm>>) target(%arg8 : memref<40x128xi32, #tpu.memory_space<vmem>>) target_semaphore(%run_scoped3A_132 : memref<!tpu.dma_semaphore, #tpu.memory_space<semaphore_mem>>)
      %dma_wait3A_137 = arith.constant 0 : i32
      %dma_wait3A_138 = tpu.memref_slice %arg4[%add3A_79, %dma_wait3A_137] : memref<2560x128xi32, #tpu.memory_space<hbm>> -> memref<40x128xi32, #tpu.memory_space<hbm>>
      %dma_wait3A_139 = arith.constant 0 : i32
      %dma_wait3A_140 = tpu.memref_slice %arg4[%add3A_79, %dma_wait3A_139] : memref<2560x128xi32, #tpu.memory_space<hbm>> -> memref<40x128xi32, #tpu.memory_space<hbm>>
      tpu.wait_dma2 semaphore(%run_scoped3A_132 : memref<!tpu.dma_semaphore, #tpu.memory_space<semaphore_mem>>) src(%dma_wait3A_140 : memref<40x128xi32, #tpu.memory_space<hbm>>) dst(%arg8 : memref<40x128xi32, #tpu.memory_space<vmem>>)
      tpu.yield
    }) : () -> ()
    %dma_start3A_80 = arith.constant 0 : i32
    %dma_start3A_81 = arith.constant 0 : i32
    %dma_start3A_82 = arith.constant 0 : i32
    %dma_start3A_83 = arith.constant 0 : i32
    %dma_start3A_84 = tpu.memref_slice %arg9[%dma_start3A_81, %dma_start3A_82, %dma_start3A_83] : memref<2x128x128xf32, #tpu.memory_space<vmem>> -> memref<1x128x128xf32, #tpu.memory_space<vmem>>
    %dma_start3A_85 = tpu.memref_squeeze %dma_start3A_84 : memref<1x128x128xf32, #tpu.memory_space<vmem>> -> memref<128x128xf32, #tpu.memory_space<vmem>>
    %dma_start3A_86 = arith.constant 0 : i32
    %dma_start3A_87 = tpu.memref_slice %arg7[%dma_start3A_80, %dma_start3A_86] : memref<40x128xi32, #tpu.memory_space<vmem>> -> memref<1x128xi32, #tpu.memory_space<vmem>>
    %dma_start3A_88 = tpu.memref_squeeze %dma_start3A_87 : memref<1x128xi32, #tpu.memory_space<vmem>> -> memref<128xi32, #tpu.memory_space<vmem>>
    %dma_start3A_89 = arith.constant 0 : i32
    %dma_start3A_90 = arith.constant 0 : i32
    %dma_start3A_91 = tpu.memref_slice %arg2[%dma_start3A_89, %dma_start3A_90] : memref<10240x128xf32, #tpu.memory_space<hbm>> -> memref<10240x128xf32, #tpu.memory_space<hbm>>
    tpu.enqueue_indirect_dma source(%dma_start3A_91 : memref<10240x128xf32, #tpu.memory_space<hbm>>) target(%dma_start3A_85 : memref<128x128xf32, #tpu.memory_space<vmem>>) offsets(%dma_start3A_88 : memref<128xi32, #tpu.memory_space<vmem>>) semaphore(%arg11 : memref<!tpu.dma_semaphore, #tpu.memory_space<semaphore_mem>>)
    %scan3A_92 = arith.constant 0 : i32
    %scan3A_93 = arith.constant 0 : i32
    %scan3A_94 = arith.constant 1 : i32
    %scan3A_95 = arith.constant 0 : i32
    %scan3A_96 = arith.constant 20 : i32
    %scan3A_97 = arith.addi %scan3A_95, %scan3A_96 : i32
    %scan3A_98 = arith.constant 1 : i32
    scf.for %scan3A_132 = %scan3A_95 to %scan3A_97 step %scan3A_98  : i32 {
      %mul3A_133 = arith.constant 2 : i32
      %mul3A_134 = arith.muli %mul3A_133, %scan3A_132 : i32
      %dma_wait3A_135 = arith.constant 0 : i32
      %dma_wait3A_136 = arith.constant 0 : i32
      %dma_wait3A_137 = tpu.memref_slice %arg9[%scan3A_93, %dma_wait3A_135, %dma_wait3A_136] : memref<2x128x128xf32, #tpu.memory_space<vmem>> -> memref<1x128x128xf32, #tpu.memory_space<vmem>>
      %dma_wait3A_138 = tpu.memref_squeeze %dma_wait3A_137 : memref<1x128x128xf32, #tpu.memory_space<vmem>> -> memref<128x128xf32, #tpu.memory_space<vmem>>
      %dma_wait3A_139 = arith.constant 0 : i32
      %dma_wait3A_140 = arith.constant 0 : i32
      %dma_wait3A_141 = tpu.memref_slice %arg2[%dma_wait3A_139, %dma_wait3A_140] : memref<10240x128xf32, #tpu.memory_space<hbm>> -> memref<128x128xf32, #tpu.memory_space<hbm>>
      %dma_wait3A_142 = arith.constant 0 : i32
      %dma_wait3A_143 = arith.constant 0 : i32
      %dma_wait3A_144 = tpu.memref_slice %arg9[%scan3A_93, %dma_wait3A_142, %dma_wait3A_143] : memref<2x128x128xf32, #tpu.memory_space<vmem>> -> memref<1x128x128xf32, #tpu.memory_space<vmem>>
      %dma_wait3A_145 = tpu.memref_squeeze %dma_wait3A_144 : memref<1x128x128xf32, #tpu.memory_space<vmem>> -> memref<128x128xf32, #tpu.memory_space<vmem>>
      %dma_wait3A_146 = arith.constant 0 : i32
      %dma_wait3A_147 = arith.constant 0 : i32
      %dma_wait3A_148 = tpu.memref_slice %arg2[%dma_wait3A_146, %dma_wait3A_147] : memref<10240x128xf32, #tpu.memory_space<hbm>> -> memref<128x128xf32, #tpu.memory_space<hbm>>
      tpu.wait_dma2 semaphore(%arg11 : memref<!tpu.dma_semaphore, #tpu.memory_space<semaphore_mem>>) src(%dma_wait3A_148 : memref<128x128xf32, #tpu.memory_space<hbm>>) dst(%dma_wait3A_145 : memref<128x128xf32, #tpu.memory_space<vmem>>)
      %dma_start3A_149 = arith.constant 0 : i32
      %dma_start3A_150 = arith.constant 0 : i32
      %dma_start3A_151 = tpu.memref_slice %arg9[%scan3A_93, %dma_start3A_149, %dma_start3A_150] : memref<2x128x128xf32, #tpu.memory_space<vmem>> -> memref<1x128x128xf32, #tpu.memory_space<vmem>>
      %dma_start3A_152 = tpu.memref_squeeze %dma_start3A_151 : memref<1x128x128xf32, #tpu.memory_space<vmem>> -> memref<128x128xf32, #tpu.memory_space<vmem>>
      %dma_start3A_153 = arith.constant 0 : i32
      %dma_start3A_154 = tpu.memref_slice %arg8[%mul3A_134, %dma_start3A_153] : memref<40x128xi32, #tpu.memory_space<vmem>> -> memref<1x128xi32, #tpu.memory_space<vmem>>
      %dma_start3A_155 = tpu.memref_squeeze %dma_start3A_154 : memref<1x128xi32, #tpu.memory_space<vmem>> -> memref<128xi32, #tpu.memory_space<vmem>>
      %dma_start3A_156 = arith.constant 0 : i32
      %dma_start3A_157 = arith.constant 0 : i32
      %dma_start3A_158 = tpu.memref_slice %arg10[%dma_start3A_156, %dma_start3A_157] : memref<10240x128xf32, #tpu.memory_space<vmem_shared>> -> memref<10240x128xf32, #tpu.memory_space<vmem_shared>>
      tpu.enqueue_indirect_dma source(%dma_start3A_152 : memref<128x128xf32, #tpu.memory_space<vmem>>) target(%dma_start3A_158 : memref<10240x128xf32, #tpu.memory_space<vmem_shared>>) offsets(%dma_start3A_155 : memref<128xi32, #tpu.memory_space<vmem>>) semaphore(%arg13 : memref<!tpu.dma_semaphore, #tpu.memory_space<semaphore_mem>>) {add = true}
      %gt3A = arith.constant 0 : i32
      %gt3A_159 = arith.cmpi sgt, %scan3A_132, %gt3A : i32
      %convert_element_type3A_160 = arith.extui %gt3A_159 : i1 to i32
      %cond3A_161 = arith.constant 0 : i32
      %cond3A_162 = arith.cmpi ne, %convert_element_type3A_160, %cond3A_161 : i32
      scf.if %cond3A_162 {
        %dma_wait3A_205 = arith.constant 0 : i32
        %dma_wait3A_206 = arith.constant 0 : i32
        %dma_wait3A_207 = arith.constant 0 : i32
        %dma_wait3A_208 = tpu.memref_slice %arg9[%scan3A_94, %dma_wait3A_206, %dma_wait3A_207] : memref<2x128x128xf32, #tpu.memory_space<vmem>> -> memref<1x128x128xf32, #tpu.memory_space<vmem>>
        %dma_wait3A_209 = tpu.memref_squeeze %dma_wait3A_208 : memref<1x128x128xf32, #tpu.memory_space<vmem>> -> memref<128x128xf32, #tpu.memory_space<vmem>>
        %dma_wait3A_210 = arith.constant 0 : i32
        %dma_wait3A_211 = tpu.memref_slice %arg8[%dma_wait3A_205, %dma_wait3A_210] : memref<40x128xi32, #tpu.memory_space<vmem>> -> memref<1x128xi32, #tpu.memory_space<vmem>>
        %dma_wait3A_212 = tpu.memref_squeeze %dma_wait3A_211 : memref<1x128xi32, #tpu.memory_space<vmem>> -> memref<128xi32, #tpu.memory_space<vmem>>
        %dma_wait3A_213 = arith.constant 0 : i32
        %dma_wait3A_214 = arith.constant 0 : i32
        %dma_wait3A_215 = tpu.memref_slice %arg10[%dma_wait3A_213, %dma_wait3A_214] : memref<10240x128xf32, #tpu.memory_space<vmem_shared>> -> memref<10240x128xf32, #tpu.memory_space<vmem_shared>>
        tpu.wait_indirect_dma semaphore(%arg14 : memref<!tpu.dma_semaphore, #tpu.memory_space<semaphore_mem>>) src(%dma_wait3A_209 : memref<128x128xf32, #tpu.memory_space<vmem>>) dst(%dma_wait3A_215 : memref<10240x128xf32, #tpu.memory_space<vmem_shared>>)
      } else {
      }
      %add3A_163 = arith.constant 1 : i32
      %add3A_164 = arith.addi %mul3A_134, %add3A_163 : i32
      %dma_start3A_165 = arith.constant 0 : i32
      %dma_start3A_166 = arith.constant 0 : i32
      %dma_start3A_167 = tpu.memref_slice %arg9[%scan3A_94, %dma_start3A_165, %dma_start3A_166] : memref<2x128x128xf32, #tpu.memory_space<vmem>> -> memref<1x128x128xf32, #tpu.memory_space<vmem>>
      %dma_start3A_168 = tpu.memref_squeeze %dma_start3A_167 : memref<1x128x128xf32, #tpu.memory_space<vmem>> -> memref<128x128xf32, #tpu.memory_space<vmem>>
      %dma_start3A_169 = arith.constant 0 : i32
      %dma_start3A_170 = tpu.memref_slice %arg7[%add3A_164, %dma_start3A_169] : memref<40x128xi32, #tpu.memory_space<vmem>> -> memref<1x128xi32, #tpu.memory_space<vmem>>
      %dma_start3A_171 = tpu.memref_squeeze %dma_start3A_170 : memref<1x128xi32, #tpu.memory_space<vmem>> -> memref<128xi32, #tpu.memory_space<vmem>>
      %dma_start3A_172 = arith.constant 0 : i32
      %dma_start3A_173 = arith.constant 0 : i32
      %dma_start3A_174 = tpu.memref_slice %arg2[%dma_start3A_172, %dma_start3A_173] : memref<10240x128xf32, #tpu.memory_space<hbm>> -> memref<10240x128xf32, #tpu.memory_space<hbm>>
      tpu.enqueue_indirect_dma source(%dma_start3A_174 : memref<10240x128xf32, #tpu.memory_space<hbm>>) target(%dma_start3A_168 : memref<128x128xf32, #tpu.memory_space<vmem>>) offsets(%dma_start3A_171 : memref<128xi32, #tpu.memory_space<vmem>>) semaphore(%arg12 : memref<!tpu.dma_semaphore, #tpu.memory_space<semaphore_mem>>)
      %dma_wait3A_175 = arith.constant 0 : i32
      %dma_wait3A_176 = arith.constant 0 : i32
      %dma_wait3A_177 = tpu.memref_slice %arg9[%scan3A_94, %dma_wait3A_175, %dma_wait3A_176] : memref<2x128x128xf32, #tpu.memory_space<vmem>> -> memref<1x128x128xf32, #tpu.memory_space<vmem>>
      %dma_wait3A_178 = tpu.memref_squeeze %dma_wait3A_177 : memref<1x128x128xf32, #tpu.memory_space<vmem>> -> memref<128x128xf32, #tpu.memory_space<vmem>>
      %dma_wait3A_179 = arith.constant 0 : i32
      %dma_wait3A_180 = arith.constant 0 : i32
      %dma_wait3A_181 = tpu.memref_slice %arg2[%dma_wait3A_179, %dma_wait3A_180] : memref<10240x128xf32, #tpu.memory_space<hbm>> -> memref<128x128xf32, #tpu.memory_space<hbm>>
      %dma_wait3A_182 = arith.constant 0 : i32
      %dma_wait3A_183 = arith.constant 0 : i32
      %dma_wait3A_184 = tpu.memref_slice %arg9[%scan3A_94, %dma_wait3A_182, %dma_wait3A_183] : memref<2x128x128xf32, #tpu.memory_space<vmem>> -> memref<1x128x128xf32, #tpu.memory_space<vmem>>
      %dma_wait3A_185 = tpu.memref_squeeze %dma_wait3A_184 : memref<1x128x128xf32, #tpu.memory_space<vmem>> -> memref<128x128xf32, #tpu.memory_space<vmem>>
      %dma_wait3A_186 = arith.constant 0 : i32
      %dma_wait3A_187 = arith.constant 0 : i32
      %dma_wait3A_188 = tpu.memref_slice %arg2[%dma_wait3A_186, %dma_wait3A_187] : memref<10240x128xf32, #tpu.memory_space<hbm>> -> memref<128x128xf32, #tpu.memory_space<hbm>>
      tpu.wait_dma2 semaphore(%arg12 : memref<!tpu.dma_semaphore, #tpu.memory_space<semaphore_mem>>) src(%dma_wait3A_188 : memref<128x128xf32, #tpu.memory_space<hbm>>) dst(%dma_wait3A_185 : memref<128x128xf32, #tpu.memory_space<vmem>>)
      %add3A_189 = arith.constant 1 : i32
      %add3A_190 = arith.addi %mul3A_134, %add3A_189 : i32
      %dma_start3A_191 = arith.constant 0 : i32
      %dma_start3A_192 = arith.constant 0 : i32
      %dma_start3A_193 = tpu.memref_slice %arg9[%scan3A_94, %dma_start3A_191, %dma_start3A_192] : memref<2x128x128xf32, #tpu.memory_space<vmem>> -> memref<1x128x128xf32, #tpu.memory_space<vmem>>
      %dma_start3A_194 = tpu.memref_squeeze %dma_start3A_193 : memref<1x128x128xf32, #tpu.memory_space<vmem>> -> memref<128x128xf32, #tpu.memory_space<vmem>>
      %dma_start3A_195 = arith.constant 0 : i32
      %dma_start3A_196 = tpu.memref_slice %arg8[%add3A_190, %dma_start3A_195] : memref<40x128xi32, #tpu.memory_space<vmem>> -> memref<1x128xi32, #tpu.memory_space<vmem>>
      %dma_start3A_197 = tpu.memref_squeeze %dma_start3A_196 : memref<1x128xi32, #tpu.memory_space<vmem>> -> memref<128xi32, #tpu.memory_space<vmem>>
      %dma_start3A_198 = arith.constant 0 : i32
      %dma_start3A_199 = arith.constant 0 : i32
      %dma_start3A_200 = tpu.memref_slice %arg10[%dma_start3A_198, %dma_start3A_199] : memref<10240x128xf32, #tpu.memory_space<vmem_shared>> -> memref<10240x128xf32, #tpu.memory_space<vmem_shared>>
      tpu.enqueue_indirect_dma source(%dma_start3A_194 : memref<128x128xf32, #tpu.memory_space<vmem>>) target(%dma_start3A_200 : memref<10240x128xf32, #tpu.memory_space<vmem_shared>>) offsets(%dma_start3A_197 : memref<128xi32, #tpu.memory_space<vmem>>) semaphore(%arg14 : memref<!tpu.dma_semaphore, #tpu.memory_space<semaphore_mem>>) {add = true}
      %lt3A = arith.constant 19 : i32
      %lt3A_201 = arith.cmpi slt, %scan3A_132, %lt3A : i32
      %convert_element_type3A_202 = arith.extui %lt3A_201 : i1 to i32
      %cond3A_203 = arith.constant 0 : i32
      %cond3A_204 = arith.cmpi ne, %convert_element_type3A_202, %cond3A_203 : i32
      scf.if %cond3A_204 {
        %dma_wait3A_205 = arith.constant 0 : i32
        %dma_wait3A_206 = arith.constant 0 : i32
        %dma_wait3A_207 = arith.constant 0 : i32
        %dma_wait3A_208 = tpu.memref_slice %arg9[%scan3A_93, %dma_wait3A_206, %dma_wait3A_207] : memref<2x128x128xf32, #tpu.memory_space<vmem>> -> memref<1x128x128xf32, #tpu.memory_space<vmem>>
        %dma_wait3A_209 = tpu.memref_squeeze %dma_wait3A_208 : memref<1x128x128xf32, #tpu.memory_space<vmem>> -> memref<128x128xf32, #tpu.memory_space<vmem>>
        %dma_wait3A_210 = arith.constant 0 : i32
        %dma_wait3A_211 = tpu.memref_slice %arg8[%dma_wait3A_205, %dma_wait3A_210] : memref<40x128xi32, #tpu.memory_space<vmem>> -> memref<1x128xi32, #tpu.memory_space<vmem>>
        %dma_wait3A_212 = tpu.memref_squeeze %dma_wait3A_211 : memref<1x128xi32, #tpu.memory_space<vmem>> -> memref<128xi32, #tpu.memory_space<vmem>>
        %dma_wait3A_213 = arith.constant 0 : i32
        %dma_wait3A_214 = arith.constant 0 : i32
        %dma_wait3A_215 = tpu.memref_slice %arg10[%dma_wait3A_213, %dma_wait3A_214] : memref<10240x128xf32, #tpu.memory_space<vmem_shared>> -> memref<10240x128xf32, #tpu.memory_space<vmem_shared>>
        tpu.wait_indirect_dma semaphore(%arg13 : memref<!tpu.dma_semaphore, #tpu.memory_space<semaphore_mem>>) src(%dma_wait3A_209 : memref<128x128xf32, #tpu.memory_space<vmem>>) dst(%dma_wait3A_215 : memref<10240x128xf32, #tpu.memory_space<vmem_shared>>)
        %add3A_216 = arith.constant 2 : i32
        %add3A_217 = arith.addi %mul3A_134, %add3A_216 : i32
        %dma_start3A_218 = arith.constant 0 : i32
        %dma_start3A_219 = arith.constant 0 : i32
        %dma_start3A_220 = tpu.memref_slice %arg9[%scan3A_93, %dma_start3A_218, %dma_start3A_219] : memref<2x128x128xf32, #tpu.memory_space<vmem>> -> memref<1x128x128xf32, #tpu.memory_space<vmem>>
        %dma_start3A_221 = tpu.memref_squeeze %dma_start3A_220 : memref<1x128x128xf32, #tpu.memory_space<vmem>> -> memref<128x128xf32, #tpu.memory_space<vmem>>
        %dma_start3A_222 = arith.constant 0 : i32
        %dma_start3A_223 = tpu.memref_slice %arg7[%add3A_217, %dma_start3A_222] : memref<40x128xi32, #tpu.memory_space<vmem>> -> memref<1x128xi32, #tpu.memory_space<vmem>>
        %dma_start3A_224 = tpu.memref_squeeze %dma_start3A_223 : memref<1x128xi32, #tpu.memory_space<vmem>> -> memref<128xi32, #tpu.memory_space<vmem>>
        %dma_start3A_225 = arith.constant 0 : i32
        %dma_start3A_226 = arith.constant 0 : i32
        %dma_start3A_227 = tpu.memref_slice %arg2[%dma_start3A_225, %dma_start3A_226] : memref<10240x128xf32, #tpu.memory_space<hbm>> -> memref<10240x128xf32, #tpu.memory_space<hbm>>
        tpu.enqueue_indirect_dma source(%dma_start3A_227 : memref<10240x128xf32, #tpu.memory_space<hbm>>) target(%dma_start3A_221 : memref<128x128xf32, #tpu.memory_space<vmem>>) offsets(%dma_start3A_224 : memref<128xi32, #tpu.memory_space<vmem>>) semaphore(%arg11 : memref<!tpu.dma_semaphore, #tpu.memory_space<semaphore_mem>>)
      } else {
      }
    }
    %scan3A_99 = arith.constant 20 : i32
    %dma_wait3A_100 = arith.constant 0 : i32
    %dma_wait3A_101 = arith.constant 0 : i32
    %dma_wait3A_102 = arith.constant 0 : i32
    %dma_wait3A_103 = arith.constant 0 : i32
    %dma_wait3A_104 = tpu.memref_slice %arg9[%dma_wait3A_100, %dma_wait3A_102, %dma_wait3A_103] : memref<2x128x128xf32, #tpu.memory_space<vmem>> -> memref<1x128x128xf32, #tpu.memory_space<vmem>>
    %dma_wait3A_105 = tpu.memref_squeeze %dma_wait3A_104 : memref<1x128x128xf32, #tpu.memory_space<vmem>> -> memref<128x128xf32, #tpu.memory_space<vmem>>
    %dma_wait3A_106 = arith.constant 0 : i32
    %dma_wait3A_107 = tpu.memref_slice %arg8[%dma_wait3A_101, %dma_wait3A_106] : memref<40x128xi32, #tpu.memory_space<vmem>> -> memref<1x128xi32, #tpu.memory_space<vmem>>
    %dma_wait3A_108 = tpu.memref_squeeze %dma_wait3A_107 : memref<1x128xi32, #tpu.memory_space<vmem>> -> memref<128xi32, #tpu.memory_space<vmem>>
    %dma_wait3A_109 = arith.constant 0 : i32
    %dma_wait3A_110 = arith.constant 0 : i32
    %dma_wait3A_111 = tpu.memref_slice %arg10[%dma_wait3A_109, %dma_wait3A_110] : memref<10240x128xf32, #tpu.memory_space<vmem_shared>> -> memref<10240x128xf32, #tpu.memory_space<vmem_shared>>
    tpu.wait_indirect_dma semaphore(%arg13 : memref<!tpu.dma_semaphore, #tpu.memory_space<semaphore_mem>>) src(%dma_wait3A_105 : memref<128x128xf32, #tpu.memory_space<vmem>>) dst(%dma_wait3A_111 : memref<10240x128xf32, #tpu.memory_space<vmem_shared>>)
    %dma_wait3A_112 = arith.constant 1 : i32
    %dma_wait3A_113 = arith.constant 0 : i32
    %dma_wait3A_114 = arith.constant 0 : i32
    %dma_wait3A_115 = arith.constant 0 : i32
    %dma_wait3A_116 = tpu.memref_slice %arg9[%dma_wait3A_112, %dma_wait3A_114, %dma_wait3A_115] : memref<2x128x128xf32, #tpu.memory_space<vmem>> -> memref<1x128x128xf32, #tpu.memory_space<vmem>>
    %dma_wait3A_117 = tpu.memref_squeeze %dma_wait3A_116 : memref<1x128x128xf32, #tpu.memory_space<vmem>> -> memref<128x128xf32, #tpu.memory_space<vmem>>
    %dma_wait3A_118 = arith.constant 0 : i32
    %dma_wait3A_119 = tpu.memref_slice %arg8[%dma_wait3A_113, %dma_wait3A_118] : memref<40x128xi32, #tpu.memory_space<vmem>> -> memref<1x128xi32, #tpu.memory_space<vmem>>
    %dma_wait3A_120 = tpu.memref_squeeze %dma_wait3A_119 : memref<1x128xi32, #tpu.memory_space<vmem>> -> memref<128xi32, #tpu.memory_space<vmem>>
    %dma_wait3A_121 = arith.constant 0 : i32
    %dma_wait3A_122 = arith.constant 0 : i32
    %dma_wait3A_123 = tpu.memref_slice %arg10[%dma_wait3A_121, %dma_wait3A_122] : memref<10240x128xf32, #tpu.memory_space<vmem_shared>> -> memref<10240x128xf32, #tpu.memory_space<vmem_shared>>
    tpu.wait_indirect_dma semaphore(%arg14 : memref<!tpu.dma_semaphore, #tpu.memory_space<semaphore_mem>>) src(%dma_wait3A_117 : memref<128x128xf32, #tpu.memory_space<vmem>>) dst(%dma_wait3A_123 : memref<10240x128xf32, #tpu.memory_space<vmem_shared>>)
    %barrier3A_124 = arith.constant 0 : index
    tpu.barrier barrier_id(%barrier3A_124)
    %eq3A = arith.constant 0 : i32
    %eq3A_125 = arith.cmpi eq, %arg0, %eq3A : i32
    %convert_element_type3A = arith.extui %eq3A_125 : i1 to i32
    %cond3A = arith.constant 0 : i32
    %cond3A_126 = arith.cmpi ne, %convert_element_type3A, %cond3A : i32
    scf.if %cond3A_126 {
      %mul3A_132 = arith.constant 640 : i32
      %mul3A_133 = arith.muli %arg1, %mul3A_132 : i32
      %mul3A_134 = arith.constant 640 : i32
      %mul3A_135 = arith.muli %arg1, %mul3A_134 : i32
      "tpu.region"() ({
        %run_scoped3A_136 = tpu.sem_alloc : memref<!tpu.dma_semaphore, #tpu.memory_space<semaphore_mem>>
        %dma_start3A_137 = arith.constant 0 : i32
        %dma_start3A_138 = tpu.memref_slice %arg5[%mul3A_135, %dma_start3A_137] : memref<10240x128xf32, #tpu.memory_space<hbm>> -> memref<640x128xf32, #tpu.memory_space<hbm>>
        %dma_start3A_139 = arith.constant 0 : i32
        %dma_start3A_140 = tpu.memref_slice %arg10[%mul3A_133, %dma_start3A_139] : memref<10240x128xf32, #tpu.memory_space<vmem_shared>> -> memref<640x128xf32, #tpu.memory_space<vmem_shared>>
        tpu.enqueue_dma source(%dma_start3A_140 : memref<640x128xf32, #tpu.memory_space<vmem_shared>>) target(%dma_start3A_138 : memref<640x128xf32, #tpu.memory_space<hbm>>) target_semaphore(%run_scoped3A_136 : memref<!tpu.dma_semaphore, #tpu.memory_space<semaphore_mem>>)
        %dma_wait3A_141 = arith.constant 0 : i32
        %dma_wait3A_142 = tpu.memref_slice %arg5[%mul3A_135, %dma_wait3A_141] : memref<10240x128xf32, #tpu.memory_space<hbm>> -> memref<640x128xf32, #tpu.memory_space<hbm>>
        %dma_wait3A_143 = arith.constant 0 : i32
        %dma_wait3A_144 = tpu.memref_slice %arg10[%mul3A_133, %dma_wait3A_143] : memref<10240x128xf32, #tpu.memory_space<vmem_shared>> -> memref<640x128xf32, #tpu.memory_space<vmem_shared>>
        tpu.wait_dma2 semaphore(%run_scoped3A_136 : memref<!tpu.dma_semaphore, #tpu.memory_space<semaphore_mem>>) src(%dma_wait3A_144 : memref<640x128xf32, #tpu.memory_space<vmem_shared>>) dst(%dma_wait3A_142 : memref<640x128xf32, #tpu.memory_space<hbm>>)
        tpu.yield
      }) : () -> ()
    } else {
    }
    %eq3A_127 = arith.constant 1 : i32
    %eq3A_128 = arith.cmpi eq, %arg0, %eq3A_127 : i32
    %convert_element_type3A_129 = arith.extui %eq3A_128 : i1 to i32
    %cond3A_130 = arith.constant 0 : i32
    %cond3A_131 = arith.cmpi ne, %convert_element_type3A_129, %cond3A_130 : i32
    scf.if %cond3A_131 {
      %mul3A_132 = arith.constant 640 : i32
      %mul3A_133 = arith.muli %arg1, %mul3A_132 : i32
      %mul3A_134 = arith.constant 640 : i32
      %mul3A_135 = arith.muli %arg1, %mul3A_134 : i32
      "tpu.region"() ({
        %run_scoped3A_136 = tpu.sem_alloc : memref<!tpu.dma_semaphore, #tpu.memory_space<semaphore_mem>>
        %dma_start3A_137 = arith.constant 0 : i32
        %dma_start3A_138 = tpu.memref_slice %arg6[%mul3A_135, %dma_start3A_137] : memref<10240x128xf32, #tpu.memory_space<hbm>> -> memref<640x128xf32, #tpu.memory_space<hbm>>
        %dma_start3A_139 = arith.constant 0 : i32
        %dma_start3A_140 = tpu.memref_slice %arg10[%mul3A_133, %dma_start3A_139] : memref<10240x128xf32, #tpu.memory_space<vmem_shared>> -> memref<640x128xf32, #tpu.memory_space<vmem_shared>>
        tpu.enqueue_dma source(%dma_start3A_140 : memref<640x128xf32, #tpu.memory_space<vmem_shared>>) target(%dma_start3A_138 : memref<640x128xf32, #tpu.memory_space<hbm>>) target_semaphore(%run_scoped3A_136 : memref<!tpu.dma_semaphore, #tpu.memory_space<semaphore_mem>>)
        %dma_wait3A_141 = arith.constant 0 : i32
        %dma_wait3A_142 = tpu.memref_slice %arg6[%mul3A_135, %dma_wait3A_141] : memref<10240x128xf32, #tpu.memory_space<hbm>> -> memref<640x128xf32, #tpu.memory_space<hbm>>
        %dma_wait3A_143 = arith.constant 0 : i32
        %dma_wait3A_144 = tpu.memref_slice %arg10[%mul3A_133, %dma_wait3A_143] : memref<10240x128xf32, #tpu.memory_space<vmem_shared>> -> memref<640x128xf32, #tpu.memory_space<vmem_shared>>
        tpu.wait_dma2 semaphore(%run_scoped3A_136 : memref<!tpu.dma_semaphore, #tpu.memory_space<semaphore_mem>>) src(%dma_wait3A_144 : memref<640x128xf32, #tpu.memory_space<vmem_shared>>) dst(%dma_wait3A_142 : memref<640x128xf32, #tpu.memory_space<hbm>>)
        tpu.yield
      }) : () -> ()
    } else {
    }
    return
  }
}

#map = affine_map<(d0, d1) -> (0, 0)>
#map1 = affine_map<(d0, d1) -> (0)>
module attributes {stable_mosaic.version = 14 : i64} {
  func.func @_sc_deg(%arg0: i32, %arg1: i32, %arg2: memref<2560x128xi32, #tpu.memory_space<hbm>>, %arg3: memref<10240xf32, #tpu.memory_space<hbm>>, %arg4: memref<10240xf32, #tpu.memory_space<hbm>>, %arg5: memref<80x128xi32, #tpu.memory_space<vmem>>, %arg6: memref<128xf32, #tpu.memory_space<vmem>>, %arg7: memref<640xf32, #tpu.memory_space<vmem>>, %arg8: memref<10240xf32, #tpu.memory_space<vmem_shared>>, %arg9: memref<!tpu.dma_semaphore, #tpu.memory_space<semaphore_mem>>) attributes {dimension_semantics = [#tpu.dimension_semantics<core_parallel>, #tpu.dimension_semantics<subcore_parallel>], iteration_bounds = array<i64: 2, 16>, scalar_prefetch = 0 : i64, scratch_operands = 5 : i64, tpu.core_type = #tpu.core_type<sc_vector_subcore>, window_params = [{transform_indices = #map}, {transform_indices = #map1}, {transform_indices = #map1}]} {
    %mul3A = arith.constant 16 : i32
    %mul3A_0 = arith.muli %arg0, %mul3A : i32
    %add3A = arith.addi %mul3A_0, %arg1 : i32
    %scan3A = arith.constant 0 : i32
    %scan3A_1 = arith.constant 0 : i32
    %scan3A_2 = arith.constant 8 : i32
    %scan3A_3 = arith.addi %scan3A_1, %scan3A_2 : i32
    %scan3A_4 = arith.constant 1 : i32
    scf.for %scan3A_32 = %scan3A_1 to %scan3A_3 step %scan3A_4  : i32 {
      %broadcast_in_dim3A = arith.constant 1.000000e+00 : f32
      %broadcast_in_dim3A_33 = vector.broadcast %broadcast_in_dim3A : f32 to vector<16xf32>
      %mul3A_34 = arith.constant 16 : i32
      %mul3A_35 = arith.muli %scan3A_32, %mul3A_34 : i32
      %swap3A = arith.index_cast %mul3A_35 : i32 to index
      %swap3A_36 = tpu.vector_load %arg6[%swap3A] {strides = array<i32>} : memref<128xf32, #tpu.memory_space<vmem>>, vector<16xf32>,
      %swap3A_37 = vector.shape_cast %swap3A_36 : vector<16xf32> to vector<16xf32>
      %swap3A_38 = vector.shape_cast %broadcast_in_dim3A_33 : vector<16xf32> to vector<16xf32>
      tpu.vector_store %arg6[%swap3A], %swap3A_38 {strides = array<i32>} : memref<128xf32, #tpu.memory_space<vmem>>, vector<16xf32>,
    }
    %scan3A_5 = arith.constant 8 : i32
    %scan3A_6 = arith.constant 0 : i32
    %scan3A_7 = arith.constant 0 : i32
    %scan3A_8 = arith.constant 40 : i32
    %scan3A_9 = arith.addi %scan3A_7, %scan3A_8 : i32
    %scan3A_10 = arith.constant 1 : i32
    scf.for %scan3A_32 = %scan3A_7 to %scan3A_9 step %scan3A_10  : i32 {
      %broadcast_in_dim3A = arith.constant 0.000000e+00 : f32
      %broadcast_in_dim3A_33 = vector.broadcast %broadcast_in_dim3A : f32 to vector<16xf32>
      %mul3A_34 = arith.constant 16 : i32
      %mul3A_35 = arith.muli %scan3A_32, %mul3A_34 : i32
      %swap3A = arith.index_cast %mul3A_35 : i32 to index
      %swap3A_36 = tpu.vector_load %arg7[%swap3A] {strides = array<i32>} : memref<640xf32, #tpu.memory_space<vmem>>, vector<16xf32>,
      %swap3A_37 = vector.shape_cast %swap3A_36 : vector<16xf32> to vector<16xf32>
      %swap3A_38 = vector.shape_cast %broadcast_in_dim3A_33 : vector<16xf32> to vector<16xf32>
      tpu.vector_store %arg7[%swap3A], %swap3A_38 {strides = array<i32>} : memref<640xf32, #tpu.memory_space<vmem>>, vector<16xf32>,
    }
    %scan3A_11 = arith.constant 40 : i32
    %mul3A_12 = arith.constant 640 : i32
    %mul3A_13 = arith.muli %arg1, %mul3A_12 : i32
    "tpu.region"() ({
      %run_scoped3A = tpu.sem_alloc : memref<!tpu.dma_semaphore, #tpu.memory_space<semaphore_mem>>
      %dma_start3A = arith.constant 0 : i32
      %dma_start3A_32 = tpu.memref_slice %arg7[%dma_start3A] : memref<640xf32, #tpu.memory_space<vmem>> -> memref<640xf32, #tpu.memory_space<vmem>>
      %dma_start3A_33 = tpu.memref_slice %arg8[%mul3A_13] : memref<10240xf32, #tpu.memory_space<vmem_shared>> -> memref<640xf32, #tpu.memory_space<vmem_shared>>
      %dma_start3A_34 = tpu.memref_slice %arg8[%mul3A_13] : memref<10240xf32, #tpu.memory_space<vmem_shared>> -> memref<640xf32, #tpu.memory_space<vmem_shared>>
      %dma_start3A_35 = arith.constant 0 : i32
      %dma_start3A_36 = tpu.memref_slice %arg7[%dma_start3A_35] : memref<640xf32, #tpu.memory_space<vmem>> -> memref<640xf32, #tpu.memory_space<vmem>>
      tpu.enqueue_dma source(%dma_start3A_36 : memref<640xf32, #tpu.memory_space<vmem>>) target(%dma_start3A_34 : memref<640xf32, #tpu.memory_space<vmem_shared>>) target_semaphore(%run_scoped3A : memref<!tpu.dma_semaphore, #tpu.memory_space<semaphore_mem>>)
      %dma_wait3A = arith.constant 0 : i32
      %dma_wait3A_37 = tpu.memref_slice %arg7[%dma_wait3A] : memref<640xf32, #tpu.memory_space<vmem>> -> memref<640xf32, #tpu.memory_space<vmem>>
      %dma_wait3A_38 = tpu.memref_slice %arg8[%mul3A_13] : memref<10240xf32, #tpu.memory_space<vmem_shared>> -> memref<640xf32, #tpu.memory_space<vmem_shared>>
      %dma_wait3A_39 = tpu.memref_slice %arg8[%mul3A_13] : memref<10240xf32, #tpu.memory_space<vmem_shared>> -> memref<640xf32, #tpu.memory_space<vmem_shared>>
      %dma_wait3A_40 = arith.constant 0 : i32
      %dma_wait3A_41 = tpu.memref_slice %arg7[%dma_wait3A_40] : memref<640xf32, #tpu.memory_space<vmem>> -> memref<640xf32, #tpu.memory_space<vmem>>
      tpu.wait_dma2 semaphore(%run_scoped3A : memref<!tpu.dma_semaphore, #tpu.memory_space<semaphore_mem>>) src(%dma_wait3A_41 : memref<640xf32, #tpu.memory_space<vmem>>) dst(%dma_wait3A_39 : memref<640xf32, #tpu.memory_space<vmem_shared>>)
      tpu.yield
    }) : () -> ()
    %mul3A_14 = arith.constant 80 : i32
    %mul3A_15 = arith.muli %add3A, %mul3A_14 : i32
    "tpu.region"() ({
      %run_scoped3A = tpu.sem_alloc : memref<!tpu.dma_semaphore, #tpu.memory_space<semaphore_mem>>
      %dma_start3A = arith.constant 0 : i32
      %dma_start3A_32 = tpu.memref_slice %arg2[%mul3A_15, %dma_start3A] : memref<2560x128xi32, #tpu.memory_space<hbm>> -> memref<80x128xi32, #tpu.memory_space<hbm>>
      %dma_start3A_33 = arith.constant 0 : i32
      %dma_start3A_34 = tpu.memref_slice %arg2[%mul3A_15, %dma_start3A_33] : memref<2560x128xi32, #tpu.memory_space<hbm>> -> memref<80x128xi32, #tpu.memory_space<hbm>>
      tpu.enqueue_dma source(%dma_start3A_34 : memref<80x128xi32, #tpu.memory_space<hbm>>) target(%arg5 : memref<80x128xi32, #tpu.memory_space<vmem>>) target_semaphore(%run_scoped3A : memref<!tpu.dma_semaphore, #tpu.memory_space<semaphore_mem>>)
      %dma_wait3A = arith.constant 0 : i32
      %dma_wait3A_35 = tpu.memref_slice %arg2[%mul3A_15, %dma_wait3A] : memref<2560x128xi32, #tpu.memory_space<hbm>> -> memref<80x128xi32, #tpu.memory_space<hbm>>
      %dma_wait3A_36 = arith.constant 0 : i32
      %dma_wait3A_37 = tpu.memref_slice %arg2[%mul3A_15, %dma_wait3A_36] : memref<2560x128xi32, #tpu.memory_space<hbm>> -> memref<80x128xi32, #tpu.memory_space<hbm>>
      tpu.wait_dma2 semaphore(%run_scoped3A : memref<!tpu.dma_semaphore, #tpu.memory_space<semaphore_mem>>) src(%dma_wait3A_37 : memref<80x128xi32, #tpu.memory_space<hbm>>) dst(%arg5 : memref<80x128xi32, #tpu.memory_space<vmem>>)
      tpu.yield
    }) : () -> ()
    %barrier3A = arith.constant 0 : index
    tpu.barrier barrier_id(%barrier3A)
    %scan3A_16 = arith.constant 0 : i32
    %scan3A_17 = arith.constant 0 : i32
    %scan3A_18 = arith.constant 80 : i32
    %scan3A_19 = arith.addi %scan3A_17, %scan3A_18 : i32
    %scan3A_20 = arith.constant 1 : i32
    scf.for %scan3A_32 = %scan3A_17 to %scan3A_19 step %scan3A_20  : i32 {
      "tpu.region"() ({
        %run_scoped3A = tpu.sem_alloc : memref<!tpu.dma_semaphore, #tpu.memory_space<semaphore_mem>>
        %dma_start3A = arith.constant 0 : i32
        %dma_start3A_33 = tpu.memref_slice %arg5[%scan3A_32, %dma_start3A] : memref<80x128xi32, #tpu.memory_space<vmem>> -> memref<1x128xi32, #tpu.memory_space<vmem>>
        %dma_start3A_34 = tpu.memref_squeeze %dma_start3A_33 : memref<1x128xi32, #tpu.memory_space<vmem>> -> memref<128xi32, #tpu.memory_space<vmem>>
        %dma_start3A_35 = arith.constant 0 : i32
        %dma_start3A_36 = tpu.memref_slice %arg8[%dma_start3A_35] : memref<10240xf32, #tpu.memory_space<vmem_shared>> -> memref<10240xf32, #tpu.memory_space<vmem_shared>>
        tpu.enqueue_indirect_dma source(%arg6 : memref<128xf32, #tpu.memory_space<vmem>>) target(%dma_start3A_36 : memref<10240xf32, #tpu.memory_space<vmem_shared>>) offsets(%dma_start3A_34 : memref<128xi32, #tpu.memory_space<vmem>>) semaphore(%run_scoped3A : memref<!tpu.dma_semaphore, #tpu.memory_space<semaphore_mem>>) {add = true}
        %dma_wait3A = arith.constant 0 : i32
        %dma_wait3A_37 = tpu.memref_slice %arg5[%scan3A_32, %dma_wait3A] : memref<80x128xi32, #tpu.memory_space<vmem>> -> memref<1x128xi32, #tpu.memory_space<vmem>>
        %dma_wait3A_38 = tpu.memref_squeeze %dma_wait3A_37 : memref<1x128xi32, #tpu.memory_space<vmem>> -> memref<128xi32, #tpu.memory_space<vmem>>
        %dma_wait3A_39 = arith.constant 0 : i32
        %dma_wait3A_40 = tpu.memref_slice %arg8[%dma_wait3A_39] : memref<10240xf32, #tpu.memory_space<vmem_shared>> -> memref<10240xf32, #tpu.memory_space<vmem_shared>>
        tpu.wait_indirect_dma semaphore(%run_scoped3A : memref<!tpu.dma_semaphore, #tpu.memory_space<semaphore_mem>>) src(%arg6 : memref<128xf32, #tpu.memory_space<vmem>>) dst(%dma_wait3A_40 : memref<10240xf32, #tpu.memory_space<vmem_shared>>)
        tpu.yield
      }) : () -> ()
    }
    %scan3A_21 = arith.constant 80 : i32
    %barrier3A_22 = arith.constant 0 : index
    tpu.barrier barrier_id(%barrier3A_22)
    %mul3A_23 = arith.constant 640 : i32
    %mul3A_24 = arith.muli %arg1, %mul3A_23 : i32
    "tpu.region"() ({
      %run_scoped3A = tpu.sem_alloc : memref<!tpu.dma_semaphore, #tpu.memory_space<semaphore_mem>>
      %dma_start3A = arith.constant 0 : i32
      %dma_start3A_32 = tpu.memref_slice %arg7[%dma_start3A] : memref<640xf32, #tpu.memory_space<vmem>> -> memref<640xf32, #tpu.memory_space<vmem>>
      %dma_start3A_33 = tpu.memref_slice %arg8[%mul3A_24] : memref<10240xf32, #tpu.memory_space<vmem_shared>> -> memref<640xf32, #tpu.memory_space<vmem_shared>>
      %dma_start3A_34 = arith.constant 0 : i32
      %dma_start3A_35 = tpu.memref_slice %arg7[%dma_start3A_34] : memref<640xf32, #tpu.memory_space<vmem>> -> memref<640xf32, #tpu.memory_space<vmem>>
      %dma_start3A_36 = tpu.memref_slice %arg8[%mul3A_24] : memref<10240xf32, #tpu.memory_space<vmem_shared>> -> memref<640xf32, #tpu.memory_space<vmem_shared>>
      tpu.enqueue_dma source(%dma_start3A_36 : memref<640xf32, #tpu.memory_space<vmem_shared>>) target(%dma_start3A_35 : memref<640xf32, #tpu.memory_space<vmem>>) target_semaphore(%run_scoped3A : memref<!tpu.dma_semaphore, #tpu.memory_space<semaphore_mem>>)
      %dma_wait3A = arith.constant 0 : i32
      %dma_wait3A_37 = tpu.memref_slice %arg7[%dma_wait3A] : memref<640xf32, #tpu.memory_space<vmem>> -> memref<640xf32, #tpu.memory_space<vmem>>
      %dma_wait3A_38 = tpu.memref_slice %arg8[%mul3A_24] : memref<10240xf32, #tpu.memory_space<vmem_shared>> -> memref<640xf32, #tpu.memory_space<vmem_shared>>
      %dma_wait3A_39 = arith.constant 0 : i32
      %dma_wait3A_40 = tpu.memref_slice %arg7[%dma_wait3A_39] : memref<640xf32, #tpu.memory_space<vmem>> -> memref<640xf32, #tpu.memory_space<vmem>>
      %dma_wait3A_41 = tpu.memref_slice %arg8[%mul3A_24] : memref<10240xf32, #tpu.memory_space<vmem_shared>> -> memref<640xf32, #tpu.memory_space<vmem_shared>>
      tpu.wait_dma2 semaphore(%run_scoped3A : memref<!tpu.dma_semaphore, #tpu.memory_space<semaphore_mem>>) src(%dma_wait3A_41 : memref<640xf32, #tpu.memory_space<vmem_shared>>) dst(%dma_wait3A_40 : memref<640xf32, #tpu.memory_space<vmem>>)
      tpu.yield
    }) : () -> ()
    %eq3A = arith.constant 0 : i32
    %eq3A_25 = arith.cmpi eq, %arg0, %eq3A : i32
    %convert_element_type3A = arith.extui %eq3A_25 : i1 to i32
    %cond3A = arith.constant 0 : i32
    %cond3A_26 = arith.cmpi ne, %convert_element_type3A, %cond3A : i32
    scf.if %cond3A_26 {
      %mul3A_32 = arith.constant 640 : i32
      %mul3A_33 = arith.muli %arg1, %mul3A_32 : i32
      "tpu.region"() ({
        %run_scoped3A = tpu.sem_alloc : memref<!tpu.dma_semaphore, #tpu.memory_space<semaphore_mem>>
        %dma_start3A = arith.constant 0 : i32
        %dma_start3A_34 = tpu.memref_slice %arg7[%dma_start3A] : memref<640xf32, #tpu.memory_space<vmem>> -> memref<640xf32, #tpu.memory_space<vmem>>
        %dma_start3A_35 = tpu.memref_slice %arg3[%mul3A_33] : memref<10240xf32, #tpu.memory_space<hbm>> -> memref<640xf32, #tpu.memory_space<hbm>>
        %dma_start3A_36 = tpu.memref_slice %arg3[%mul3A_33] : memref<10240xf32, #tpu.memory_space<hbm>> -> memref<640xf32, #tpu.memory_space<hbm>>
        %dma_start3A_37 = arith.constant 0 : i32
        %dma_start3A_38 = tpu.memref_slice %arg7[%dma_start3A_37] : memref<640xf32, #tpu.memory_space<vmem>> -> memref<640xf32, #tpu.memory_space<vmem>>
        tpu.enqueue_dma source(%dma_start3A_38 : memref<640xf32, #tpu.memory_space<vmem>>) target(%dma_start3A_36 : memref<640xf32, #tpu.memory_space<hbm>>) target_semaphore(%run_scoped3A : memref<!tpu.dma_semaphore, #tpu.memory_space<semaphore_mem>>)
        %dma_wait3A = arith.constant 0 : i32
        %dma_wait3A_39 = tpu.memref_slice %arg7[%dma_wait3A] : memref<640xf32, #tpu.memory_space<vmem>> -> memref<640xf32, #tpu.memory_space<vmem>>
        %dma_wait3A_40 = tpu.memref_slice %arg3[%mul3A_33] : memref<10240xf32, #tpu.memory_space<hbm>> -> memref<640xf32, #tpu.memory_space<hbm>>
        %dma_wait3A_41 = tpu.memref_slice %arg3[%mul3A_33] : memref<10240xf32, #tpu.memory_space<hbm>> -> memref<640xf32, #tpu.memory_space<hbm>>
        %dma_wait3A_42 = arith.constant 0 : i32
        %dma_wait3A_43 = tpu.memref_slice %arg7[%dma_wait3A_42] : memref<640xf32, #tpu.memory_space<vmem>> -> memref<640xf32, #tpu.memory_space<vmem>>
        tpu.wait_dma2 semaphore(%run_scoped3A : memref<!tpu.dma_semaphore, #tpu.memory_space<semaphore_mem>>) src(%dma_wait3A_43 : memref<640xf32, #tpu.memory_space<vmem>>) dst(%dma_wait3A_41 : memref<640xf32, #tpu.memory_space<hbm>>)
        tpu.yield
      }) : () -> ()
    } else {
    }
    %eq3A_27 = arith.constant 1 : i32
    %eq3A_28 = arith.cmpi eq, %arg0, %eq3A_27 : i32
    %convert_element_type3A_29 = arith.extui %eq3A_28 : i1 to i32
    %cond3A_30 = arith.constant 0 : i32
    %cond3A_31 = arith.cmpi ne, %convert_element_type3A_29, %cond3A_30 : i32
    scf.if %cond3A_31 {
      %mul3A_32 = arith.constant 640 : i32
      %mul3A_33 = arith.muli %arg1, %mul3A_32 : i32
      "tpu.region"() ({
        %run_scoped3A = tpu.sem_alloc : memref<!tpu.dma_semaphore, #tpu.memory_space<semaphore_mem>>
        %dma_start3A = arith.constant 0 : i32
        %dma_start3A_34 = tpu.memref_slice %arg7[%dma_start3A] : memref<640xf32, #tpu.memory_space<vmem>> -> memref<640xf32, #tpu.memory_space<vmem>>
        %dma_start3A_35 = tpu.memref_slice %arg4[%mul3A_33] : memref<10240xf32, #tpu.memory_space<hbm>> -> memref<640xf32, #tpu.memory_space<hbm>>
        %dma_start3A_36 = tpu.memref_slice %arg4[%mul3A_33] : memref<10240xf32, #tpu.memory_space<hbm>> -> memref<640xf32, #tpu.memory_space<hbm>>
        %dma_start3A_37 = arith.constant 0 : i32
        %dma_start3A_38 = tpu.memref_slice %arg7[%dma_start3A_37] : memref<640xf32, #tpu.memory_space<vmem>> -> memref<640xf32, #tpu.memory_space<vmem>>
        tpu.enqueue_dma source(%dma_start3A_38 : memref<640xf32, #tpu.memory_space<vmem>>) target(%dma_start3A_36 : memref<640xf32, #tpu.memory_space<hbm>>) target_semaphore(%run_scoped3A : memref<!tpu.dma_semaphore, #tpu.memory_space<semaphore_mem>>)
        %dma_wait3A = arith.constant 0 : i32
        %dma_wait3A_39 = tpu.memref_slice %arg7[%dma_wait3A] : memref<640xf32, #tpu.memory_space<vmem>> -> memref<640xf32, #tpu.memory_space<vmem>>
        %dma_wait3A_40 = tpu.memref_slice %arg4[%mul3A_33] : memref<10240xf32, #tpu.memory_space<hbm>> -> memref<640xf32, #tpu.memory_space<hbm>>
        %dma_wait3A_41 = tpu.memref_slice %arg4[%mul3A_33] : memref<10240xf32, #tpu.memory_space<hbm>> -> memref<640xf32, #tpu.memory_space<hbm>>
        %dma_wait3A_42 = arith.constant 0 : i32
        %dma_wait3A_43 = tpu.memref_slice %arg7[%dma_wait3A_42] : memref<640xf32, #tpu.memory_space<vmem>> -> memref<640xf32, #tpu.memory_space<vmem>>
        tpu.wait_dma2 semaphore(%run_scoped3A : memref<!tpu.dma_semaphore, #tpu.memory_space<semaphore_mem>>) src(%dma_wait3A_43 : memref<640xf32, #tpu.memory_space<vmem>>) dst(%dma_wait3A_41 : memref<640xf32, #tpu.memory_space<hbm>>)
        tpu.yield
      }) : () -> ()
    } else {
    }
    return
  }
}

#map = affine_map<(d0, d1) -> (0, 0)>
module attributes {stable_mosaic.version = 14 : i64} {
  func.func @_sc_seg(%arg0: i32, %arg1: i32, %arg2: memref<10240x128xf32, #tpu.memory_space<hbm>>, %arg3: memref<2560x128xi32, #tpu.memory_space<hbm>>, %arg4: memref<2560x128xi32, #tpu.memory_space<hbm>>, %arg5: memref<10240x128xf32, #tpu.memory_space<hbm>>, %arg6: memref<10240x128xf32, #tpu.memory_space<hbm>>, %arg7: memref<40x128xi32, #tpu.memory_space<vmem>>, %arg8: memref<40x128xi32, #tpu.memory_space<vmem>>, %arg9: memref<2x128x128xf32, #tpu.memory_space<vmem>>, %arg10: memref<10240x128xf32, #tpu.memory_space<vmem_shared>>, %arg11: memref<!tpu.dma_semaphore, #tpu.memory_space<semaphore_mem>>, %arg12: memref<!tpu.dma_semaphore, #tpu.memory_space<semaphore_mem>>, %arg13: memref<!tpu.dma_semaphore, #tpu.memory_space<semaphore_mem>>, %arg14: memref<!tpu.dma_semaphore, #tpu.memory_space<semaphore_mem>>) attributes {dimension_semantics = [#tpu.dimension_semantics<core_parallel>, #tpu.dimension_semantics<subcore_parallel>], iteration_bounds = array<i64: 2, 16>, scalar_prefetch = 0 : i64, scratch_operands = 8 : i64, tpu.core_type = #tpu.core_type<sc_vector_subcore>, window_params = [{transform_indices = #map}, {transform_indices = #map}, {transform_indices = #map}, {transform_indices = #map}, {transform_indices = #map}]} {
    %mul3A = arith.constant 16 : i32
    %mul3A_0 = arith.muli %arg0, %mul3A : i32
    %add3A = arith.addi %mul3A_0, %arg1 : i32
    %scan3A = arith.constant 0 : i32
    %scan3A_1 = arith.constant 0 : i32
    %scan3A_2 = arith.constant 1024 : i32
    %scan3A_3 = arith.addi %scan3A_1, %scan3A_2 : i32
    %scan3A_4 = arith.constant 1 : i32
    scf.for %scan3A_132 = %scan3A_1 to %scan3A_3 step %scan3A_4  : i32 {
      %broadcast_in_dim3A = arith.constant 0.000000e+00 : f32
      %broadcast_in_dim3A_133 = vector.broadcast %broadcast_in_dim3A : f32 to vector<16xf32>
      %jit3A = arith.constant 8 : i32
      %div3A = arith.divsi %scan3A_132, %jit3A : i32
      %sign3A = arith.constant 0 : i32
      %sign3A_134 = arith.cmpi sgt, %scan3A_132, %sign3A : i32
      %sign3A_135 = arith.extui %sign3A_134 : i1 to i32
      %sign3A_136 = arith.constant 0 : i32
      %sign3A_137 = arith.cmpi slt, %scan3A_132, %sign3A_136 : i32
      %sign3A_138 = arith.extui %sign3A_137 : i1 to i32
      %sign3A_139 = arith.subi %sign3A_135, %sign3A_138 : i32
      %sign3A_140 = arith.constant 0 : i32
      %sign3A_141 = arith.cmpi sgt, %jit3A, %sign3A_140 : i32
      %sign3A_142 = arith.extui %sign3A_141 : i1 to i32
      %sign3A_143 = arith.constant 0 : i32
      %sign3A_144 = arith.cmpi slt, %jit3A, %sign3A_143 : i32
      %sign3A_145 = arith.extui %sign3A_144 : i1 to i32
      %sign3A_146 = arith.subi %sign3A_142, %sign3A_145 : i32
      %ne3A = arith.cmpi ne, %sign3A_139, %sign3A_146 : i32
      %rem3A = arith.remsi %scan3A_132, %jit3A : i32
      %ne3A_147 = arith.constant 0 : i32
      %ne3A_148 = arith.cmpi ne, %rem3A, %ne3A_147 : i32
      %and3A = arith.andi %ne3A, %ne3A_148 : i1
      %sub3A = arith.constant 1 : i32
      %sub3A_149 = arith.subi %div3A, %sub3A : i32
      %select_n3A = arith.select %and3A, %sub3A_149, %div3A : i32
      %jit3A_150 = arith.constant 8 : i32
      %eq3A_151 = arith.constant 0 : i32
      %eq3A_152 = arith.cmpi eq, %jit3A_150, %eq3A_151 : i32
      %jit3A_153 = arith.constant 1 : i32
      %select_n3A_154 = arith.select %eq3A_152, %jit3A_153, %jit3A_150 : i32
      %rem3A_155 = arith.remsi %scan3A_132, %select_n3A_154 : i32
      %ne3A_156 = arith.constant 0 : i32
      %ne3A_157 = arith.cmpi ne, %rem3A_155, %ne3A_156 : i32
      %lt3A = arith.constant 0 : i32
      %lt3A_158 = arith.cmpi slt, %rem3A_155, %lt3A : i32
      %lt3A_159 = arith.constant 0 : i32
      %lt3A_160 = arith.cmpi slt, %select_n3A_154, %lt3A_159 : i32
      %ne3A_161 = arith.xori %lt3A_158, %lt3A_160 : i1
      %and3A_162 = arith.andi %ne3A_161, %ne3A_157 : i1
      %add3A_163 = arith.addi %rem3A_155, %select_n3A_154 : i32
      %select_n3A_164 = arith.select %and3A_162, %add3A_163, %rem3A_155 : i32
      %mul3A_165 = arith.constant 16 : i32
      %mul3A_166 = arith.muli %select_n3A_164, %mul3A_165 : i32
      %swap3A = arith.constant 0 : i32
      %swap3A_167 = arith.index_cast %swap3A : i32 to index
      %swap3A_168 = arith.index_cast %select_n3A : i32 to index
      %swap3A_169 = arith.index_cast %mul3A_166 : i32 to index
      %swap3A_170 = tpu.vector_load %arg9[%swap3A_167, %swap3A_168, %swap3A_169] {strides = array<i32>} : memref<2x128x128xf32, #tpu.memory_space<vmem>>, vector<1x1x16xf32>,
      %swap3A_171 = vector.shape_cast %swap3A_170 : vector<1x1x16xf32> to vector<16xf32>
      %swap3A_172 = vector.shape_cast %broadcast_in_dim3A_133 : vector<16xf32> to vector<1x1x16xf32>
      tpu.vector_store %arg9[%swap3A_167, %swap3A_168, %swap3A_169], %swap3A_172 {strides = array<i32>} : memref<2x128x128xf32, #tpu.memory_space<vmem>>, vector<1x1x16xf32>,
    }
    %scan3A_5 = arith.constant 1024 : i32
    %mul3A_6 = arith.constant 640 : i32
    %mul3A_7 = arith.muli %arg1, %mul3A_6 : i32
    %add3A_8 = arith.constant 0 : i32
    %add3A_9 = arith.addi %mul3A_7, %add3A_8 : i32
    %run_scoped3A = arith.constant 0 : i32
    "tpu.region"() ({
      %run_scoped3A_132 = tpu.sem_alloc : memref<!tpu.dma_semaphore, #tpu.memory_space<semaphore_mem>>
      %dma_start3A_133 = arith.constant 0 : i32
      %dma_start3A_134 = arith.constant 0 : i32
      %dma_start3A_135 = tpu.memref_slice %arg9[%run_scoped3A, %dma_start3A_133, %dma_start3A_134] : memref<2x128x128xf32, #tpu.memory_space<vmem>> -> memref<1x128x128xf32, #tpu.memory_space<vmem>>
      %dma_start3A_136 = tpu.memref_squeeze %dma_start3A_135 : memref<1x128x128xf32, #tpu.memory_space<vmem>> -> memref<128x128xf32, #tpu.memory_space<vmem>>
      %dma_start3A_137 = arith.constant 0 : i32
      %dma_start3A_138 = tpu.memref_slice %arg10[%add3A_9, %dma_start3A_137] : memref<10240x128xf32, #tpu.memory_space<vmem_shared>> -> memref<128x128xf32, #tpu.memory_space<vmem_shared>>
      %dma_start3A_139 = arith.constant 0 : i32
      %dma_start3A_140 = tpu.memref_slice %arg10[%add3A_9, %dma_start3A_139] : memref<10240x128xf32, #tpu.memory_space<vmem_shared>> -> memref<128x128xf32, #tpu.memory_space<vmem_shared>>
      %dma_start3A_141 = arith.constant 0 : i32
      %dma_start3A_142 = arith.constant 0 : i32
      %dma_start3A_143 = tpu.memref_slice %arg9[%run_scoped3A, %dma_start3A_141, %dma_start3A_142] : memref<2x128x128xf32, #tpu.memory_space<vmem>> -> memref<1x128x128xf32, #tpu.memory_space<vmem>>
      %dma_start3A_144 = tpu.memref_squeeze %dma_start3A_143 : memref<1x128x128xf32, #tpu.memory_space<vmem>> -> memref<128x128xf32, #tpu.memory_space<vmem>>
      tpu.enqueue_dma source(%dma_start3A_144 : memref<128x128xf32, #tpu.memory_space<vmem>>) target(%dma_start3A_140 : memref<128x128xf32, #tpu.memory_space<vmem_shared>>) target_semaphore(%run_scoped3A_132 : memref<!tpu.dma_semaphore, #tpu.memory_space<semaphore_mem>>)
      %dma_wait3A_145 = arith.constant 0 : i32
      %dma_wait3A_146 = arith.constant 0 : i32
      %dma_wait3A_147 = tpu.memref_slice %arg9[%run_scoped3A, %dma_wait3A_145, %dma_wait3A_146] : memref<2x128x128xf32, #tpu.memory_space<vmem>> -> memref<1x128x128xf32, #tpu.memory_space<vmem>>
      %dma_wait3A_148 = tpu.memref_squeeze %dma_wait3A_147 : memref<1x128x128xf32, #tpu.memory_space<vmem>> -> memref<128x128xf32, #tpu.memory_space<vmem>>
      %dma_wait3A_149 = arith.constant 0 : i32
      %dma_wait3A_150 = tpu.memref_slice %arg10[%add3A_9, %dma_wait3A_149] : memref<10240x128xf32, #tpu.memory_space<vmem_shared>> -> memref<128x128xf32, #tpu.memory_space<vmem_shared>>
      %dma_wait3A_151 = arith.constant 0 : i32
      %dma_wait3A_152 = tpu.memref_slice %arg10[%add3A_9, %dma_wait3A_151] : memref<10240x128xf32, #tpu.memory_space<vmem_shared>> -> memref<128x128xf32, #tpu.memory_space<vmem_shared>>
      %dma_wait3A_153 = arith.constant 0 : i32
      %dma_wait3A_154 = arith.constant 0 : i32
      %dma_wait3A_155 = tpu.memref_slice %arg9[%run_scoped3A, %dma_wait3A_153, %dma_wait3A_154] : memref<2x128x128xf32, #tpu.memory_space<vmem>> -> memref<1x128x128xf32, #tpu.memory_space<vmem>>
      %dma_wait3A_156 = tpu.memref_squeeze %dma_wait3A_155 : memref<1x128x128xf32, #tpu.memory_space<vmem>> -> memref<128x128xf32, #tpu.memory_space<vmem>>
      tpu.wait_dma2 semaphore(%run_scoped3A_132 : memref<!tpu.dma_semaphore, #tpu.memory_space<semaphore_mem>>) src(%dma_wait3A_156 : memref<128x128xf32, #tpu.memory_space<vmem>>) dst(%dma_wait3A_152 : memref<128x128xf32, #tpu.memory_space<vmem_shared>>)
      tpu.yield
    }) : () -> ()
    %mul3A_10 = arith.constant 640 : i32
    %mul3A_11 = arith.muli %arg1, %mul3A_10 : i32
    %add3A_12 = arith.constant 128 : i32
    %add3A_13 = arith.addi %mul3A_11, %add3A_12 : i32
    %run_scoped3A_14 = arith.constant 0 : i32
    "tpu.region"() ({
      %run_scoped3A_132 = tpu.sem_alloc : memref<!tpu.dma_semaphore, #tpu.memory_space<semaphore_mem>>
      %dma_start3A_133 = arith.constant 0 : i32
      %dma_start3A_134 = arith.constant 0 : i32
      %dma_start3A_135 = tpu.memref_slice %arg9[%run_scoped3A_14, %dma_start3A_133, %dma_start3A_134] : memref<2x128x128xf32, #tpu.memory_space<vmem>> -> memref<1x128x128xf32, #tpu.memory_space<vmem>>
      %dma_start3A_136 = tpu.memref_squeeze %dma_start3A_135 : memref<1x128x128xf32, #tpu.memory_space<vmem>> -> memref<128x128xf32, #tpu.memory_space<vmem>>
      %dma_start3A_137 = arith.constant 0 : i32
      %dma_start3A_138 = tpu.memref_slice %arg10[%add3A_13, %dma_start3A_137] : memref<10240x128xf32, #tpu.memory_space<vmem_shared>> -> memref<128x128xf32, #tpu.memory_space<vmem_shared>>
      %dma_start3A_139 = arith.constant 0 : i32
      %dma_start3A_140 = tpu.memref_slice %arg10[%add3A_13, %dma_start3A_139] : memref<10240x128xf32, #tpu.memory_space<vmem_shared>> -> memref<128x128xf32, #tpu.memory_space<vmem_shared>>
      %dma_start3A_141 = arith.constant 0 : i32
      %dma_start3A_142 = arith.constant 0 : i32
      %dma_start3A_143 = tpu.memref_slice %arg9[%run_scoped3A_14, %dma_start3A_141, %dma_start3A_142] : memref<2x128x128xf32, #tpu.memory_space<vmem>> -> memref<1x128x128xf32, #tpu.memory_space<vmem>>
      %dma_start3A_144 = tpu.memref_squeeze %dma_start3A_143 : memref<1x128x128xf32, #tpu.memory_space<vmem>> -> memref<128x128xf32, #tpu.memory_space<vmem>>
      tpu.enqueue_dma source(%dma_start3A_144 : memref<128x128xf32, #tpu.memory_space<vmem>>) target(%dma_start3A_140 : memref<128x128xf32, #tpu.memory_space<vmem_shared>>) target_semaphore(%run_scoped3A_132 : memref<!tpu.dma_semaphore, #tpu.memory_space<semaphore_mem>>)
      %dma_wait3A_145 = arith.constant 0 : i32
      %dma_wait3A_146 = arith.constant 0 : i32
      %dma_wait3A_147 = tpu.memref_slice %arg9[%run_scoped3A_14, %dma_wait3A_145, %dma_wait3A_146] : memref<2x128x128xf32, #tpu.memory_space<vmem>> -> memref<1x128x128xf32, #tpu.memory_space<vmem>>
      %dma_wait3A_148 = tpu.memref_squeeze %dma_wait3A_147 : memref<1x128x128xf32, #tpu.memory_space<vmem>> -> memref<128x128xf32, #tpu.memory_space<vmem>>
      %dma_wait3A_149 = arith.constant 0 : i32
      %dma_wait3A_150 = tpu.memref_slice %arg10[%add3A_13, %dma_wait3A_149] : memref<10240x128xf32, #tpu.memory_space<vmem_shared>> -> memref<128x128xf32, #tpu.memory_space<vmem_shared>>
      %dma_wait3A_151 = arith.constant 0 : i32
      %dma_wait3A_152 = tpu.memref_slice %arg10[%add3A_13, %dma_wait3A_151] : memref<10240x128xf32, #tpu.memory_space<vmem_shared>> -> memref<128x128xf32, #tpu.memory_space<vmem_shared>>
      %dma_wait3A_153 = arith.constant 0 : i32
      %dma_wait3A_154 = arith.constant 0 : i32
      %dma_wait3A_155 = tpu.memref_slice %arg9[%run_scoped3A_14, %dma_wait3A_153, %dma_wait3A_154] : memref<2x128x128xf32, #tpu.memory_space<vmem>> -> memref<1x128x128xf32, #tpu.memory_space<vmem>>
      %dma_wait3A_156 = tpu.memref_squeeze %dma_wait3A_155 : memref<1x128x128xf32, #tpu.memory_space<vmem>> -> memref<128x128xf32, #tpu.memory_space<vmem>>
      tpu.wait_dma2 semaphore(%run_scoped3A_132 : memref<!tpu.dma_semaphore, #tpu.memory_space<semaphore_mem>>) src(%dma_wait3A_156 : memref<128x128xf32, #tpu.memory_space<vmem>>) dst(%dma_wait3A_152 : memref<128x128xf32, #tpu.memory_space<vmem_shared>>)
      tpu.yield
    }) : () -> ()
    %mul3A_15 = arith.constant 640 : i32
    %mul3A_16 = arith.muli %arg1, %mul3A_15 : i32
    %add3A_17 = arith.constant 256 : i32
    %add3A_18 = arith.addi %mul3A_16, %add3A_17 : i32
    %run_scoped3A_19 = arith.constant 0 : i32
    "tpu.region"() ({
      %run_scoped3A_132 = tpu.sem_alloc : memref<!tpu.dma_semaphore, #tpu.memory_space<semaphore_mem>>
      %dma_start3A_133 = arith.constant 0 : i32
      %dma_start3A_134 = arith.constant 0 : i32
      %dma_start3A_135 = tpu.memref_slice %arg9[%run_scoped3A_19, %dma_start3A_133, %dma_start3A_134] : memref<2x128x128xf32, #tpu.memory_space<vmem>> -> memref<1x128x128xf32, #tpu.memory_space<vmem>>
      %dma_start3A_136 = tpu.memref_squeeze %dma_start3A_135 : memref<1x128x128xf32, #tpu.memory_space<vmem>> -> memref<128x128xf32, #tpu.memory_space<vmem>>
      %dma_start3A_137 = arith.constant 0 : i32
      %dma_start3A_138 = tpu.memref_slice %arg10[%add3A_18, %dma_start3A_137] : memref<10240x128xf32, #tpu.memory_space<vmem_shared>> -> memref<128x128xf32, #tpu.memory_space<vmem_shared>>
      %dma_start3A_139 = arith.constant 0 : i32
      %dma_start3A_140 = tpu.memref_slice %arg10[%add3A_18, %dma_start3A_139] : memref<10240x128xf32, #tpu.memory_space<vmem_shared>> -> memref<128x128xf32, #tpu.memory_space<vmem_shared>>
      %dma_start3A_141 = arith.constant 0 : i32
      %dma_start3A_142 = arith.constant 0 : i32
      %dma_start3A_143 = tpu.memref_slice %arg9[%run_scoped3A_19, %dma_start3A_141, %dma_start3A_142] : memref<2x128x128xf32, #tpu.memory_space<vmem>> -> memref<1x128x128xf32, #tpu.memory_space<vmem>>
      %dma_start3A_144 = tpu.memref_squeeze %dma_start3A_143 : memref<1x128x128xf32, #tpu.memory_space<vmem>> -> memref<128x128xf32, #tpu.memory_space<vmem>>
      tpu.enqueue_dma source(%dma_start3A_144 : memref<128x128xf32, #tpu.memory_space<vmem>>) target(%dma_start3A_140 : memref<128x128xf32, #tpu.memory_space<vmem_shared>>) target_semaphore(%run_scoped3A_132 : memref<!tpu.dma_semaphore, #tpu.memory_space<semaphore_mem>>)
      %dma_wait3A_145 = arith.constant 0 : i32
      %dma_wait3A_146 = arith.constant 0 : i32
      %dma_wait3A_147 = tpu.memref_slice %arg9[%run_scoped3A_19, %dma_wait3A_145, %dma_wait3A_146] : memref<2x128x128xf32, #tpu.memory_space<vmem>> -> memref<1x128x128xf32, #tpu.memory_space<vmem>>
      %dma_wait3A_148 = tpu.memref_squeeze %dma_wait3A_147 : memref<1x128x128xf32, #tpu.memory_space<vmem>> -> memref<128x128xf32, #tpu.memory_space<vmem>>
      %dma_wait3A_149 = arith.constant 0 : i32
      %dma_wait3A_150 = tpu.memref_slice %arg10[%add3A_18, %dma_wait3A_149] : memref<10240x128xf32, #tpu.memory_space<vmem_shared>> -> memref<128x128xf32, #tpu.memory_space<vmem_shared>>
      %dma_wait3A_151 = arith.constant 0 : i32
      %dma_wait3A_152 = tpu.memref_slice %arg10[%add3A_18, %dma_wait3A_151] : memref<10240x128xf32, #tpu.memory_space<vmem_shared>> -> memref<128x128xf32, #tpu.memory_space<vmem_shared>>
      %dma_wait3A_153 = arith.constant 0 : i32
      %dma_wait3A_154 = arith.constant 0 : i32
      %dma_wait3A_155 = tpu.memref_slice %arg9[%run_scoped3A_19, %dma_wait3A_153, %dma_wait3A_154] : memref<2x128x128xf32, #tpu.memory_space<vmem>> -> memref<1x128x128xf32, #tpu.memory_space<vmem>>
      %dma_wait3A_156 = tpu.memref_squeeze %dma_wait3A_155 : memref<1x128x128xf32, #tpu.memory_space<vmem>> -> memref<128x128xf32, #tpu.memory_space<vmem>>
      tpu.wait_dma2 semaphore(%run_scoped3A_132 : memref<!tpu.dma_semaphore, #tpu.memory_space<semaphore_mem>>) src(%dma_wait3A_156 : memref<128x128xf32, #tpu.memory_space<vmem>>) dst(%dma_wait3A_152 : memref<128x128xf32, #tpu.memory_space<vmem_shared>>)
      tpu.yield
    }) : () -> ()
    %mul3A_20 = arith.constant 640 : i32
    %mul3A_21 = arith.muli %arg1, %mul3A_20 : i32
    %add3A_22 = arith.constant 384 : i32
    %add3A_23 = arith.addi %mul3A_21, %add3A_22 : i32
    %run_scoped3A_24 = arith.constant 0 : i32
    "tpu.region"() ({
      %run_scoped3A_132 = tpu.sem_alloc : memref<!tpu.dma_semaphore, #tpu.memory_space<semaphore_mem>>
      %dma_start3A_133 = arith.constant 0 : i32
      %dma_start3A_134 = arith.constant 0 : i32
      %dma_start3A_135 = tpu.memref_slice %arg9[%run_scoped3A_24, %dma_start3A_133, %dma_start3A_134] : memref<2x128x128xf32, #tpu.memory_space<vmem>> -> memref<1x128x128xf32, #tpu.memory_space<vmem>>
      %dma_start3A_136 = tpu.memref_squeeze %dma_start3A_135 : memref<1x128x128xf32, #tpu.memory_space<vmem>> -> memref<128x128xf32, #tpu.memory_space<vmem>>
      %dma_start3A_137 = arith.constant 0 : i32
      %dma_start3A_138 = tpu.memref_slice %arg10[%add3A_23, %dma_start3A_137] : memref<10240x128xf32, #tpu.memory_space<vmem_shared>> -> memref<128x128xf32, #tpu.memory_space<vmem_shared>>
      %dma_start3A_139 = arith.constant 0 : i32
      %dma_start3A_140 = tpu.memref_slice %arg10[%add3A_23, %dma_start3A_139] : memref<10240x128xf32, #tpu.memory_space<vmem_shared>> -> memref<128x128xf32, #tpu.memory_space<vmem_shared>>
      %dma_start3A_141 = arith.constant 0 : i32
      %dma_start3A_142 = arith.constant 0 : i32
      %dma_start3A_143 = tpu.memref_slice %arg9[%run_scoped3A_24, %dma_start3A_141, %dma_start3A_142] : memref<2x128x128xf32, #tpu.memory_space<vmem>> -> memref<1x128x128xf32, #tpu.memory_space<vmem>>
      %dma_start3A_144 = tpu.memref_squeeze %dma_start3A_143 : memref<1x128x128xf32, #tpu.memory_space<vmem>> -> memref<128x128xf32, #tpu.memory_space<vmem>>
      tpu.enqueue_dma source(%dma_start3A_144 : memref<128x128xf32, #tpu.memory_space<vmem>>) target(%dma_start3A_140 : memref<128x128xf32, #tpu.memory_space<vmem_shared>>) target_semaphore(%run_scoped3A_132 : memref<!tpu.dma_semaphore, #tpu.memory_space<semaphore_mem>>)
      %dma_wait3A_145 = arith.constant 0 : i32
      %dma_wait3A_146 = arith.constant 0 : i32
      %dma_wait3A_147 = tpu.memref_slice %arg9[%run_scoped3A_24, %dma_wait3A_145, %dma_wait3A_146] : memref<2x128x128xf32, #tpu.memory_space<vmem>> -> memref<1x128x128xf32, #tpu.memory_space<vmem>>
      %dma_wait3A_148 = tpu.memref_squeeze %dma_wait3A_147 : memref<1x128x128xf32, #tpu.memory_space<vmem>> -> memref<128x128xf32, #tpu.memory_space<vmem>>
      %dma_wait3A_149 = arith.constant 0 : i32
      %dma_wait3A_150 = tpu.memref_slice %arg10[%add3A_23, %dma_wait3A_149] : memref<10240x128xf32, #tpu.memory_space<vmem_shared>> -> memref<128x128xf32, #tpu.memory_space<vmem_shared>>
      %dma_wait3A_151 = arith.constant 0 : i32
      %dma_wait3A_152 = tpu.memref_slice %arg10[%add3A_23, %dma_wait3A_151] : memref<10240x128xf32, #tpu.memory_space<vmem_shared>> -> memref<128x128xf32, #tpu.memory_space<vmem_shared>>
      %dma_wait3A_153 = arith.constant 0 : i32
      %dma_wait3A_154 = arith.constant 0 : i32
      %dma_wait3A_155 = tpu.memref_slice %arg9[%run_scoped3A_24, %dma_wait3A_153, %dma_wait3A_154] : memref<2x128x128xf32, #tpu.memory_space<vmem>> -> memref<1x128x128xf32, #tpu.memory_space<vmem>>
      %dma_wait3A_156 = tpu.memref_squeeze %dma_wait3A_155 : memref<1x128x128xf32, #tpu.memory_space<vmem>> -> memref<128x128xf32, #tpu.memory_space<vmem>>
      tpu.wait_dma2 semaphore(%run_scoped3A_132 : memref<!tpu.dma_semaphore, #tpu.memory_space<semaphore_mem>>) src(%dma_wait3A_156 : memref<128x128xf32, #tpu.memory_space<vmem>>) dst(%dma_wait3A_152 : memref<128x128xf32, #tpu.memory_space<vmem_shared>>)
      tpu.yield
    }) : () -> ()
    %mul3A_25 = arith.constant 640 : i32
    %mul3A_26 = arith.muli %arg1, %mul3A_25 : i32
    %add3A_27 = arith.constant 512 : i32
    %add3A_28 = arith.addi %mul3A_26, %add3A_27 : i32
    %run_scoped3A_29 = arith.constant 0 : i32
    "tpu.region"() ({
      %run_scoped3A_132 = tpu.sem_alloc : memref<!tpu.dma_semaphore, #tpu.memory_space<semaphore_mem>>
      %dma_start3A_133 = arith.constant 0 : i32
      %dma_start3A_134 = arith.constant 0 : i32
      %dma_start3A_135 = tpu.memref_slice %arg9[%run_scoped3A_29, %dma_start3A_133, %dma_start3A_134] : memref<2x128x128xf32, #tpu.memory_space<vmem>> -> memref<1x128x128xf32, #tpu.memory_space<vmem>>
      %dma_start3A_136 = tpu.memref_squeeze %dma_start3A_135 : memref<1x128x128xf32, #tpu.memory_space<vmem>> -> memref<128x128xf32, #tpu.memory_space<vmem>>
      %dma_start3A_137 = arith.constant 0 : i32
      %dma_start3A_138 = tpu.memref_slice %arg10[%add3A_28, %dma_start3A_137] : memref<10240x128xf32, #tpu.memory_space<vmem_shared>> -> memref<128x128xf32, #tpu.memory_space<vmem_shared>>
      %dma_start3A_139 = arith.constant 0 : i32
      %dma_start3A_140 = tpu.memref_slice %arg10[%add3A_28, %dma_start3A_139] : memref<10240x128xf32, #tpu.memory_space<vmem_shared>> -> memref<128x128xf32, #tpu.memory_space<vmem_shared>>
      %dma_start3A_141 = arith.constant 0 : i32
      %dma_start3A_142 = arith.constant 0 : i32
      %dma_start3A_143 = tpu.memref_slice %arg9[%run_scoped3A_29, %dma_start3A_141, %dma_start3A_142] : memref<2x128x128xf32, #tpu.memory_space<vmem>> -> memref<1x128x128xf32, #tpu.memory_space<vmem>>
      %dma_start3A_144 = tpu.memref_squeeze %dma_start3A_143 : memref<1x128x128xf32, #tpu.memory_space<vmem>> -> memref<128x128xf32, #tpu.memory_space<vmem>>
      tpu.enqueue_dma source(%dma_start3A_144 : memref<128x128xf32, #tpu.memory_space<vmem>>) target(%dma_start3A_140 : memref<128x128xf32, #tpu.memory_space<vmem_shared>>) target_semaphore(%run_scoped3A_132 : memref<!tpu.dma_semaphore, #tpu.memory_space<semaphore_mem>>)
      %dma_wait3A_145 = arith.constant 0 : i32
      %dma_wait3A_146 = arith.constant 0 : i32
      %dma_wait3A_147 = tpu.memref_slice %arg9[%run_scoped3A_29, %dma_wait3A_145, %dma_wait3A_146] : memref<2x128x128xf32, #tpu.memory_space<vmem>> -> memref<1x128x128xf32, #tpu.memory_space<vmem>>
      %dma_wait3A_148 = tpu.memref_squeeze %dma_wait3A_147 : memref<1x128x128xf32, #tpu.memory_space<vmem>> -> memref<128x128xf32, #tpu.memory_space<vmem>>
      %dma_wait3A_149 = arith.constant 0 : i32
      %dma_wait3A_150 = tpu.memref_slice %arg10[%add3A_28, %dma_wait3A_149] : memref<10240x128xf32, #tpu.memory_space<vmem_shared>> -> memref<128x128xf32, #tpu.memory_space<vmem_shared>>
      %dma_wait3A_151 = arith.constant 0 : i32
      %dma_wait3A_152 = tpu.memref_slice %arg10[%add3A_28, %dma_wait3A_151] : memref<10240x128xf32, #tpu.memory_space<vmem_shared>> -> memref<128x128xf32, #tpu.memory_space<vmem_shared>>
      %dma_wait3A_153 = arith.constant 0 : i32
      %dma_wait3A_154 = arith.constant 0 : i32
      %dma_wait3A_155 = tpu.memref_slice %arg9[%run_scoped3A_29, %dma_wait3A_153, %dma_wait3A_154] : memref<2x128x128xf32, #tpu.memory_space<vmem>> -> memref<1x128x128xf32, #tpu.memory_space<vmem>>
      %dma_wait3A_156 = tpu.memref_squeeze %dma_wait3A_155 : memref<1x128x128xf32, #tpu.memory_space<vmem>> -> memref<128x128xf32, #tpu.memory_space<vmem>>
      tpu.wait_dma2 semaphore(%run_scoped3A_132 : memref<!tpu.dma_semaphore, #tpu.memory_space<semaphore_mem>>) src(%dma_wait3A_156 : memref<128x128xf32, #tpu.memory_space<vmem>>) dst(%dma_wait3A_152 : memref<128x128xf32, #tpu.memory_space<vmem_shared>>)
      tpu.yield
    }) : () -> ()
    %barrier3A = arith.constant 0 : index
    tpu.barrier barrier_id(%barrier3A)
    %mul3A_30 = arith.constant 80 : i32
    %mul3A_31 = arith.muli %add3A, %mul3A_30 : i32
    %add3A_32 = arith.constant 0 : i32
    %add3A_33 = arith.addi %mul3A_31, %add3A_32 : i32
    "tpu.region"() ({
      %run_scoped3A_132 = tpu.sem_alloc : memref<!tpu.dma_semaphore, #tpu.memory_space<semaphore_mem>>
      %dma_start3A_133 = arith.constant 0 : i32
      %dma_start3A_134 = tpu.memref_slice %arg3[%add3A_33, %dma_start3A_133] : memref<2560x128xi32, #tpu.memory_space<hbm>> -> memref<40x128xi32, #tpu.memory_space<hbm>>
      %dma_start3A_135 = arith.constant 0 : i32
      %dma_start3A_136 = tpu.memref_slice %arg3[%add3A_33, %dma_start3A_135] : memref<2560x128xi32, #tpu.memory_space<hbm>> -> memref<40x128xi32, #tpu.memory_space<hbm>>
      tpu.enqueue_dma source(%dma_start3A_136 : memref<40x128xi32, #tpu.memory_space<hbm>>) target(%arg7 : memref<40x128xi32, #tpu.memory_space<vmem>>) target_semaphore(%run_scoped3A_132 : memref<!tpu.dma_semaphore, #tpu.memory_space<semaphore_mem>>)
      %dma_wait3A_137 = arith.constant 0 : i32
      %dma_wait3A_138 = tpu.memref_slice %arg3[%add3A_33, %dma_wait3A_137] : memref<2560x128xi32, #tpu.memory_space<hbm>> -> memref<40x128xi32, #tpu.memory_space<hbm>>
      %dma_wait3A_139 = arith.constant 0 : i32
      %dma_wait3A_140 = tpu.memref_slice %arg3[%add3A_33, %dma_wait3A_139] : memref<2560x128xi32, #tpu.memory_space<hbm>> -> memref<40x128xi32, #tpu.memory_space<hbm>>
      tpu.wait_dma2 semaphore(%run_scoped3A_132 : memref<!tpu.dma_semaphore, #tpu.memory_space<semaphore_mem>>) src(%dma_wait3A_140 : memref<40x128xi32, #tpu.memory_space<hbm>>) dst(%arg7 : memref<40x128xi32, #tpu.memory_space<vmem>>)
      tpu.yield
    }) : () -> ()
    "tpu.region"() ({
      %run_scoped3A_132 = tpu.sem_alloc : memref<!tpu.dma_semaphore, #tpu.memory_space<semaphore_mem>>
      %dma_start3A_133 = arith.constant 0 : i32
      %dma_start3A_134 = tpu.memref_slice %arg4[%add3A_33, %dma_start3A_133] : memref<2560x128xi32, #tpu.memory_space<hbm>> -> memref<40x128xi32, #tpu.memory_space<hbm>>
      %dma_start3A_135 = arith.constant 0 : i32
      %dma_start3A_136 = tpu.memref_slice %arg4[%add3A_33, %dma_start3A_135] : memref<2560x128xi32, #tpu.memory_space<hbm>> -> memref<40x128xi32, #tpu.memory_space<hbm>>
      tpu.enqueue_dma source(%dma_start3A_136 : memref<40x128xi32, #tpu.memory_space<hbm>>) target(%arg8 : memref<40x128xi32, #tpu.memory_space<vmem>>) target_semaphore(%run_scoped3A_132 : memref<!tpu.dma_semaphore, #tpu.memory_space<semaphore_mem>>)
      %dma_wait3A_137 = arith.constant 0 : i32
      %dma_wait3A_138 = tpu.memref_slice %arg4[%add3A_33, %dma_wait3A_137] : memref<2560x128xi32, #tpu.memory_space<hbm>> -> memref<40x128xi32, #tpu.memory_space<hbm>>
      %dma_wait3A_139 = arith.constant 0 : i32
      %dma_wait3A_140 = tpu.memref_slice %arg4[%add3A_33, %dma_wait3A_139] : memref<2560x128xi32, #tpu.memory_space<hbm>> -> memref<40x128xi32, #tpu.memory_space<hbm>>
      tpu.wait_dma2 semaphore(%run_scoped3A_132 : memref<!tpu.dma_semaphore, #tpu.memory_space<semaphore_mem>>) src(%dma_wait3A_140 : memref<40x128xi32, #tpu.memory_space<hbm>>) dst(%arg8 : memref<40x128xi32, #tpu.memory_space<vmem>>)
      tpu.yield
    }) : () -> ()
    %dma_start3A = arith.constant 0 : i32
    %dma_start3A_34 = arith.constant 0 : i32
    %dma_start3A_35 = arith.constant 0 : i32
    %dma_start3A_36 = arith.constant 0 : i32
    %dma_start3A_37 = tpu.memref_slice %arg9[%dma_start3A_34, %dma_start3A_35, %dma_start3A_36] : memref<2x128x128xf32, #tpu.memory_space<vmem>> -> memref<1x128x128xf32, #tpu.memory_space<vmem>>
    %dma_start3A_38 = tpu.memref_squeeze %dma_start3A_37 : memref<1x128x128xf32, #tpu.memory_space<vmem>> -> memref<128x128xf32, #tpu.memory_space<vmem>>
    %dma_start3A_39 = arith.constant 0 : i32
    %dma_start3A_40 = tpu.memref_slice %arg7[%dma_start3A, %dma_start3A_39] : memref<40x128xi32, #tpu.memory_space<vmem>> -> memref<1x128xi32, #tpu.memory_space<vmem>>
    %dma_start3A_41 = tpu.memref_squeeze %dma_start3A_40 : memref<1x128xi32, #tpu.memory_space<vmem>> -> memref<128xi32, #tpu.memory_space<vmem>>
    %dma_start3A_42 = arith.constant 0 : i32
    %dma_start3A_43 = arith.constant 0 : i32
    %dma_start3A_44 = tpu.memref_slice %arg2[%dma_start3A_42, %dma_start3A_43] : memref<10240x128xf32, #tpu.memory_space<hbm>> -> memref<10240x128xf32, #tpu.memory_space<hbm>>
    tpu.enqueue_indirect_dma source(%dma_start3A_44 : memref<10240x128xf32, #tpu.memory_space<hbm>>) target(%dma_start3A_38 : memref<128x128xf32, #tpu.memory_space<vmem>>) offsets(%dma_start3A_41 : memref<128xi32, #tpu.memory_space<vmem>>) semaphore(%arg11 : memref<!tpu.dma_semaphore, #tpu.memory_space<semaphore_mem>>)
    %scan3A_45 = arith.constant 0 : i32
    %scan3A_46 = arith.constant 0 : i32
    %scan3A_47 = arith.constant 1 : i32
    %scan3A_48 = arith.constant 0 : i32
    %scan3A_49 = arith.constant 20 : i32
    %scan3A_50 = arith.addi %scan3A_48, %scan3A_49 : i32
    %scan3A_51 = arith.constant 1 : i32
    scf.for %scan3A_132 = %scan3A_48 to %scan3A_50 step %scan3A_51  : i32 {
      %mul3A_133 = arith.constant 2 : i32
      %mul3A_134 = arith.muli %mul3A_133, %scan3A_132 : i32
      %dma_wait3A_135 = arith.constant 0 : i32
      %dma_wait3A_136 = arith.constant 0 : i32
      %dma_wait3A_137 = tpu.memref_slice %arg9[%scan3A_46, %dma_wait3A_135, %dma_wait3A_136] : memref<2x128x128xf32, #tpu.memory_space<vmem>> -> memref<1x128x128xf32, #tpu.memory_space<vmem>>
      %dma_wait3A_138 = tpu.memref_squeeze %dma_wait3A_137 : memref<1x128x128xf32, #tpu.memory_space<vmem>> -> memref<128x128xf32, #tpu.memory_space<vmem>>
      %dma_wait3A_139 = arith.constant 0 : i32
      %dma_wait3A_140 = arith.constant 0 : i32
      %dma_wait3A_141 = tpu.memref_slice %arg2[%dma_wait3A_139, %dma_wait3A_140] : memref<10240x128xf32, #tpu.memory_space<hbm>> -> memref<128x128xf32, #tpu.memory_space<hbm>>
      %dma_wait3A_142 = arith.constant 0 : i32
      %dma_wait3A_143 = arith.constant 0 : i32
      %dma_wait3A_144 = tpu.memref_slice %arg9[%scan3A_46, %dma_wait3A_142, %dma_wait3A_143] : memref<2x128x128xf32, #tpu.memory_space<vmem>> -> memref<1x128x128xf32, #tpu.memory_space<vmem>>
      %dma_wait3A_145 = tpu.memref_squeeze %dma_wait3A_144 : memref<1x128x128xf32, #tpu.memory_space<vmem>> -> memref<128x128xf32, #tpu.memory_space<vmem>>
      %dma_wait3A_146 = arith.constant 0 : i32
      %dma_wait3A_147 = arith.constant 0 : i32
      %dma_wait3A_148 = tpu.memref_slice %arg2[%dma_wait3A_146, %dma_wait3A_147] : memref<10240x128xf32, #tpu.memory_space<hbm>> -> memref<128x128xf32, #tpu.memory_space<hbm>>
      tpu.wait_dma2 semaphore(%arg11 : memref<!tpu.dma_semaphore, #tpu.memory_space<semaphore_mem>>) src(%dma_wait3A_148 : memref<128x128xf32, #tpu.memory_space<hbm>>) dst(%dma_wait3A_145 : memref<128x128xf32, #tpu.memory_space<vmem>>)
      %dma_start3A_149 = arith.constant 0 : i32
      %dma_start3A_150 = arith.constant 0 : i32
      %dma_start3A_151 = tpu.memref_slice %arg9[%scan3A_46, %dma_start3A_149, %dma_start3A_150] : memref<2x128x128xf32, #tpu.memory_space<vmem>> -> memref<1x128x128xf32, #tpu.memory_space<vmem>>
      %dma_start3A_152 = tpu.memref_squeeze %dma_start3A_151 : memref<1x128x128xf32, #tpu.memory_space<vmem>> -> memref<128x128xf32, #tpu.memory_space<vmem>>
      %dma_start3A_153 = arith.constant 0 : i32
      %dma_start3A_154 = tpu.memref_slice %arg8[%mul3A_134, %dma_start3A_153] : memref<40x128xi32, #tpu.memory_space<vmem>> -> memref<1x128xi32, #tpu.memory_space<vmem>>
      %dma_start3A_155 = tpu.memref_squeeze %dma_start3A_154 : memref<1x128xi32, #tpu.memory_space<vmem>> -> memref<128xi32, #tpu.memory_space<vmem>>
      %dma_start3A_156 = arith.constant 0 : i32
      %dma_start3A_157 = arith.constant 0 : i32
      %dma_start3A_158 = tpu.memref_slice %arg10[%dma_start3A_156, %dma_start3A_157] : memref<10240x128xf32, #tpu.memory_space<vmem_shared>> -> memref<10240x128xf32, #tpu.memory_space<vmem_shared>>
      tpu.enqueue_indirect_dma source(%dma_start3A_152 : memref<128x128xf32, #tpu.memory_space<vmem>>) target(%dma_start3A_158 : memref<10240x128xf32, #tpu.memory_space<vmem_shared>>) offsets(%dma_start3A_155 : memref<128xi32, #tpu.memory_space<vmem>>) semaphore(%arg13 : memref<!tpu.dma_semaphore, #tpu.memory_space<semaphore_mem>>) {add = true}
      %gt3A = arith.constant 0 : i32
      %gt3A_159 = arith.cmpi sgt, %scan3A_132, %gt3A : i32
      %convert_element_type3A_160 = arith.extui %gt3A_159 : i1 to i32
      %cond3A_161 = arith.constant 0 : i32
      %cond3A_162 = arith.cmpi ne, %convert_element_type3A_160, %cond3A_161 : i32
      scf.if %cond3A_162 {
        %dma_wait3A_205 = arith.constant 0 : i32
        %dma_wait3A_206 = arith.constant 0 : i32
        %dma_wait3A_207 = arith.constant 0 : i32
        %dma_wait3A_208 = tpu.memref_slice %arg9[%scan3A_47, %dma_wait3A_206, %dma_wait3A_207] : memref<2x128x128xf32, #tpu.memory_space<vmem>> -> memref<1x128x128xf32, #tpu.memory_space<vmem>>
        %dma_wait3A_209 = tpu.memref_squeeze %dma_wait3A_208 : memref<1x128x128xf32, #tpu.memory_space<vmem>> -> memref<128x128xf32, #tpu.memory_space<vmem>>
        %dma_wait3A_210 = arith.constant 0 : i32
        %dma_wait3A_211 = tpu.memref_slice %arg8[%dma_wait3A_205, %dma_wait3A_210] : memref<40x128xi32, #tpu.memory_space<vmem>> -> memref<1x128xi32, #tpu.memory_space<vmem>>
        %dma_wait3A_212 = tpu.memref_squeeze %dma_wait3A_211 : memref<1x128xi32, #tpu.memory_space<vmem>> -> memref<128xi32, #tpu.memory_space<vmem>>
        %dma_wait3A_213 = arith.constant 0 : i32
        %dma_wait3A_214 = arith.constant 0 : i32
        %dma_wait3A_215 = tpu.memref_slice %arg10[%dma_wait3A_213, %dma_wait3A_214] : memref<10240x128xf32, #tpu.memory_space<vmem_shared>> -> memref<10240x128xf32, #tpu.memory_space<vmem_shared>>
        tpu.wait_indirect_dma semaphore(%arg14 : memref<!tpu.dma_semaphore, #tpu.memory_space<semaphore_mem>>) src(%dma_wait3A_209 : memref<128x128xf32, #tpu.memory_space<vmem>>) dst(%dma_wait3A_215 : memref<10240x128xf32, #tpu.memory_space<vmem_shared>>)
      } else {
      }
      %add3A_163 = arith.constant 1 : i32
      %add3A_164 = arith.addi %mul3A_134, %add3A_163 : i32
      %dma_start3A_165 = arith.constant 0 : i32
      %dma_start3A_166 = arith.constant 0 : i32
      %dma_start3A_167 = tpu.memref_slice %arg9[%scan3A_47, %dma_start3A_165, %dma_start3A_166] : memref<2x128x128xf32, #tpu.memory_space<vmem>> -> memref<1x128x128xf32, #tpu.memory_space<vmem>>
      %dma_start3A_168 = tpu.memref_squeeze %dma_start3A_167 : memref<1x128x128xf32, #tpu.memory_space<vmem>> -> memref<128x128xf32, #tpu.memory_space<vmem>>
      %dma_start3A_169 = arith.constant 0 : i32
      %dma_start3A_170 = tpu.memref_slice %arg7[%add3A_164, %dma_start3A_169] : memref<40x128xi32, #tpu.memory_space<vmem>> -> memref<1x128xi32, #tpu.memory_space<vmem>>
      %dma_start3A_171 = tpu.memref_squeeze %dma_start3A_170 : memref<1x128xi32, #tpu.memory_space<vmem>> -> memref<128xi32, #tpu.memory_space<vmem>>
      %dma_start3A_172 = arith.constant 0 : i32
      %dma_start3A_173 = arith.constant 0 : i32
      %dma_start3A_174 = tpu.memref_slice %arg2[%dma_start3A_172, %dma_start3A_173] : memref<10240x128xf32, #tpu.memory_space<hbm>> -> memref<10240x128xf32, #tpu.memory_space<hbm>>
      tpu.enqueue_indirect_dma source(%dma_start3A_174 : memref<10240x128xf32, #tpu.memory_space<hbm>>) target(%dma_start3A_168 : memref<128x128xf32, #tpu.memory_space<vmem>>) offsets(%dma_start3A_171 : memref<128xi32, #tpu.memory_space<vmem>>) semaphore(%arg12 : memref<!tpu.dma_semaphore, #tpu.memory_space<semaphore_mem>>)
      %dma_wait3A_175 = arith.constant 0 : i32
      %dma_wait3A_176 = arith.constant 0 : i32
      %dma_wait3A_177 = tpu.memref_slice %arg9[%scan3A_47, %dma_wait3A_175, %dma_wait3A_176] : memref<2x128x128xf32, #tpu.memory_space<vmem>> -> memref<1x128x128xf32, #tpu.memory_space<vmem>>
      %dma_wait3A_178 = tpu.memref_squeeze %dma_wait3A_177 : memref<1x128x128xf32, #tpu.memory_space<vmem>> -> memref<128x128xf32, #tpu.memory_space<vmem>>
      %dma_wait3A_179 = arith.constant 0 : i32
      %dma_wait3A_180 = arith.constant 0 : i32
      %dma_wait3A_181 = tpu.memref_slice %arg2[%dma_wait3A_179, %dma_wait3A_180] : memref<10240x128xf32, #tpu.memory_space<hbm>> -> memref<128x128xf32, #tpu.memory_space<hbm>>
      %dma_wait3A_182 = arith.constant 0 : i32
      %dma_wait3A_183 = arith.constant 0 : i32
      %dma_wait3A_184 = tpu.memref_slice %arg9[%scan3A_47, %dma_wait3A_182, %dma_wait3A_183] : memref<2x128x128xf32, #tpu.memory_space<vmem>> -> memref<1x128x128xf32, #tpu.memory_space<vmem>>
      %dma_wait3A_185 = tpu.memref_squeeze %dma_wait3A_184 : memref<1x128x128xf32, #tpu.memory_space<vmem>> -> memref<128x128xf32, #tpu.memory_space<vmem>>
      %dma_wait3A_186 = arith.constant 0 : i32
      %dma_wait3A_187 = arith.constant 0 : i32
      %dma_wait3A_188 = tpu.memref_slice %arg2[%dma_wait3A_186, %dma_wait3A_187] : memref<10240x128xf32, #tpu.memory_space<hbm>> -> memref<128x128xf32, #tpu.memory_space<hbm>>
      tpu.wait_dma2 semaphore(%arg12 : memref<!tpu.dma_semaphore, #tpu.memory_space<semaphore_mem>>) src(%dma_wait3A_188 : memref<128x128xf32, #tpu.memory_space<hbm>>) dst(%dma_wait3A_185 : memref<128x128xf32, #tpu.memory_space<vmem>>)
      %add3A_189 = arith.constant 1 : i32
      %add3A_190 = arith.addi %mul3A_134, %add3A_189 : i32
      %dma_start3A_191 = arith.constant 0 : i32
      %dma_start3A_192 = arith.constant 0 : i32
      %dma_start3A_193 = tpu.memref_slice %arg9[%scan3A_47, %dma_start3A_191, %dma_start3A_192] : memref<2x128x128xf32, #tpu.memory_space<vmem>> -> memref<1x128x128xf32, #tpu.memory_space<vmem>>
      %dma_start3A_194 = tpu.memref_squeeze %dma_start3A_193 : memref<1x128x128xf32, #tpu.memory_space<vmem>> -> memref<128x128xf32, #tpu.memory_space<vmem>>
      %dma_start3A_195 = arith.constant 0 : i32
      %dma_start3A_196 = tpu.memref_slice %arg8[%add3A_190, %dma_start3A_195] : memref<40x128xi32, #tpu.memory_space<vmem>> -> memref<1x128xi32, #tpu.memory_space<vmem>>
      %dma_start3A_197 = tpu.memref_squeeze %dma_start3A_196 : memref<1x128xi32, #tpu.memory_space<vmem>> -> memref<128xi32, #tpu.memory_space<vmem>>
      %dma_start3A_198 = arith.constant 0 : i32
      %dma_start3A_199 = arith.constant 0 : i32
      %dma_start3A_200 = tpu.memref_slice %arg10[%dma_start3A_198, %dma_start3A_199] : memref<10240x128xf32, #tpu.memory_space<vmem_shared>> -> memref<10240x128xf32, #tpu.memory_space<vmem_shared>>
      tpu.enqueue_indirect_dma source(%dma_start3A_194 : memref<128x128xf32, #tpu.memory_space<vmem>>) target(%dma_start3A_200 : memref<10240x128xf32, #tpu.memory_space<vmem_shared>>) offsets(%dma_start3A_197 : memref<128xi32, #tpu.memory_space<vmem>>) semaphore(%arg14 : memref<!tpu.dma_semaphore, #tpu.memory_space<semaphore_mem>>) {add = true}
      %lt3A = arith.constant 19 : i32
      %lt3A_201 = arith.cmpi slt, %scan3A_132, %lt3A : i32
      %convert_element_type3A_202 = arith.extui %lt3A_201 : i1 to i32
      %cond3A_203 = arith.constant 0 : i32
      %cond3A_204 = arith.cmpi ne, %convert_element_type3A_202, %cond3A_203 : i32
      scf.if %cond3A_204 {
        %dma_wait3A_205 = arith.constant 0 : i32
        %dma_wait3A_206 = arith.constant 0 : i32
        %dma_wait3A_207 = arith.constant 0 : i32
        %dma_wait3A_208 = tpu.memref_slice %arg9[%scan3A_46, %dma_wait3A_206, %dma_wait3A_207] : memref<2x128x128xf32, #tpu.memory_space<vmem>> -> memref<1x128x128xf32, #tpu.memory_space<vmem>>
        %dma_wait3A_209 = tpu.memref_squeeze %dma_wait3A_208 : memref<1x128x128xf32, #tpu.memory_space<vmem>> -> memref<128x128xf32, #tpu.memory_space<vmem>>
        %dma_wait3A_210 = arith.constant 0 : i32
        %dma_wait3A_211 = tpu.memref_slice %arg8[%dma_wait3A_205, %dma_wait3A_210] : memref<40x128xi32, #tpu.memory_space<vmem>> -> memref<1x128xi32, #tpu.memory_space<vmem>>
        %dma_wait3A_212 = tpu.memref_squeeze %dma_wait3A_211 : memref<1x128xi32, #tpu.memory_space<vmem>> -> memref<128xi32, #tpu.memory_space<vmem>>
        %dma_wait3A_213 = arith.constant 0 : i32
        %dma_wait3A_214 = arith.constant 0 : i32
        %dma_wait3A_215 = tpu.memref_slice %arg10[%dma_wait3A_213, %dma_wait3A_214] : memref<10240x128xf32, #tpu.memory_space<vmem_shared>> -> memref<10240x128xf32, #tpu.memory_space<vmem_shared>>
        tpu.wait_indirect_dma semaphore(%arg13 : memref<!tpu.dma_semaphore, #tpu.memory_space<semaphore_mem>>) src(%dma_wait3A_209 : memref<128x128xf32, #tpu.memory_space<vmem>>) dst(%dma_wait3A_215 : memref<10240x128xf32, #tpu.memory_space<vmem_shared>>)
        %add3A_216 = arith.constant 2 : i32
        %add3A_217 = arith.addi %mul3A_134, %add3A_216 : i32
        %dma_start3A_218 = arith.constant 0 : i32
        %dma_start3A_219 = arith.constant 0 : i32
        %dma_start3A_220 = tpu.memref_slice %arg9[%scan3A_46, %dma_start3A_218, %dma_start3A_219] : memref<2x128x128xf32, #tpu.memory_space<vmem>> -> memref<1x128x128xf32, #tpu.memory_space<vmem>>
        %dma_start3A_221 = tpu.memref_squeeze %dma_start3A_220 : memref<1x128x128xf32, #tpu.memory_space<vmem>> -> memref<128x128xf32, #tpu.memory_space<vmem>>
        %dma_start3A_222 = arith.constant 0 : i32
        %dma_start3A_223 = tpu.memref_slice %arg7[%add3A_217, %dma_start3A_222] : memref<40x128xi32, #tpu.memory_space<vmem>> -> memref<1x128xi32, #tpu.memory_space<vmem>>
        %dma_start3A_224 = tpu.memref_squeeze %dma_start3A_223 : memref<1x128xi32, #tpu.memory_space<vmem>> -> memref<128xi32, #tpu.memory_space<vmem>>
        %dma_start3A_225 = arith.constant 0 : i32
        %dma_start3A_226 = arith.constant 0 : i32
        %dma_start3A_227 = tpu.memref_slice %arg2[%dma_start3A_225, %dma_start3A_226] : memref<10240x128xf32, #tpu.memory_space<hbm>> -> memref<10240x128xf32, #tpu.memory_space<hbm>>
        tpu.enqueue_indirect_dma source(%dma_start3A_227 : memref<10240x128xf32, #tpu.memory_space<hbm>>) target(%dma_start3A_221 : memref<128x128xf32, #tpu.memory_space<vmem>>) offsets(%dma_start3A_224 : memref<128xi32, #tpu.memory_space<vmem>>) semaphore(%arg11 : memref<!tpu.dma_semaphore, #tpu.memory_space<semaphore_mem>>)
      } else {
      }
    }
    %scan3A_52 = arith.constant 20 : i32
    %dma_wait3A = arith.constant 0 : i32
    %dma_wait3A_53 = arith.constant 0 : i32
    %dma_wait3A_54 = arith.constant 0 : i32
    %dma_wait3A_55 = arith.constant 0 : i32
    %dma_wait3A_56 = tpu.memref_slice %arg9[%dma_wait3A, %dma_wait3A_54, %dma_wait3A_55] : memref<2x128x128xf32, #tpu.memory_space<vmem>> -> memref<1x128x128xf32, #tpu.memory_space<vmem>>
    %dma_wait3A_57 = tpu.memref_squeeze %dma_wait3A_56 : memref<1x128x128xf32, #tpu.memory_space<vmem>> -> memref<128x128xf32, #tpu.memory_space<vmem>>
    %dma_wait3A_58 = arith.constant 0 : i32
    %dma_wait3A_59 = tpu.memref_slice %arg8[%dma_wait3A_53, %dma_wait3A_58] : memref<40x128xi32, #tpu.memory_space<vmem>> -> memref<1x128xi32, #tpu.memory_space<vmem>>
    %dma_wait3A_60 = tpu.memref_squeeze %dma_wait3A_59 : memref<1x128xi32, #tpu.memory_space<vmem>> -> memref<128xi32, #tpu.memory_space<vmem>>
    %dma_wait3A_61 = arith.constant 0 : i32
    %dma_wait3A_62 = arith.constant 0 : i32
    %dma_wait3A_63 = tpu.memref_slice %arg10[%dma_wait3A_61, %dma_wait3A_62] : memref<10240x128xf32, #tpu.memory_space<vmem_shared>> -> memref<10240x128xf32, #tpu.memory_space<vmem_shared>>
    tpu.wait_indirect_dma semaphore(%arg13 : memref<!tpu.dma_semaphore, #tpu.memory_space<semaphore_mem>>) src(%dma_wait3A_57 : memref<128x128xf32, #tpu.memory_space<vmem>>) dst(%dma_wait3A_63 : memref<10240x128xf32, #tpu.memory_space<vmem_shared>>)
    %dma_wait3A_64 = arith.constant 1 : i32
    %dma_wait3A_65 = arith.constant 0 : i32
    %dma_wait3A_66 = arith.constant 0 : i32
    %dma_wait3A_67 = arith.constant 0 : i32
    %dma_wait3A_68 = tpu.memref_slice %arg9[%dma_wait3A_64, %dma_wait3A_66, %dma_wait3A_67] : memref<2x128x128xf32, #tpu.memory_space<vmem>> -> memref<1x128x128xf32, #tpu.memory_space<vmem>>
    %dma_wait3A_69 = tpu.memref_squeeze %dma_wait3A_68 : memref<1x128x128xf32, #tpu.memory_space<vmem>> -> memref<128x128xf32, #tpu.memory_space<vmem>>
    %dma_wait3A_70 = arith.constant 0 : i32
    %dma_wait3A_71 = tpu.memref_slice %arg8[%dma_wait3A_65, %dma_wait3A_70] : memref<40x128xi32, #tpu.memory_space<vmem>> -> memref<1x128xi32, #tpu.memory_space<vmem>>
    %dma_wait3A_72 = tpu.memref_squeeze %dma_wait3A_71 : memref<1x128xi32, #tpu.memory_space<vmem>> -> memref<128xi32, #tpu.memory_space<vmem>>
    %dma_wait3A_73 = arith.constant 0 : i32
    %dma_wait3A_74 = arith.constant 0 : i32
    %dma_wait3A_75 = tpu.memref_slice %arg10[%dma_wait3A_73, %dma_wait3A_74] : memref<10240x128xf32, #tpu.memory_space<vmem_shared>> -> memref<10240x128xf32, #tpu.memory_space<vmem_shared>>
    tpu.wait_indirect_dma semaphore(%arg14 : memref<!tpu.dma_semaphore, #tpu.memory_space<semaphore_mem>>) src(%dma_wait3A_69 : memref<128x128xf32, #tpu.memory_space<vmem>>) dst(%dma_wait3A_75 : memref<10240x128xf32, #tpu.memory_space<vmem_shared>>)
    %mul3A_76 = arith.constant 80 : i32
    %mul3A_77 = arith.muli %add3A, %mul3A_76 : i32
    %add3A_78 = arith.constant 40 : i32
    %add3A_79 = arith.addi %mul3A_77, %add3A_78 : i32
    "tpu.region"() ({
      %run_scoped3A_132 = tpu.sem_alloc : memref<!tpu.dma_semaphore, #tpu.memory_space<semaphore_mem>>
      %dma_start3A_133 = arith.constant 0 : i32
      %dma_start3A_134 = tpu.memref_slice %arg3[%add3A_79, %dma_start3A_133] : memref<2560x128xi32, #tpu.memory_space<hbm>> -> memref<40x128xi32, #tpu.memory_space<hbm>>
      %dma_start3A_135 = arith.constant 0 : i32
      %dma_start3A_136 = tpu.memref_slice %arg3[%add3A_79, %dma_start3A_135] : memref<2560x128xi32, #tpu.memory_space<hbm>> -> memref<40x128xi32, #tpu.memory_space<hbm>>
      tpu.enqueue_dma source(%dma_start3A_136 : memref<40x128xi32, #tpu.memory_space<hbm>>) target(%arg7 : memref<40x128xi32, #tpu.memory_space<vmem>>) target_semaphore(%run_scoped3A_132 : memref<!tpu.dma_semaphore, #tpu.memory_space<semaphore_mem>>)
      %dma_wait3A_137 = arith.constant 0 : i32
      %dma_wait3A_138 = tpu.memref_slice %arg3[%add3A_79, %dma_wait3A_137] : memref<2560x128xi32, #tpu.memory_space<hbm>> -> memref<40x128xi32, #tpu.memory_space<hbm>>
      %dma_wait3A_139 = arith.constant 0 : i32
      %dma_wait3A_140 = tpu.memref_slice %arg3[%add3A_79, %dma_wait3A_139] : memref<2560x128xi32, #tpu.memory_space<hbm>> -> memref<40x128xi32, #tpu.memory_space<hbm>>
      tpu.wait_dma2 semaphore(%run_scoped3A_132 : memref<!tpu.dma_semaphore, #tpu.memory_space<semaphore_mem>>) src(%dma_wait3A_140 : memref<40x128xi32, #tpu.memory_space<hbm>>) dst(%arg7 : memref<40x128xi32, #tpu.memory_space<vmem>>)
      tpu.yield
    }) : () -> ()
    "tpu.region"() ({
      %run_scoped3A_132 = tpu.sem_alloc : memref<!tpu.dma_semaphore, #tpu.memory_space<semaphore_mem>>
      %dma_start3A_133 = arith.constant 0 : i32
      %dma_start3A_134 = tpu.memref_slice %arg4[%add3A_79, %dma_start3A_133] : memref<2560x128xi32, #tpu.memory_space<hbm>> -> memref<40x128xi32, #tpu.memory_space<hbm>>
      %dma_start3A_135 = arith.constant 0 : i32
      %dma_start3A_136 = tpu.memref_slice %arg4[%add3A_79, %dma_start3A_135] : memref<2560x128xi32, #tpu.memory_space<hbm>> -> memref<40x128xi32, #tpu.memory_space<hbm>>
      tpu.enqueue_dma source(%dma_start3A_136 : memref<40x128xi32, #tpu.memory_space<hbm>>) target(%arg8 : memref<40x128xi32, #tpu.memory_space<vmem>>) target_semaphore(%run_scoped3A_132 : memref<!tpu.dma_semaphore, #tpu.memory_space<semaphore_mem>>)
      %dma_wait3A_137 = arith.constant 0 : i32
      %dma_wait3A_138 = tpu.memref_slice %arg4[%add3A_79, %dma_wait3A_137] : memref<2560x128xi32, #tpu.memory_space<hbm>> -> memref<40x128xi32, #tpu.memory_space<hbm>>
      %dma_wait3A_139 = arith.constant 0 : i32
      %dma_wait3A_140 = tpu.memref_slice %arg4[%add3A_79, %dma_wait3A_139] : memref<2560x128xi32, #tpu.memory_space<hbm>> -> memref<40x128xi32, #tpu.memory_space<hbm>>
      tpu.wait_dma2 semaphore(%run_scoped3A_132 : memref<!tpu.dma_semaphore, #tpu.memory_space<semaphore_mem>>) src(%dma_wait3A_140 : memref<40x128xi32, #tpu.memory_space<hbm>>) dst(%arg8 : memref<40x128xi32, #tpu.memory_space<vmem>>)
      tpu.yield
    }) : () -> ()
    %dma_start3A_80 = arith.constant 0 : i32
    %dma_start3A_81 = arith.constant 0 : i32
    %dma_start3A_82 = arith.constant 0 : i32
    %dma_start3A_83 = arith.constant 0 : i32
    %dma_start3A_84 = tpu.memref_slice %arg9[%dma_start3A_81, %dma_start3A_82, %dma_start3A_83] : memref<2x128x128xf32, #tpu.memory_space<vmem>> -> memref<1x128x128xf32, #tpu.memory_space<vmem>>
    %dma_start3A_85 = tpu.memref_squeeze %dma_start3A_84 : memref<1x128x128xf32, #tpu.memory_space<vmem>> -> memref<128x128xf32, #tpu.memory_space<vmem>>
    %dma_start3A_86 = arith.constant 0 : i32
    %dma_start3A_87 = tpu.memref_slice %arg7[%dma_start3A_80, %dma_start3A_86] : memref<40x128xi32, #tpu.memory_space<vmem>> -> memref<1x128xi32, #tpu.memory_space<vmem>>
    %dma_start3A_88 = tpu.memref_squeeze %dma_start3A_87 : memref<1x128xi32, #tpu.memory_space<vmem>> -> memref<128xi32, #tpu.memory_space<vmem>>
    %dma_start3A_89 = arith.constant 0 : i32
    %dma_start3A_90 = arith.constant 0 : i32
    %dma_start3A_91 = tpu.memref_slice %arg2[%dma_start3A_89, %dma_start3A_90] : memref<10240x128xf32, #tpu.memory_space<hbm>> -> memref<10240x128xf32, #tpu.memory_space<hbm>>
    tpu.enqueue_indirect_dma source(%dma_start3A_91 : memref<10240x128xf32, #tpu.memory_space<hbm>>) target(%dma_start3A_85 : memref<128x128xf32, #tpu.memory_space<vmem>>) offsets(%dma_start3A_88 : memref<128xi32, #tpu.memory_space<vmem>>) semaphore(%arg11 : memref<!tpu.dma_semaphore, #tpu.memory_space<semaphore_mem>>)
    %scan3A_92 = arith.constant 0 : i32
    %scan3A_93 = arith.constant 0 : i32
    %scan3A_94 = arith.constant 1 : i32
    %scan3A_95 = arith.constant 0 : i32
    %scan3A_96 = arith.constant 20 : i32
    %scan3A_97 = arith.addi %scan3A_95, %scan3A_96 : i32
    %scan3A_98 = arith.constant 1 : i32
    scf.for %scan3A_132 = %scan3A_95 to %scan3A_97 step %scan3A_98  : i32 {
      %mul3A_133 = arith.constant 2 : i32
      %mul3A_134 = arith.muli %mul3A_133, %scan3A_132 : i32
      %dma_wait3A_135 = arith.constant 0 : i32
      %dma_wait3A_136 = arith.constant 0 : i32
      %dma_wait3A_137 = tpu.memref_slice %arg9[%scan3A_93, %dma_wait3A_135, %dma_wait3A_136] : memref<2x128x128xf32, #tpu.memory_space<vmem>> -> memref<1x128x128xf32, #tpu.memory_space<vmem>>
      %dma_wait3A_138 = tpu.memref_squeeze %dma_wait3A_137 : memref<1x128x128xf32, #tpu.memory_space<vmem>> -> memref<128x128xf32, #tpu.memory_space<vmem>>
      %dma_wait3A_139 = arith.constant 0 : i32
      %dma_wait3A_140 = arith.constant 0 : i32
      %dma_wait3A_141 = tpu.memref_slice %arg2[%dma_wait3A_139, %dma_wait3A_140] : memref<10240x128xf32, #tpu.memory_space<hbm>> -> memref<128x128xf32, #tpu.memory_space<hbm>>
      %dma_wait3A_142 = arith.constant 0 : i32
      %dma_wait3A_143 = arith.constant 0 : i32
      %dma_wait3A_144 = tpu.memref_slice %arg9[%scan3A_93, %dma_wait3A_142, %dma_wait3A_143] : memref<2x128x128xf32, #tpu.memory_space<vmem>> -> memref<1x128x128xf32, #tpu.memory_space<vmem>>
      %dma_wait3A_145 = tpu.memref_squeeze %dma_wait3A_144 : memref<1x128x128xf32, #tpu.memory_space<vmem>> -> memref<128x128xf32, #tpu.memory_space<vmem>>
      %dma_wait3A_146 = arith.constant 0 : i32
      %dma_wait3A_147 = arith.constant 0 : i32
      %dma_wait3A_148 = tpu.memref_slice %arg2[%dma_wait3A_146, %dma_wait3A_147] : memref<10240x128xf32, #tpu.memory_space<hbm>> -> memref<128x128xf32, #tpu.memory_space<hbm>>
      tpu.wait_dma2 semaphore(%arg11 : memref<!tpu.dma_semaphore, #tpu.memory_space<semaphore_mem>>) src(%dma_wait3A_148 : memref<128x128xf32, #tpu.memory_space<hbm>>) dst(%dma_wait3A_145 : memref<128x128xf32, #tpu.memory_space<vmem>>)
      %dma_start3A_149 = arith.constant 0 : i32
      %dma_start3A_150 = arith.constant 0 : i32
      %dma_start3A_151 = tpu.memref_slice %arg9[%scan3A_93, %dma_start3A_149, %dma_start3A_150] : memref<2x128x128xf32, #tpu.memory_space<vmem>> -> memref<1x128x128xf32, #tpu.memory_space<vmem>>
      %dma_start3A_152 = tpu.memref_squeeze %dma_start3A_151 : memref<1x128x128xf32, #tpu.memory_space<vmem>> -> memref<128x128xf32, #tpu.memory_space<vmem>>
      %dma_start3A_153 = arith.constant 0 : i32
      %dma_start3A_154 = tpu.memref_slice %arg8[%mul3A_134, %dma_start3A_153] : memref<40x128xi32, #tpu.memory_space<vmem>> -> memref<1x128xi32, #tpu.memory_space<vmem>>
      %dma_start3A_155 = tpu.memref_squeeze %dma_start3A_154 : memref<1x128xi32, #tpu.memory_space<vmem>> -> memref<128xi32, #tpu.memory_space<vmem>>
      %dma_start3A_156 = arith.constant 0 : i32
      %dma_start3A_157 = arith.constant 0 : i32
      %dma_start3A_158 = tpu.memref_slice %arg10[%dma_start3A_156, %dma_start3A_157] : memref<10240x128xf32, #tpu.memory_space<vmem_shared>> -> memref<10240x128xf32, #tpu.memory_space<vmem_shared>>
      tpu.enqueue_indirect_dma source(%dma_start3A_152 : memref<128x128xf32, #tpu.memory_space<vmem>>) target(%dma_start3A_158 : memref<10240x128xf32, #tpu.memory_space<vmem_shared>>) offsets(%dma_start3A_155 : memref<128xi32, #tpu.memory_space<vmem>>) semaphore(%arg13 : memref<!tpu.dma_semaphore, #tpu.memory_space<semaphore_mem>>) {add = true}
      %gt3A = arith.constant 0 : i32
      %gt3A_159 = arith.cmpi sgt, %scan3A_132, %gt3A : i32
      %convert_element_type3A_160 = arith.extui %gt3A_159 : i1 to i32
      %cond3A_161 = arith.constant 0 : i32
      %cond3A_162 = arith.cmpi ne, %convert_element_type3A_160, %cond3A_161 : i32
      scf.if %cond3A_162 {
        %dma_wait3A_205 = arith.constant 0 : i32
        %dma_wait3A_206 = arith.constant 0 : i32
        %dma_wait3A_207 = arith.constant 0 : i32
        %dma_wait3A_208 = tpu.memref_slice %arg9[%scan3A_94, %dma_wait3A_206, %dma_wait3A_207] : memref<2x128x128xf32, #tpu.memory_space<vmem>> -> memref<1x128x128xf32, #tpu.memory_space<vmem>>
        %dma_wait3A_209 = tpu.memref_squeeze %dma_wait3A_208 : memref<1x128x128xf32, #tpu.memory_space<vmem>> -> memref<128x128xf32, #tpu.memory_space<vmem>>
        %dma_wait3A_210 = arith.constant 0 : i32
        %dma_wait3A_211 = tpu.memref_slice %arg8[%dma_wait3A_205, %dma_wait3A_210] : memref<40x128xi32, #tpu.memory_space<vmem>> -> memref<1x128xi32, #tpu.memory_space<vmem>>
        %dma_wait3A_212 = tpu.memref_squeeze %dma_wait3A_211 : memref<1x128xi32, #tpu.memory_space<vmem>> -> memref<128xi32, #tpu.memory_space<vmem>>
        %dma_wait3A_213 = arith.constant 0 : i32
        %dma_wait3A_214 = arith.constant 0 : i32
        %dma_wait3A_215 = tpu.memref_slice %arg10[%dma_wait3A_213, %dma_wait3A_214] : memref<10240x128xf32, #tpu.memory_space<vmem_shared>> -> memref<10240x128xf32, #tpu.memory_space<vmem_shared>>
        tpu.wait_indirect_dma semaphore(%arg14 : memref<!tpu.dma_semaphore, #tpu.memory_space<semaphore_mem>>) src(%dma_wait3A_209 : memref<128x128xf32, #tpu.memory_space<vmem>>) dst(%dma_wait3A_215 : memref<10240x128xf32, #tpu.memory_space<vmem_shared>>)
      } else {
      }
      %add3A_163 = arith.constant 1 : i32
      %add3A_164 = arith.addi %mul3A_134, %add3A_163 : i32
      %dma_start3A_165 = arith.constant 0 : i32
      %dma_start3A_166 = arith.constant 0 : i32
      %dma_start3A_167 = tpu.memref_slice %arg9[%scan3A_94, %dma_start3A_165, %dma_start3A_166] : memref<2x128x128xf32, #tpu.memory_space<vmem>> -> memref<1x128x128xf32, #tpu.memory_space<vmem>>
      %dma_start3A_168 = tpu.memref_squeeze %dma_start3A_167 : memref<1x128x128xf32, #tpu.memory_space<vmem>> -> memref<128x128xf32, #tpu.memory_space<vmem>>
      %dma_start3A_169 = arith.constant 0 : i32
      %dma_start3A_170 = tpu.memref_slice %arg7[%add3A_164, %dma_start3A_169] : memref<40x128xi32, #tpu.memory_space<vmem>> -> memref<1x128xi32, #tpu.memory_space<vmem>>
      %dma_start3A_171 = tpu.memref_squeeze %dma_start3A_170 : memref<1x128xi32, #tpu.memory_space<vmem>> -> memref<128xi32, #tpu.memory_space<vmem>>
      %dma_start3A_172 = arith.constant 0 : i32
      %dma_start3A_173 = arith.constant 0 : i32
      %dma_start3A_174 = tpu.memref_slice %arg2[%dma_start3A_172, %dma_start3A_173] : memref<10240x128xf32, #tpu.memory_space<hbm>> -> memref<10240x128xf32, #tpu.memory_space<hbm>>
      tpu.enqueue_indirect_dma source(%dma_start3A_174 : memref<10240x128xf32, #tpu.memory_space<hbm>>) target(%dma_start3A_168 : memref<128x128xf32, #tpu.memory_space<vmem>>) offsets(%dma_start3A_171 : memref<128xi32, #tpu.memory_space<vmem>>) semaphore(%arg12 : memref<!tpu.dma_semaphore, #tpu.memory_space<semaphore_mem>>)
      %dma_wait3A_175 = arith.constant 0 : i32
      %dma_wait3A_176 = arith.constant 0 : i32
      %dma_wait3A_177 = tpu.memref_slice %arg9[%scan3A_94, %dma_wait3A_175, %dma_wait3A_176] : memref<2x128x128xf32, #tpu.memory_space<vmem>> -> memref<1x128x128xf32, #tpu.memory_space<vmem>>
      %dma_wait3A_178 = tpu.memref_squeeze %dma_wait3A_177 : memref<1x128x128xf32, #tpu.memory_space<vmem>> -> memref<128x128xf32, #tpu.memory_space<vmem>>
      %dma_wait3A_179 = arith.constant 0 : i32
      %dma_wait3A_180 = arith.constant 0 : i32
      %dma_wait3A_181 = tpu.memref_slice %arg2[%dma_wait3A_179, %dma_wait3A_180] : memref<10240x128xf32, #tpu.memory_space<hbm>> -> memref<128x128xf32, #tpu.memory_space<hbm>>
      %dma_wait3A_182 = arith.constant 0 : i32
      %dma_wait3A_183 = arith.constant 0 : i32
      %dma_wait3A_184 = tpu.memref_slice %arg9[%scan3A_94, %dma_wait3A_182, %dma_wait3A_183] : memref<2x128x128xf32, #tpu.memory_space<vmem>> -> memref<1x128x128xf32, #tpu.memory_space<vmem>>
      %dma_wait3A_185 = tpu.memref_squeeze %dma_wait3A_184 : memref<1x128x128xf32, #tpu.memory_space<vmem>> -> memref<128x128xf32, #tpu.memory_space<vmem>>
      %dma_wait3A_186 = arith.constant 0 : i32
      %dma_wait3A_187 = arith.constant 0 : i32
      %dma_wait3A_188 = tpu.memref_slice %arg2[%dma_wait3A_186, %dma_wait3A_187] : memref<10240x128xf32, #tpu.memory_space<hbm>> -> memref<128x128xf32, #tpu.memory_space<hbm>>
      tpu.wait_dma2 semaphore(%arg12 : memref<!tpu.dma_semaphore, #tpu.memory_space<semaphore_mem>>) src(%dma_wait3A_188 : memref<128x128xf32, #tpu.memory_space<hbm>>) dst(%dma_wait3A_185 : memref<128x128xf32, #tpu.memory_space<vmem>>)
      %add3A_189 = arith.constant 1 : i32
      %add3A_190 = arith.addi %mul3A_134, %add3A_189 : i32
      %dma_start3A_191 = arith.constant 0 : i32
      %dma_start3A_192 = arith.constant 0 : i32
      %dma_start3A_193 = tpu.memref_slice %arg9[%scan3A_94, %dma_start3A_191, %dma_start3A_192] : memref<2x128x128xf32, #tpu.memory_space<vmem>> -> memref<1x128x128xf32, #tpu.memory_space<vmem>>
      %dma_start3A_194 = tpu.memref_squeeze %dma_start3A_193 : memref<1x128x128xf32, #tpu.memory_space<vmem>> -> memref<128x128xf32, #tpu.memory_space<vmem>>
      %dma_start3A_195 = arith.constant 0 : i32
      %dma_start3A_196 = tpu.memref_slice %arg8[%add3A_190, %dma_start3A_195] : memref<40x128xi32, #tpu.memory_space<vmem>> -> memref<1x128xi32, #tpu.memory_space<vmem>>
      %dma_start3A_197 = tpu.memref_squeeze %dma_start3A_196 : memref<1x128xi32, #tpu.memory_space<vmem>> -> memref<128xi32, #tpu.memory_space<vmem>>
      %dma_start3A_198 = arith.constant 0 : i32
      %dma_start3A_199 = arith.constant 0 : i32
      %dma_start3A_200 = tpu.memref_slice %arg10[%dma_start3A_198, %dma_start3A_199] : memref<10240x128xf32, #tpu.memory_space<vmem_shared>> -> memref<10240x128xf32, #tpu.memory_space<vmem_shared>>
      tpu.enqueue_indirect_dma source(%dma_start3A_194 : memref<128x128xf32, #tpu.memory_space<vmem>>) target(%dma_start3A_200 : memref<10240x128xf32, #tpu.memory_space<vmem_shared>>) offsets(%dma_start3A_197 : memref<128xi32, #tpu.memory_space<vmem>>) semaphore(%arg14 : memref<!tpu.dma_semaphore, #tpu.memory_space<semaphore_mem>>) {add = true}
      %lt3A = arith.constant 19 : i32
      %lt3A_201 = arith.cmpi slt, %scan3A_132, %lt3A : i32
      %convert_element_type3A_202 = arith.extui %lt3A_201 : i1 to i32
      %cond3A_203 = arith.constant 0 : i32
      %cond3A_204 = arith.cmpi ne, %convert_element_type3A_202, %cond3A_203 : i32
      scf.if %cond3A_204 {
        %dma_wait3A_205 = arith.constant 0 : i32
        %dma_wait3A_206 = arith.constant 0 : i32
        %dma_wait3A_207 = arith.constant 0 : i32
        %dma_wait3A_208 = tpu.memref_slice %arg9[%scan3A_93, %dma_wait3A_206, %dma_wait3A_207] : memref<2x128x128xf32, #tpu.memory_space<vmem>> -> memref<1x128x128xf32, #tpu.memory_space<vmem>>
        %dma_wait3A_209 = tpu.memref_squeeze %dma_wait3A_208 : memref<1x128x128xf32, #tpu.memory_space<vmem>> -> memref<128x128xf32, #tpu.memory_space<vmem>>
        %dma_wait3A_210 = arith.constant 0 : i32
        %dma_wait3A_211 = tpu.memref_slice %arg8[%dma_wait3A_205, %dma_wait3A_210] : memref<40x128xi32, #tpu.memory_space<vmem>> -> memref<1x128xi32, #tpu.memory_space<vmem>>
        %dma_wait3A_212 = tpu.memref_squeeze %dma_wait3A_211 : memref<1x128xi32, #tpu.memory_space<vmem>> -> memref<128xi32, #tpu.memory_space<vmem>>
        %dma_wait3A_213 = arith.constant 0 : i32
        %dma_wait3A_214 = arith.constant 0 : i32
        %dma_wait3A_215 = tpu.memref_slice %arg10[%dma_wait3A_213, %dma_wait3A_214] : memref<10240x128xf32, #tpu.memory_space<vmem_shared>> -> memref<10240x128xf32, #tpu.memory_space<vmem_shared>>
        tpu.wait_indirect_dma semaphore(%arg13 : memref<!tpu.dma_semaphore, #tpu.memory_space<semaphore_mem>>) src(%dma_wait3A_209 : memref<128x128xf32, #tpu.memory_space<vmem>>) dst(%dma_wait3A_215 : memref<10240x128xf32, #tpu.memory_space<vmem_shared>>)
        %add3A_216 = arith.constant 2 : i32
        %add3A_217 = arith.addi %mul3A_134, %add3A_216 : i32
        %dma_start3A_218 = arith.constant 0 : i32
        %dma_start3A_219 = arith.constant 0 : i32
        %dma_start3A_220 = tpu.memref_slice %arg9[%scan3A_93, %dma_start3A_218, %dma_start3A_219] : memref<2x128x128xf32, #tpu.memory_space<vmem>> -> memref<1x128x128xf32, #tpu.memory_space<vmem>>
        %dma_start3A_221 = tpu.memref_squeeze %dma_start3A_220 : memref<1x128x128xf32, #tpu.memory_space<vmem>> -> memref<128x128xf32, #tpu.memory_space<vmem>>
        %dma_start3A_222 = arith.constant 0 : i32
        %dma_start3A_223 = tpu.memref_slice %arg7[%add3A_217, %dma_start3A_222] : memref<40x128xi32, #tpu.memory_space<vmem>> -> memref<1x128xi32, #tpu.memory_space<vmem>>
        %dma_start3A_224 = tpu.memref_squeeze %dma_start3A_223 : memref<1x128xi32, #tpu.memory_space<vmem>> -> memref<128xi32, #tpu.memory_space<vmem>>
        %dma_start3A_225 = arith.constant 0 : i32
        %dma_start3A_226 = arith.constant 0 : i32
        %dma_start3A_227 = tpu.memref_slice %arg2[%dma_start3A_225, %dma_start3A_226] : memref<10240x128xf32, #tpu.memory_space<hbm>> -> memref<10240x128xf32, #tpu.memory_space<hbm>>
        tpu.enqueue_indirect_dma source(%dma_start3A_227 : memref<10240x128xf32, #tpu.memory_space<hbm>>) target(%dma_start3A_221 : memref<128x128xf32, #tpu.memory_space<vmem>>) offsets(%dma_start3A_224 : memref<128xi32, #tpu.memory_space<vmem>>) semaphore(%arg11 : memref<!tpu.dma_semaphore, #tpu.memory_space<semaphore_mem>>)
      } else {
      }
    }
    %scan3A_99 = arith.constant 20 : i32
    %dma_wait3A_100 = arith.constant 0 : i32
    %dma_wait3A_101 = arith.constant 0 : i32
    %dma_wait3A_102 = arith.constant 0 : i32
    %dma_wait3A_103 = arith.constant 0 : i32
    %dma_wait3A_104 = tpu.memref_slice %arg9[%dma_wait3A_100, %dma_wait3A_102, %dma_wait3A_103] : memref<2x128x128xf32, #tpu.memory_space<vmem>> -> memref<1x128x128xf32, #tpu.memory_space<vmem>>
    %dma_wait3A_105 = tpu.memref_squeeze %dma_wait3A_104 : memref<1x128x128xf32, #tpu.memory_space<vmem>> -> memref<128x128xf32, #tpu.memory_space<vmem>>
    %dma_wait3A_106 = arith.constant 0 : i32
    %dma_wait3A_107 = tpu.memref_slice %arg8[%dma_wait3A_101, %dma_wait3A_106] : memref<40x128xi32, #tpu.memory_space<vmem>> -> memref<1x128xi32, #tpu.memory_space<vmem>>
    %dma_wait3A_108 = tpu.memref_squeeze %dma_wait3A_107 : memref<1x128xi32, #tpu.memory_space<vmem>> -> memref<128xi32, #tpu.memory_space<vmem>>
    %dma_wait3A_109 = arith.constant 0 : i32
    %dma_wait3A_110 = arith.constant 0 : i32
    %dma_wait3A_111 = tpu.memref_slice %arg10[%dma_wait3A_109, %dma_wait3A_110] : memref<10240x128xf32, #tpu.memory_space<vmem_shared>> -> memref<10240x128xf32, #tpu.memory_space<vmem_shared>>
    tpu.wait_indirect_dma semaphore(%arg13 : memref<!tpu.dma_semaphore, #tpu.memory_space<semaphore_mem>>) src(%dma_wait3A_105 : memref<128x128xf32, #tpu.memory_space<vmem>>) dst(%dma_wait3A_111 : memref<10240x128xf32, #tpu.memory_space<vmem_shared>>)
    %dma_wait3A_112 = arith.constant 1 : i32
    %dma_wait3A_113 = arith.constant 0 : i32
    %dma_wait3A_114 = arith.constant 0 : i32
    %dma_wait3A_115 = arith.constant 0 : i32
    %dma_wait3A_116 = tpu.memref_slice %arg9[%dma_wait3A_112, %dma_wait3A_114, %dma_wait3A_115] : memref<2x128x128xf32, #tpu.memory_space<vmem>> -> memref<1x128x128xf32, #tpu.memory_space<vmem>>
    %dma_wait3A_117 = tpu.memref_squeeze %dma_wait3A_116 : memref<1x128x128xf32, #tpu.memory_space<vmem>> -> memref<128x128xf32, #tpu.memory_space<vmem>>
    %dma_wait3A_118 = arith.constant 0 : i32
    %dma_wait3A_119 = tpu.memref_slice %arg8[%dma_wait3A_113, %dma_wait3A_118] : memref<40x128xi32, #tpu.memory_space<vmem>> -> memref<1x128xi32, #tpu.memory_space<vmem>>
    %dma_wait3A_120 = tpu.memref_squeeze %dma_wait3A_119 : memref<1x128xi32, #tpu.memory_space<vmem>> -> memref<128xi32, #tpu.memory_space<vmem>>
    %dma_wait3A_121 = arith.constant 0 : i32
    %dma_wait3A_122 = arith.constant 0 : i32
    %dma_wait3A_123 = tpu.memref_slice %arg10[%dma_wait3A_121, %dma_wait3A_122] : memref<10240x128xf32, #tpu.memory_space<vmem_shared>> -> memref<10240x128xf32, #tpu.memory_space<vmem_shared>>
    tpu.wait_indirect_dma semaphore(%arg14 : memref<!tpu.dma_semaphore, #tpu.memory_space<semaphore_mem>>) src(%dma_wait3A_117 : memref<128x128xf32, #tpu.memory_space<vmem>>) dst(%dma_wait3A_123 : memref<10240x128xf32, #tpu.memory_space<vmem_shared>>)
    %barrier3A_124 = arith.constant 0 : index
    tpu.barrier barrier_id(%barrier3A_124)
    %eq3A = arith.constant 0 : i32
    %eq3A_125 = arith.cmpi eq, %arg0, %eq3A : i32
    %convert_element_type3A = arith.extui %eq3A_125 : i1 to i32
    %cond3A = arith.constant 0 : i32
    %cond3A_126 = arith.cmpi ne, %convert_element_type3A, %cond3A : i32
    scf.if %cond3A_126 {
      %mul3A_132 = arith.constant 640 : i32
      %mul3A_133 = arith.muli %arg1, %mul3A_132 : i32
      %mul3A_134 = arith.constant 640 : i32
      %mul3A_135 = arith.muli %arg1, %mul3A_134 : i32
      "tpu.region"() ({
        %run_scoped3A_136 = tpu.sem_alloc : memref<!tpu.dma_semaphore, #tpu.memory_space<semaphore_mem>>
        %dma_start3A_137 = arith.constant 0 : i32
        %dma_start3A_138 = tpu.memref_slice %arg5[%mul3A_135, %dma_start3A_137] : memref<10240x128xf32, #tpu.memory_space<hbm>> -> memref<640x128xf32, #tpu.memory_space<hbm>>
        %dma_start3A_139 = arith.constant 0 : i32
        %dma_start3A_140 = tpu.memref_slice %arg10[%mul3A_133, %dma_start3A_139] : memref<10240x128xf32, #tpu.memory_space<vmem_shared>> -> memref<640x128xf32, #tpu.memory_space<vmem_shared>>
        tpu.enqueue_dma source(%dma_start3A_140 : memref<640x128xf32, #tpu.memory_space<vmem_shared>>) target(%dma_start3A_138 : memref<640x128xf32, #tpu.memory_space<hbm>>) target_semaphore(%run_scoped3A_136 : memref<!tpu.dma_semaphore, #tpu.memory_space<semaphore_mem>>)
        %dma_wait3A_141 = arith.constant 0 : i32
        %dma_wait3A_142 = tpu.memref_slice %arg5[%mul3A_135, %dma_wait3A_141] : memref<10240x128xf32, #tpu.memory_space<hbm>> -> memref<640x128xf32, #tpu.memory_space<hbm>>
        %dma_wait3A_143 = arith.constant 0 : i32
        %dma_wait3A_144 = tpu.memref_slice %arg10[%mul3A_133, %dma_wait3A_143] : memref<10240x128xf32, #tpu.memory_space<vmem_shared>> -> memref<640x128xf32, #tpu.memory_space<vmem_shared>>
        tpu.wait_dma2 semaphore(%run_scoped3A_136 : memref<!tpu.dma_semaphore, #tpu.memory_space<semaphore_mem>>) src(%dma_wait3A_144 : memref<640x128xf32, #tpu.memory_space<vmem_shared>>) dst(%dma_wait3A_142 : memref<640x128xf32, #tpu.memory_space<hbm>>)
        tpu.yield
      }) : () -> ()
    } else {
    }
    %eq3A_127 = arith.constant 1 : i32
    %eq3A_128 = arith.cmpi eq, %arg0, %eq3A_127 : i32
    %convert_element_type3A_129 = arith.extui %eq3A_128 : i1 to i32
    %cond3A_130 = arith.constant 0 : i32
    %cond3A_131 = arith.cmpi ne, %convert_element_type3A_129, %cond3A_130 : i32
    scf.if %cond3A_131 {
      %mul3A_132 = arith.constant 640 : i32
      %mul3A_133 = arith.muli %arg1, %mul3A_132 : i32
      %mul3A_134 = arith.constant 640 : i32
      %mul3A_135 = arith.muli %arg1, %mul3A_134 : i32
      "tpu.region"() ({
        %run_scoped3A_136 = tpu.sem_alloc : memref<!tpu.dma_semaphore, #tpu.memory_space<semaphore_mem>>
        %dma_start3A_137 = arith.constant 0 : i32
        %dma_start3A_138 = tpu.memref_slice %arg6[%mul3A_135, %dma_start3A_137] : memref<10240x128xf32, #tpu.memory_space<hbm>> -> memref<640x128xf32, #tpu.memory_space<hbm>>
        %dma_start3A_139 = arith.constant 0 : i32
        %dma_start3A_140 = tpu.memref_slice %arg10[%mul3A_133, %dma_start3A_139] : memref<10240x128xf32, #tpu.memory_space<vmem_shared>> -> memref<640x128xf32, #tpu.memory_space<vmem_shared>>
        tpu.enqueue_dma source(%dma_start3A_140 : memref<640x128xf32, #tpu.memory_space<vmem_shared>>) target(%dma_start3A_138 : memref<640x128xf32, #tpu.memory_space<hbm>>) target_semaphore(%run_scoped3A_136 : memref<!tpu.dma_semaphore, #tpu.memory_space<semaphore_mem>>)
        %dma_wait3A_141 = arith.constant 0 : i32
        %dma_wait3A_142 = tpu.memref_slice %arg6[%mul3A_135, %dma_wait3A_141] : memref<10240x128xf32, #tpu.memory_space<hbm>> -> memref<640x128xf32, #tpu.memory_space<hbm>>
        %dma_wait3A_143 = arith.constant 0 : i32
        %dma_wait3A_144 = tpu.memref_slice %arg10[%mul3A_133, %dma_wait3A_143] : memref<10240x128xf32, #tpu.memory_space<vmem_shared>> -> memref<640x128xf32, #tpu.memory_space<vmem_shared>>
        tpu.wait_dma2 semaphore(%run_scoped3A_136 : memref<!tpu.dma_semaphore, #tpu.memory_space<semaphore_mem>>) src(%dma_wait3A_144 : memref<640x128xf32, #tpu.memory_space<vmem_shared>>) dst(%dma_wait3A_142 : memref<640x128xf32, #tpu.memory_space<hbm>>)
        tpu.yield
      }) : () -> ()
    } else {
    }
    return
  }
}

module attributes {stable_mosaic.version = 14 : i64} {
  func.func @_tc_prep_body(%arg0: i32, %arg1: memref<1024xf32, #tpu.memory_space<vmem>>, %arg2: memref<1024xf32, #tpu.memory_space<vmem>>, %arg3: memref<1024x128xf32, #tpu.memory_space<vmem>>, %arg4: memref<1024x1xf32, #tpu.memory_space<vmem>>, %arg5: memref<1024x128xf32, #tpu.memory_space<vmem>>) attributes {dimension_semantics = [#tpu.dimension_semantics<arbitrary>], iteration_bounds = array<i64: 10>, scalar_prefetch = 0 : i64, scratch_operands = 0 : i64, tpu.core_type = #tpu.core_type<tc>, window_params = [{transform_indices = @transform_0, window_bounds = array<i64: 1024>}, {transform_indices = @transform_1, window_bounds = array<i64: 1024>}, {transform_indices = @transform_2, window_bounds = array<i64: 1024, 128>}, {transform_indices = @transform_3, window_bounds = array<i64: 1024, 1>}, {transform_indices = @transform_4, window_bounds = array<i64: 1024, 128>}]} {
    %get3A = arith.constant 0 : index
    %get3A_0 = vector.load %arg1[%get3A] : memref<1024xf32, #tpu.memory_space<vmem>>, vector<1024xf32>
    %get3A_1 = arith.constant 0 : index
    %get3A_2 = vector.load %arg2[%get3A_1] : memref<1024xf32, #tpu.memory_space<vmem>>, vector<1024xf32>
    %add3A = arith.addf %get3A_0, %get3A_2 : vector<1024xf32>
    %add3A_3 = arith.constant 1.000000e+00 : f32
    %add3A_4 = vector.broadcast %add3A_3 : f32 to vector<1024xf32>
    %add3A_5 = arith.addf %add3A, %add3A_4 : vector<1024xf32>
    %rsqrt3A = math.rsqrt %add3A_5 : vector<1024xf32>
    %broadcast_in_dim3A = vector.shape_cast %rsqrt3A : vector<1024xf32> to vector<1024x1xf32>
    %swap3A = arith.constant 0 : index
    %swap3A_6 = arith.constant 0 : index
    %swap3A_7 = vector.load %arg4[%swap3A, %swap3A_6] : memref<1024x1xf32, #tpu.memory_space<vmem>>, vector<1024x1xf32>
    tpu.vector_store %arg4[%swap3A, %swap3A_6], %broadcast_in_dim3A {strides = array<i32>} : memref<1024x1xf32, #tpu.memory_space<vmem>>, vector<1024x1xf32>,
    %get3A_8 = arith.constant 0 : index
    %get3A_9 = arith.constant 0 : index
    %get3A_10 = vector.load %arg3[%get3A_8, %get3A_9] : memref<1024x128xf32, #tpu.memory_space<vmem>>, vector<1024x128xf32>
    %mul3A = vector.broadcast %broadcast_in_dim3A : vector<1024x1xf32> to vector<1024x128xf32>
    %mul3A_11 = arith.mulf %mul3A, %get3A_10 : vector<1024x128xf32>
    %swap3A_12 = arith.constant 0 : index
    %swap3A_13 = arith.constant 0 : index
    %swap3A_14 = vector.load %arg5[%swap3A_12, %swap3A_13] : memref<1024x128xf32, #tpu.memory_space<vmem>>, vector<1024x128xf32>
    tpu.vector_store %arg5[%swap3A_12, %swap3A_13], %mul3A_11 {strides = array<i32>} : memref<1024x128xf32, #tpu.memory_space<vmem>>, vector<1024x128xf32>,
    return
  }
  func.func @transform_0(%arg0: i32) -> i32 {
    %c0_i32 = arith.constant 0 : i32
    return %arg0 : i32
  }
  func.func @transform_1(%arg0: i32) -> i32 {
    %c0_i32 = arith.constant 0 : i32
    return %arg0 : i32
  }
  func.func @transform_2(%arg0: i32) -> (i32, i32) {
    %c0_i32 = arith.constant 0 : i32
    %c0_i32_0 = arith.constant 0 : i32
    return %arg0, %c0_i32 : i32, i32
  }
  func.func @transform_3(%arg0: i32) -> (i32, i32) {
    %c0_i32 = arith.constant 0 : i32
    %c0_i32_0 = arith.constant 0 : i32
    return %arg0, %c0_i32 : i32, i32
  }
  func.func @transform_4(%arg0: i32) -> (i32, i32) {
    %c0_i32 = arith.constant 0 : i32
    %c0_i32_0 = arith.constant 0 : i32
    return %arg0, %c0_i32 : i32, i32
  }
}

module attributes {stable_mosaic.version = 14 : i64} {
  func.func @_tc_mid_body(%arg0: i32, %arg1: memref<1024x128xf32, #tpu.memory_space<vmem>>, %arg2: memref<1024x128xf32, #tpu.memory_space<vmem>>, %arg3: memref<1024x128xf32, #tpu.memory_space<vmem>>, %arg4: memref<1024x1xf32, #tpu.memory_space<vmem>>, %arg5: memref<128x128xf32, #tpu.memory_space<vmem>>, %arg6: memref<1x128xf32, #tpu.memory_space<vmem>>, %arg7: memref<1024x128xf32, #tpu.memory_space<vmem>>) attributes {dimension_semantics = [#tpu.dimension_semantics<arbitrary>], iteration_bounds = array<i64: 10>, scalar_prefetch = 0 : i64, scratch_operands = 0 : i64, tpu.core_type = #tpu.core_type<tc>, window_params = [{transform_indices = @transform_0, window_bounds = array<i64: 1024, 128>}, {transform_indices = @transform_1, window_bounds = array<i64: 1024, 128>}, {transform_indices = @transform_2, window_bounds = array<i64: 1024, 128>}, {transform_indices = @transform_3, window_bounds = array<i64: 1024, 1>}, {pipeline_mode = #tpu.pipeline_mode<synchronous>, transform_indices = @transform_4, window_bounds = array<i64: 128, 128>}, {pipeline_mode = #tpu.pipeline_mode<synchronous>, transform_indices = @transform_5, window_bounds = array<i64: 1, 128>}, {transform_indices = @transform_6, window_bounds = array<i64: 1024, 128>}]} {
    %get3A = arith.constant 0 : index
    %get3A_0 = arith.constant 0 : index
    %get3A_1 = vector.load %arg4[%get3A, %get3A_0] : memref<1024x1xf32, #tpu.memory_space<vmem>>, vector<1024x1xf32>
    %get3A_2 = arith.constant 0 : index
    %get3A_3 = arith.constant 0 : index
    %get3A_4 = vector.load %arg1[%get3A_2, %get3A_3] : memref<1024x128xf32, #tpu.memory_space<vmem>>, vector<1024x128xf32>
    %get3A_5 = arith.constant 0 : index
    %get3A_6 = arith.constant 0 : index
    %get3A_7 = vector.load %arg2[%get3A_5, %get3A_6] : memref<1024x128xf32, #tpu.memory_space<vmem>>, vector<1024x128xf32>
    %add3A = arith.addf %get3A_4, %get3A_7 : vector<1024x128xf32>
    %get3A_8 = arith.constant 0 : index
    %get3A_9 = arith.constant 0 : index
    %get3A_10 = vector.load %arg3[%get3A_8, %get3A_9] : memref<1024x128xf32, #tpu.memory_space<vmem>>, vector<1024x128xf32>
    %add3A_11 = arith.addf %add3A, %get3A_10 : vector<1024x128xf32>
    %mul3A = vector.broadcast %get3A_1 : vector<1024x1xf32> to vector<1024x128xf32>
    %mul3A_12 = arith.mulf %mul3A, %add3A_11 : vector<1024x128xf32>
    %get3A_13 = arith.constant 0 : index
    %get3A_14 = arith.constant 0 : index
    %get3A_15 = vector.load %arg5[%get3A_13, %get3A_14] : memref<128x128xf32, #tpu.memory_space<vmem>>, vector<128x128xf32>
    %dot_general3A = arith.constant dense<0.000000e+00> : vector<1024x128xf32>
    %dot_general3A_16 = tpu.matmul %mul3A_12, %get3A_15, %dot_general3A {dimension_numbers = #tpu.dot_dimension_numbers<[1], [0], [0], [1], [0, 0, 1, 1], [], []>, transpose_lhs_hint = false} : vector<1024x128xf32>, vector<128x128xf32>, vector<1024x128xf32> -> vector<1024x128xf32>
    %get3A_17 = arith.constant 0 : index
    %get3A_18 = arith.constant 0 : index
    %get3A_19 = vector.load %arg6[%get3A_17, %get3A_18] : memref<1x128xf32, #tpu.memory_space<vmem>>, vector<1x128xf32>
    %add3A_20 = vector.broadcast %get3A_19 : vector<1x128xf32> to vector<1024x128xf32>
    %add3A_21 = arith.addf %dot_general3A_16, %add3A_20 : vector<1024x128xf32>
    %max3A = arith.constant 0.000000e+00 : f32
    %max3A_22 = vector.broadcast %max3A : f32 to vector<1024x128xf32>
    %max3A_23 = arith.maximumf %add3A_21, %max3A_22 : vector<1024x128xf32>
    %mul3A_24 = vector.broadcast %get3A_1 : vector<1024x1xf32> to vector<1024x128xf32>
    %mul3A_25 = arith.mulf %mul3A_24, %max3A_23 : vector<1024x128xf32>
    %swap3A = arith.constant 0 : index
    %swap3A_26 = arith.constant 0 : index
    %swap3A_27 = vector.load %arg7[%swap3A, %swap3A_26] : memref<1024x128xf32, #tpu.memory_space<vmem>>, vector<1024x128xf32>
    tpu.vector_store %arg7[%swap3A, %swap3A_26], %mul3A_25 {strides = array<i32>} : memref<1024x128xf32, #tpu.memory_space<vmem>>, vector<1024x128xf32>,
    return
  }
  func.func @transform_0(%arg0: i32) -> (i32, i32) {
    %c0_i32 = arith.constant 0 : i32
    %c0_i32_0 = arith.constant 0 : i32
    return %arg0, %c0_i32 : i32, i32
  }
  func.func @transform_1(%arg0: i32) -> (i32, i32) {
    %c0_i32 = arith.constant 0 : i32
    %c0_i32_0 = arith.constant 0 : i32
    return %arg0, %c0_i32 : i32, i32
  }
  func.func @transform_2(%arg0: i32) -> (i32, i32) {
    %c0_i32 = arith.constant 0 : i32
    %c0_i32_0 = arith.constant 0 : i32
    return %arg0, %c0_i32 : i32, i32
  }
  func.func @transform_3(%arg0: i32) -> (i32, i32) {
    %c0_i32 = arith.constant 0 : i32
    %c0_i32_0 = arith.constant 0 : i32
    return %arg0, %c0_i32 : i32, i32
  }
  func.func @transform_4(%arg0: i32) -> (i32, i32) {
    %c0_i32 = arith.constant 0 : i32
    %c0_i32_0 = arith.constant 0 : i32
    %c0_i32_1 = arith.constant 0 : i32
    return %c0_i32, %c0_i32_0 : i32, i32
  }
  func.func @transform_5(%arg0: i32) -> (i32, i32) {
    %c0_i32 = arith.constant 0 : i32
    %c0_i32_0 = arith.constant 0 : i32
    %c0_i32_1 = arith.constant 0 : i32
    return %c0_i32, %c0_i32_0 : i32, i32
  }
  func.func @transform_6(%arg0: i32) -> (i32, i32) {
    %c0_i32 = arith.constant 0 : i32
    %c0_i32_0 = arith.constant 0 : i32
    return %arg0, %c0_i32 : i32, i32
  }
}

module attributes {stable_mosaic.version = 14 : i64} {
  func.func @_tc_final_body(%arg0: i32, %arg1: memref<1024x128xf32, #tpu.memory_space<vmem>>, %arg2: memref<1024x128xf32, #tpu.memory_space<vmem>>, %arg3: memref<1024x128xf32, #tpu.memory_space<vmem>>, %arg4: memref<1024x1xf32, #tpu.memory_space<vmem>>, %arg5: memref<128x128xf32, #tpu.memory_space<vmem>>, %arg6: memref<1x128xf32, #tpu.memory_space<vmem>>, %arg7: memref<128x48xf32, #tpu.memory_space<vmem>>, %arg8: memref<1x48xf32, #tpu.memory_space<vmem>>, %arg9: memref<1024x48xf32, #tpu.memory_space<vmem>>) attributes {dimension_semantics = [#tpu.dimension_semantics<arbitrary>], iteration_bounds = array<i64: 10>, scalar_prefetch = 0 : i64, scratch_operands = 0 : i64, tpu.core_type = #tpu.core_type<tc>, window_params = [{transform_indices = @transform_0, window_bounds = array<i64: 1024, 128>}, {transform_indices = @transform_1, window_bounds = array<i64: 1024, 128>}, {transform_indices = @transform_2, window_bounds = array<i64: 1024, 128>}, {transform_indices = @transform_3, window_bounds = array<i64: 1024, 1>}, {pipeline_mode = #tpu.pipeline_mode<synchronous>, transform_indices = @transform_4, window_bounds = array<i64: 128, 128>}, {pipeline_mode = #tpu.pipeline_mode<synchronous>, transform_indices = @transform_5, window_bounds = array<i64: 1, 128>}, {pipeline_mode = #tpu.pipeline_mode<synchronous>, transform_indices = @transform_6, window_bounds = array<i64: 128, 48>}, {pipeline_mode = #tpu.pipeline_mode<synchronous>, transform_indices = @transform_7, window_bounds = array<i64: 1, 48>}, {transform_indices = @transform_8, window_bounds = array<i64: 1024, 48>}]} {
    %get3A = arith.constant 0 : index
    %get3A_0 = arith.constant 0 : index
    %get3A_1 = vector.load %arg4[%get3A, %get3A_0] : memref<1024x1xf32, #tpu.memory_space<vmem>>, vector<1024x1xf32>
    %get3A_2 = arith.constant 0 : index
    %get3A_3 = arith.constant 0 : index
    %get3A_4 = vector.load %arg1[%get3A_2, %get3A_3] : memref<1024x128xf32, #tpu.memory_space<vmem>>, vector<1024x128xf32>
    %get3A_5 = arith.constant 0 : index
    %get3A_6 = arith.constant 0 : index
    %get3A_7 = vector.load %arg2[%get3A_5, %get3A_6] : memref<1024x128xf32, #tpu.memory_space<vmem>>, vector<1024x128xf32>
    %add3A = arith.addf %get3A_4, %get3A_7 : vector<1024x128xf32>
    %get3A_8 = arith.constant 0 : index
    %get3A_9 = arith.constant 0 : index
    %get3A_10 = vector.load %arg3[%get3A_8, %get3A_9] : memref<1024x128xf32, #tpu.memory_space<vmem>>, vector<1024x128xf32>
    %add3A_11 = arith.addf %add3A, %get3A_10 : vector<1024x128xf32>
    %mul3A = vector.broadcast %get3A_1 : vector<1024x1xf32> to vector<1024x128xf32>
    %mul3A_12 = arith.mulf %mul3A, %add3A_11 : vector<1024x128xf32>
    %get3A_13 = arith.constant 0 : index
    %get3A_14 = arith.constant 0 : index
    %get3A_15 = vector.load %arg5[%get3A_13, %get3A_14] : memref<128x128xf32, #tpu.memory_space<vmem>>, vector<128x128xf32>
    %dot_general3A = arith.constant dense<0.000000e+00> : vector<1024x128xf32>
    %dot_general3A_16 = tpu.matmul %mul3A_12, %get3A_15, %dot_general3A {dimension_numbers = #tpu.dot_dimension_numbers<[1], [0], [0], [1], [0, 0, 1, 1], [], []>, transpose_lhs_hint = false} : vector<1024x128xf32>, vector<128x128xf32>, vector<1024x128xf32> -> vector<1024x128xf32>
    %get3A_17 = arith.constant 0 : index
    %get3A_18 = arith.constant 0 : index
    %get3A_19 = vector.load %arg6[%get3A_17, %get3A_18] : memref<1x128xf32, #tpu.memory_space<vmem>>, vector<1x128xf32>
    %add3A_20 = vector.broadcast %get3A_19 : vector<1x128xf32> to vector<1024x128xf32>
    %add3A_21 = arith.addf %dot_general3A_16, %add3A_20 : vector<1024x128xf32>
    %max3A = arith.constant 0.000000e+00 : f32
    %max3A_22 = vector.broadcast %max3A : f32 to vector<1024x128xf32>
    %max3A_23 = arith.maximumf %add3A_21, %max3A_22 : vector<1024x128xf32>
    %get3A_24 = arith.constant 0 : index
    %get3A_25 = arith.constant 0 : index
    %get3A_26 = vector.load %arg7[%get3A_24, %get3A_25] : memref<128x48xf32, #tpu.memory_space<vmem>>, vector<128x48xf32>
    %dot_general3A_27 = arith.constant dense<0.000000e+00> : vector<1024x48xf32>
    %dot_general3A_28 = tpu.matmul %max3A_23, %get3A_26, %dot_general3A_27 {dimension_numbers = #tpu.dot_dimension_numbers<[1], [0], [0], [1], [0, 0, 1, 1], [], []>, transpose_lhs_hint = false} : vector<1024x128xf32>, vector<128x48xf32>, vector<1024x48xf32> -> vector<1024x48xf32>
    %get3A_29 = arith.constant 0 : index
    %get3A_30 = arith.constant 0 : index
    %get3A_31 = vector.load %arg8[%get3A_29, %get3A_30] : memref<1x48xf32, #tpu.memory_space<vmem>>, vector<1x48xf32>
    %add3A_32 = vector.broadcast %get3A_31 : vector<1x48xf32> to vector<1024x48xf32>
    %add3A_33 = arith.addf %dot_general3A_28, %add3A_32 : vector<1024x48xf32>
    %swap3A = arith.constant 0 : index
    %swap3A_34 = arith.constant 0 : index
    %swap3A_35 = vector.load %arg9[%swap3A, %swap3A_34] : memref<1024x48xf32, #tpu.memory_space<vmem>>, vector<1024x48xf32>
    tpu.vector_store %arg9[%swap3A, %swap3A_34], %add3A_33 {strides = array<i32>} : memref<1024x48xf32, #tpu.memory_space<vmem>>, vector<1024x48xf32>,
    return
  }
  func.func @transform_0(%arg0: i32) -> (i32, i32) {
    %c0_i32 = arith.constant 0 : i32
    %c0_i32_0 = arith.constant 0 : i32
    return %arg0, %c0_i32 : i32, i32
  }
  func.func @transform_1(%arg0: i32) -> (i32, i32) {
    %c0_i32 = arith.constant 0 : i32
    %c0_i32_0 = arith.constant 0 : i32
    return %arg0, %c0_i32 : i32, i32
  }
  func.func @transform_2(%arg0: i32) -> (i32, i32) {
    %c0_i32 = arith.constant 0 : i32
    %c0_i32_0 = arith.constant 0 : i32
    return %arg0, %c0_i32 : i32, i32
  }
  func.func @transform_3(%arg0: i32) -> (i32, i32) {
    %c0_i32 = arith.constant 0 : i32
    %c0_i32_0 = arith.constant 0 : i32
    return %arg0, %c0_i32 : i32, i32
  }
  func.func @transform_4(%arg0: i32) -> (i32, i32) {
    %c0_i32 = arith.constant 0 : i32
    %c0_i32_0 = arith.constant 0 : i32
    %c0_i32_1 = arith.constant 0 : i32
    return %c0_i32, %c0_i32_0 : i32, i32
  }
  func.func @transform_5(%arg0: i32) -> (i32, i32) {
    %c0_i32 = arith.constant 0 : i32
    %c0_i32_0 = arith.constant 0 : i32
    %c0_i32_1 = arith.constant 0 : i32
    return %c0_i32, %c0_i32_0 : i32, i32
  }
  func.func @transform_6(%arg0: i32) -> (i32, i32) {
    %c0_i32 = arith.constant 0 : i32
    %c0_i32_0 = arith.constant 0 : i32
    %c0_i32_1 = arith.constant 0 : i32
    return %c0_i32, %c0_i32_0 : i32, i32
  }
  func.func @transform_7(%arg0: i32) -> (i32, i32) {
    %c0_i32 = arith.constant 0 : i32
    %c0_i32_0 = arith.constant 0 : i32
    %c0_i32_1 = arith.constant 0 : i32
    return %c0_i32, %c0_i32_0 : i32, i32
  }
  func.func @transform_8(%arg0: i32) -> (i32, i32) {
    %c0_i32 = arith.constant 0 : i32
    %c0_i32_0 = arith.constant 0 : i32
    return %arg0, %c0_i32 : i32, i32
  }
}

</mosaic_0001>

<sc_bundles>
// kernel: kernel.11.cloned.1.call-start
scs
__scs_entry_jumppad:
0x0: {  	(pc) =	sbr.rel $0x88, $3  }
0x1: {  	(tag) =	ssettag $0x0;
	lr =	simm.s32 $0x1  }
0x2: {  	[smem:$0x3F99] =	sst lr;
	_ =	strace $0xD0000000  }
0x3: {  	_ = 	snop  }
0x4: {  	_ = 	snop  }
0x5: {  	_ = 	snop  }
0x6: {  	_ = 	snop  }
0x7: {  	_ = 	snop  }
__scs_overlays_trampoline_lowered:
0x8: {  	[smem:$0x3FA8] =	sst s0  }
0x9: {  	[smem:$0x3FA9] =	sst s1  }
0xa: {  	[smem:$0x3FAA] =	sst s2  }
0xb: {  	[smem:$0x3FAB] =	sst s3  }
0xc: {  	[smem:$0x3FAC] =	sst s4  }
0xd: {  	[smem:$0x3FAD] =	sst s5  }
0xe: {  	[smem:$0x3FAE] =	sst s6  }
0xf: {  	[smem:$0x3FAF] =	sst s7  }
0x10: {  	[smem:$0x3FB0] =	sst s8  }
0x11: {  	[smem:$0x3FB1] =	sst s9;
	s0 =	simm.s32 @!p0 $0x0  }
0x12: {  	s1 =	sld [smem:$0x3F97];
	s0 =	simm.s32 @p0 $0x1  }
0x13: {  	[smem:$0x3FB2] =	sst s0;
	s0 =	simm.s32 @!p1 $0x0  }
0x14: {  	s2 =	sld [smem:$0x3F96];
	s0 =	simm.s32 @p1 $0x1  }
0x15: {  	[smem:$0x3FB3] =	sst s0;
	s0 =	simm.s32 @!p2 $0x0  }
0x16: {  	s3 =	sld [smem:$0x3FDB];
	s0 =	simm.s32 @p2 $0x1  }
0x17: {  	s4 =	simm.s32 $0x1BF5;
	[smem:$0x3FB5] =	sst s0  }
0x18: {  	s0 =	sld [smem:$0x3F98];
	_ =	swait.ge [sflag:s4], $0x0  }
0x19: {  	s7 =	sld [smem:$0x3F99]  }
0x1a: {  	s8 =	sadd.s32 $0xFFFFE003, lr  }
0x1b: {  	s9 =	sadd.s32 $0xFFFFFEF7, lr;
	s5 =	simm.s32 $0xFFFFFFFF;
	p2 =	slt.u32 s8, $0xFFFFF086  }
0x1c: {  	p1 =	slt.u32 s9, $0xF7A;
	s5 =	simm.s32 @!p2 $0x0  }
0x1d: {  	s5 =	simm.s32 @p1 $0x1;
	p0 =	seq.s32 s7, s2  }
0x1e: {  	s7 =	smul.u32 @!p0 $0xF7A, s2;
	p2 =	seq.s32 @!p0 s5, $0x0  }
0x1f: {  	s9 =	smul.u32 $0xF7A, s1;
	s8 =	simm.s32 @!p0 $0x1BF5;
	p2 =	por !p2, p0  }
0x20: {  	[sflag:s8] =	ssyncset.s32 @!p0 $0xFFFFF086;
	s6 =	sadd.s32 @!p0 s3, s7;
	s7 =	simm.s32 @!p0 $0x108  }
0x21: {  	s3 =	sadd.s32 s3, s9;
	s6 =	sadd.s32 @!p0 $0x88, s6;
	s7 =	simm.s32 @p2 $0x1082  }
0x22: {  	[simem:s7], [sflag:s8] =	dma.local @!p0 [hbm:s6], $0xF7A  }
0x23: {  	s9 =	sor.u32 $0xD0000000, s2;
	s6 =	simm.s32 $0x108;
	_ =	swait.ge @!p0 [sflag:s8], $0x0  }
0x24: {  	s3 =	sadd.s32 $0x88, s3;
	s6 =	simm.s32 @!p1 $0x1082;
	[sflag:s4] =	ssyncset.s32 $0xFFFFF086  }
0x25: {  	[simem:s6], [sflag:s4] =	dma.local [hbm:s3], $0xF7A  }
0x26: {  	[smem:$0x3F99] =	sst s1;
	(tag) =	ssettag s2;
	_ =	strace s9  }
0x27: {  	s1 =	sld [smem:$0x3FA9]  }
0x28: {  	s2 =	sld [smem:$0x3FAA]  }
0x29: {  	s4 =	sld [smem:$0x3FAC]  }
0x2a: {  	p0 =	seq.s32 s5, $0x0;
	s5 =	sld [smem:$0x3FAD]  }
0x2b: {  	s6 =	sld [smem:$0x3FAE]  }
0x2c: {  	s7 =	sld [smem:$0x3FAF]  }
0x2d: {  	s3 =	simm.s32 $0x108;
	s8 =	sld [smem:$0x3FB0]  }
0x2e: {  	s3 =	simm.s32 @!p0 $0x1082;
	s9 =	sld [smem:$0x3FB1]  }
0x2f: {  	lr =	sadd.s32 s0, s3;
	s0 =	sld [smem:$0x3FA8]  }
0x30: {  	s3 =	sld [smem:$0x3FAB]  }
0x31: {  	[smem:$0x3FB4] =	sst s10  }
0x32: {  	s10 =	sld [smem:$0x3FB2];
	_ =	sdelay $0x3  }
0x33: {  	p0 =	seq.s32 s10, $0x1;
	s10 =	sld [smem:$0x3FB4];
	_ =	sdelay $0x3  }
0x34: {  	[smem:$0x3FB4] =	sst s10  }
0x35: {  	s10 =	sld [smem:$0x3FB3];
	_ =	sdelay $0x3  }
0x36: {  	p1 =	seq.s32 s10, $0x1;
	s10 =	sld [smem:$0x3FB4];
	_ =	sdelay $0x3  }
0x37: {  	[smem:$0x3FB4] =	sst s10  }
0x38: {  	s10 =	sld [smem:$0x3FB5]  }
0x39: {  	_ = 	snop;
	(pc) =	sbr.ind lr, $3  }
0x3a: {  	_ = 	snop  }
0x3b: {  	_ = 	snop  }
0x3c: {  	p2 =	seq.s32 s10, $0x1;
	s10 =	sld [smem:$0x3FB4]  }
0x3d: {  	_ =	shalt  }
0x3e: {  	_ =	shalt  }
0x3f: {  	_ =	shalt  }
0x40: {  	_ =	shalt  }
0x41: {  	_ =	shalt  }
0x42: {  	_ =	shalt  }
0x43: {  	_ =	shalt  }
0x44: {  	_ =	shalt  }
0x45: {  	_ =	shalt  }
0x46: {  	_ =	shalt  }
0x47: {  	_ =	shalt  }
0x48: {  	_ =	shalt  }
0x49: {  	_ =	shalt  }
0x4a: {  	_ =	shalt  }
0x4b: {  	_ =	shalt  }
0x4c: {  	_ =	shalt  }
0x4d: {  	_ =	shalt  }
0x4e: {  	_ =	shalt  }
0x4f: {  	_ =	shalt  }
0x50: {  	_ =	shalt  }
0x51: {  	_ =	shalt  }
0x52: {  	_ =	shalt  }
0x53: {  	_ =	shalt  }
0x54: {  	_ =	shalt  }
0x55: {  	_ =	shalt  }
0x56: {  	_ =	shalt  }
0x57: {  	_ =	shalt  }
0x58: {  	_ =	shalt  }
0x59: {  	_ =	shalt  }
0x5a: {  	_ =	shalt  }
0x5b: {  	_ =	shalt  }
0x5c: {  	_ =	shalt  }
0x5d: {  	_ =	shalt  }
0x5e: {  	_ =	shalt  }
0x5f: {  	_ =	shalt  }
0x60: {  	_ =	shalt  }
0x61: {  	_ =	shalt  }
0x62: {  	_ =	shalt  }
0x63: {  	_ =	shalt  }
0x64: {  	_ =	shalt  }
0x65: {  	_ =	shalt  }
0x66: {  	_ =	shalt  }
0x67: {  	_ =	shalt  }
0x68: {  	_ =	shalt  }
0x69: {  	_ =	shalt  }
0x6a: {  	_ =	shalt  }
0x6b: {  	_ =	shalt  }
0x6c: {  	_ =	shalt  }
0x6d: {  	_ =	shalt  }
0x6e: {  	_ =	shalt  }
0x6f: {  	_ =	shalt  }
0x70: {  	_ =	shalt  }
0x71: {  	_ =	shalt  }
0x72: {  	_ =	shalt  }
0x73: {  	_ =	shalt  }
0x74: {  	_ =	shalt  }
0x75: {  	_ =	shalt  }
0x76: {  	_ =	shalt  }
0x77: {  	_ =	shalt  }
0x78: {  	_ =	shalt  }
0x79: {  	_ =	shalt  }
0x7a: {  	_ =	shalt  }
0x7b: {  	_ =	shalt  }
0x7c: {  	_ =	shalt  }
0x7d: {  	_ =	shalt  }
0x7e: {  	_ =	shalt  }
0x7f: {  	_ =	shalt  }
0x80: {  	_ =	shalt  }
0x81: {  	_ =	shalt  }
0x82: {  	_ =	shalt  }
0x83: {  	_ =	shalt  }
0x84: {  	_ =	shalt  }
0x85: {  	_ =	shalt  }
0x86: {  	_ =	shalt  }
0x87: {  	_ =	shalt  }
.Lfunc_end0:
.L_simem_size_0:
called_computation.1_lowered:
.L_overlay_start_0:
0x88: {  	s2 =	sld [smem:$0x3FD9]  }
0x89: {  	s3 =	sld [smem:$0x3FFE];
	_ =	sdelay $0x1  }
0x8a: {  	s1 =	srdreg.scid  }
0x8b: {  	s0 =	sand.u32 $0x1, s1  }
0x8c: {  	s17 =	sshll.u32 s0, $0xA;
	s2 =	sadd.s32 s3, s2  }
0x8d: {  	s2 =	sadd.s32 s2, s17  }
0x8e: {  	[smem:$0x3FC0] =	sst s2  }
0x8f: {  	_ = 	snop  }
0x90: {  	s2 =	sld [smem:$0x3FD0];
	(tm) =	ssettm $0x1  }
0x91: {  	s18 =	sld [smem:$0x3FFB];
	_ =	sdelay $0x3  }
0x92: {  	_ =	strace s18  }
0x93: {  	s3 =	sld [smem:$0x3FFC];
	_ =	sdelay $0x3  }
0x94: {  	_ =	strace s3  }
0x95: {  	s3 =	sld [smem:$0x3FFD];
	_ =	sdelay $0x3  }
0x96: {  	_ =	strace s3  }
0x97: {  	_ =	strace $0x8FFFFFFF  }
0x98: {  	s19 =	sld [smem:$0x3FDB];
	_ =	sdelay $0x1  }
0x99: {  	s4 =	simm.s32 $_scs_section_size  }
0x9a: {  	s5 =	simm.s32 $_size__tile_overlayer_lowered;
	s6 =	simm.s32 $_tile_overlayer_lowered  }
0x9b: {  	s22 =	simm.s32 $0x1BFF;
	s21 =	sshll.u32 s6, $0x1;
	s3 =	sadd.s32 s4, s19  }
0x9c: {  	s7 =	simm.s32 $0x0;
	s20 =	sshll.u32 s5, $0x1;
	s5 =	sadd.s32 s21, s3  }
0x9d: {  	[timem:s7], [sflag:s22] =	dma.local [hbm:s5], s20  }
0x9e: {  	_ =	swait.ge [sflag:s22], s20  }
0x9f: {  	s4 =	ssub.s32 $0x0, s20;
	[sflag:s22] =	ssyncset.done $0x0  }
0xa0: {  	[sflag:s22] =	ssyncadd.s32 s4;
	_ =	sdelay $0x1  }
0xa1: {  	s23 =	simm.s32 $0x1B8B  }
0xa2: {  	_ =	swait.ge [sflag:s23], $0x1  }
0xa3: {  	[sflag:s23] =	ssyncset.done $0x0  }
0xa4: {  	s25 =	simm.s32 $0x1B8E;
	s24 =	sld [smem:$0x3FFE];
	[sflag:s23] =	ssyncadd.s32 $0xFFFFFFFF  }
0xa5: {  	s26 =	simm.s32 $execute0_lowered;
	[smem:$0x3FD2] =	sst s25  }
0xa6: {  	s5 =	sshll.u32 s26, $0x1;
	_ =	strace $0x80000049;
	[dreg:$0x1] =	wrdreg $0xFFFFFFFF  }
0xa7: {  	s28 =	simm.s32 $_size_execute0_lowered;
	s3 =	sadd.s32 s3, s5;
	[dreg:$0x0] =	wrdreg $0x0  }
0xa8: {  	s5 =	sshll.u32 s28, $0x1;
	[dreg:$0x2] =	wrdreg s3  }
0xa9: {  	[dreg:$0x3] =	wrdreg s5  }
0xaa: {  	[dreg:$0x4] =	wrdreg $0xC0  }
0xab: {  	_ =	task [dreg:s7], $0x5FFFF  }
0xac: {  	[dreg:$0x1] =	wrdreg $0xFFFFFFFF  }
0xad: {  	[dreg:$0x0] =	wrdreg $0x60  }
0xae: {  	[dreg:$0x2] =	wrdreg s24  }
0xaf: {  	[dreg:$0x3] =	wrdreg s2  }
0xb0: {  	[dreg:$0x4] =	wrdreg $0xA8000  }
0xb1: {  	[dreg:$0x5] =	wrdreg $0x9  }
0xb2: {  	_ =	task.clear_ibuf [dreg:s7], $0x6FFFF;
	_ =	strace $0x90000049  }
0xb3: {  	s29 =	simm.s32 $0x9;
	_ =	strace $0x8000004B  }
0xb4: {  	_ =	swait.ge [sflag:s29], $0x1  }
0xb5: {  	[sflag:s29] =	ssyncadd.s32 $0xFFFFFFFF  }
0xb6: {  	_ =	strace $0x9000004B  }
0xb7: {  	_ =	sfence  }
0xb8: {  	s30 =	sld [smem:$0x0];
	_ =	sdelay $0x2  }
0xb9: {  	s31 =	sshll.u32 s1, $0xD;
	s1 =	sshrl.u32 s1, $0x2  }
0xba: {  	s3 =	sand.u32 $0x4000, s31;
	s1 =	sadd.s32 s1, s30  }
0xbb: {  	s0 =	sor.u32 s3, s0;
	s1 =	sshll.u32 s1, $0x11  }
0xbc: {  	s0 =	sor.u32 s1, s0  }
0xbd: {  	s0 =	sadd.s32 $0x8F2B, s0  }
0xbe: {  	[sflag:s0] =	ssyncadd.remote.s32 $0x1  }
0xbf: {  	_ =	sfence.sel $0xFFFF  }
0xc0: {  	[dreg:$0x0] =	wrdreg $0xFFFFFFFF;
	(pc) =	sbr.abs _section_cstart, $3  }
0xc1: {  	[dreg:$0x1] =	wrdreg $0xFFFFFFFF  }
0xc2: {  	_ =	task.clear_ibuf [dreg:s7], $0x2FFFF;
	_ =	strace $0x9FFFFFFF  }
0xc3: {  	(tm) =	ssettm $0x7FFFFFFF  }
tec
execute0_lowered:
.L_overlay_start_1:
0x0: {  	(tag) =	ssettag $0x1  }
0x1: {  	s13 =	rddreg [dreg:$0x0]  }
0x2: {  	s12 =	rddreg [dreg:$0x1]  }
0x3: {  	s1 =	rddreg [dreg:$0x2]  }
0x4: {  	s3 =	simm.s32 $0x0;
	s5 =	srdreg.scid;
	s2 =	stileid.u32  }
0x5: {  	s18 =	simm.s32 $0x85E00;
	s20 =	simm.s32 $0x1;
	s21 =	simm.s32 $0x6800  }
0x6: {  	s22 =	simm.s32 $0x2;
	s23 =	simm.s32 $0x1480;
	s24 =	simm.s32 $0x3  }
0x7: {  	s25 =	simm.s32 $0x100;
	s26 =	simm.s32 $0x4;
	s28 =	simm.s32 $0x0  }
0x8: {  	[smem:$0x7FF] =	sst s3;
	s4 =	sadd.s32 $0xDE00, s13;
	s30 =	smul.u32 $0x50000, s2  }
0x9: {  	s11 =	sand.u32 $0x1, s5;
	s14 =	sadd.s32 $0x3E00, s13;
	s19 =	smul.u32 $0x2800, s2  }
0xa: {  	_ =	strace $0x8000004A;
	s6 =	ssub.s32 $0x2, s11;
	s7 =	sshll.u32 s11, $0x4  }
0xb: {  	p0 =	seq.s32 s11, $0x1;
	s8 =	sshrl.u32 s6, $0x1;
	s9 =	sor.u32 s2, s7  }
0xc: {  	s5 =	sshrl.u32 s30, $0x2;
	s18 =	simm.s32 @!p0 $0x5DE00;
	s16 =	smul.u32 $0x500, s9  }
0xd: {  	s15 =	ssub.s32 s6, s8;
	s5 =	sadd.s32 s5, s1;
	s17 =	smul.u32 $0x2800, s9  }
0xe: {  	s31 =	sadd.s32 s18, s13;
	s18 =	simm.s32 $0x1400;
	s6 =	sadd.s32 $0x4000, s5  }
.Ltmp0:
0xf: {  	s7 =	sadd.s32 $0x8000, s5;
	s8 =	sadd.s32 $0xC000, s5;
	(pc) =	sbr.rel .LBB2_1-.Ltmp0, $4  }
0x10: {  	s9 =	sadd.s32 $0x10000, s5;
	s10 =	sadd.s32 s12, s16;
	s17 =	sshrl.u32 s17, $0x3  }
0x11: {  	s11 =	sadd.s32 s14, s16;
	s16 =	simm.s32 $0x2800;
	s17 =	sadd.s32 $0x280, s17  }
0x12: {  	s12 =	sadd.s32 s12, s17;
	s13 =	sadd.s32 s14, s17;
	s14 =	smax.u32 s15, $0x1  }
0x13: {  	v0 =	vimm.f32 $0.0e+00;
	s15 =	sadd.s32 s31, s19;
	s17 =	simm.s32 $0x5;
	s19 =	simm.s32 $0x80  }
.LBB2_9:
0x14: {  	_ =	swait.ge [sflag:s26], $0x4000  }
0x15: {  	s0 =	sshll.u32 s2, $0x6;
	s28 =	sadd.s32 $0x1, s28;
	[sflag:s26] =	ssyncset.done $0x0  }
0x16: {  	s29 =	sshrl.u32 s5, $0x3;
	p0 =	sne.s32 s28, s14;
	[sflag:s26] =	ssyncadd.s32 $0xFFFFC000  }
.Ltmp1:
0x17: {  	s0 =	sor.u32 $0x1C05, s0;
	[bflag:$0x0] =	sbarrier.arrive $0xFFFF;
	(pc) =	sbr.rel @!p0 .LBB2_10-.Ltmp1, $4  }
0x18: {  	[hbm:s15], [sflag:s0] =	dma.local [spmem:s29], $0x2800  }
0x19: {  	_ =	swait.ge [sflag:s17], $0x2800  }
0x1a: {  	[sflag:s17] =	ssyncset.done $0x0  }
0x1b: {  	[sflag:s17] =	ssyncadd.s32 $0xFFFFD800  }
.LBB2_1:
0x1c: {  	s29 =	sand.u32 $0xFE00, s3  }
0x1d: {  	s30 =	sand.u32 $0x70, s3;
	s31 =	sshrl.u32 s29, $0x2  }
0x1e: {  	s29 =	simm.s32 $0x40;
	s31 =	sor.u32 s30, s31;
	s30 =	simm.s32 $0x0  }
.LBB2_2:
0x1f: {  	p0 =	sne.s32 s29, $0xFFC0  }
0x20: {  	[tilespmem:s31+$0x2800] =	vst v0;
	s30 =	sadd.s32 $0x10, s30;
	s31 =	smov.u32 s29;
	s29 =	sadd.s32 $0x40, s29  }
.Ltmp2:
0x21: {  	(pc) =	sbr.rel @p0 .LBB2_2-.Ltmp2, $4  }
0x22: {  	_ = 	snop  }
0x23: {  	s31 =	sand.u32 $0xFE00, s31  }
0x24: {  	s0 =	sand.u32 $0x70, s30;
	s31 =	sshrl.u32 s31, $0x2  }
0x25: {  	s31 =	sor.u32 s0, s31  }
0x26: {  	[tilespmem:s31+$0x2800] =	vst v0  }
0x27: {  	[spmem:s5] =	stream.linear.scatter [tilespmem:s16], [sflag:$0x5], $0x4000, $0x38;
	[tilespmem:$0x1E800] =	vst v63  }
0x28: {  	_ =	swait.ge [sflag:s17], $0x4000  }
0x29: {  	[sflag:s17] =	ssyncset.done $0x0  }
0x2a: {  	[sflag:s17] =	ssyncadd.s32 $0xFFFFC000  }
0x2b: {  	[spmem:s6] =	stream.linear.scatter [tilespmem:s16], [sflag:$0x5], $0x4000, $0x38;
	[tilespmem:$0x1E800] =	vst v63  }
0x2c: {  	_ =	swait.ge [sflag:s17], $0x4000  }
0x2d: {  	[sflag:s17] =	ssyncset.done $0x0  }
0x2e: {  	[sflag:s17] =	ssyncadd.s32 $0xFFFFC000  }
0x2f: {  	[spmem:s7] =	stream.linear.scatter [tilespmem:s16], [sflag:$0x5], $0x4000, $0x38;
	[tilespmem:$0x1E800] =	vst v63  }
0x30: {  	_ =	swait.ge [sflag:s17], $0x4000  }
0x31: {  	[sflag:s17] =	ssyncset.done $0x0  }
0x32: {  	[sflag:s17] =	ssyncadd.s32 $0xFFFFC000  }
0x33: {  	[spmem:s8] =	stream.linear.scatter [tilespmem:s16], [sflag:$0x5], $0x4000, $0x38;
	[tilespmem:$0x1E800] =	vst v63  }
0x34: {  	_ =	swait.ge [sflag:s17], $0x4000  }
0x35: {  	[sflag:s17] =	ssyncset.done $0x0  }
0x36: {  	[sflag:s17] =	ssyncadd.s32 $0xFFFFC000  }
0x37: {  	[spmem:s9] =	stream.linear.scatter [tilespmem:s16], [sflag:$0x5], $0x4000, $0x38;
	[tilespmem:$0x1E800] =	vst v63  }
0x38: {  	_ =	swait.ge [sflag:s17], $0x4000  }
0x39: {  	[sflag:s17] =	ssyncset.done $0x0  }
0x3a: {  	[sflag:s17] =	ssyncadd.s32 $0xFFFFC000  }
0x3b: {  	[bflag:$0x0] =	sbarrier.arrive $0xFFFF  }
0x3c: {  	[tilespmem:s3], [sflag:$0x5] =	stream.linear.gather [hbm4b:s10+s3], $0x1400, $0x38;
	[tilespmem:$0x1E800] =	vst v63  }
0x3d: {  	_ =	swait.ge [sflag:s17], $0x1400  }
0x3e: {  	[sflag:s17] =	ssyncset.done $0x0  }
0x3f: {  	[sflag:s17] =	ssyncadd.s32 $0xFFFFEC00  }
0x40: {  	[tilespmem:s18], [sflag:$0x5] =	stream.linear.gather [hbm4b:s11+s3], $0x1400, $0x38;
	[tilespmem:$0x1E800] =	vst v63  }
0x41: {  	_ =	swait.ge [sflag:s17], $0x1400  }
0x42: {  	[sflag:s17] =	ssyncset.done $0x0  }
0x43: {  	[sflag:s17] =	ssyncadd.s32 $0xFFFFEC00  }
0x44: {  	[tilespmem:s16], [sflag:$0x1] =	stream.indirect.gather [hbm4b:s4+s19], $0x80, s3, s19, $0xb8;
	[tilespmem:$0x1E800] =	vst v63  }
0x45: {  	_ =	swait.ge [sflag:s20], $0x4000  }
0x46: {  	[sflag:s20] =	ssyncset.done $0x0  }
0x47: {  	[sflag:s20] =	ssyncadd.s32 $0xFFFFC000  }
0x48: {  	[spmem:s1] =	stream.indirect.scatter.add.f32 [tilespmem:s16], [sflag:$0x3], $0x80, s18, s19, $0xb8;
	[tilespmem:$0x1E800] =	vst v63  }
0x49: {  	_ = 	snop  }
0x4a: {  	[tilespmem:s21], [sflag:$0x2] =	stream.indirect.gather [hbm4b:s4+s19], $0x80, s19, s19, $0xb8;
	[tilespmem:$0x1E800] =	vst v63  }
0x4b: {  	_ =	swait.ge [sflag:s22], $0x4000  }
0x4c: {  	[sflag:s22] =	ssyncset.done $0x0  }
0x4d: {  	[sflag:s22] =	ssyncadd.s32 $0xFFFFC000  }
0x4e: {  	[spmem:s1] =	stream.indirect.scatter.add.f32 [tilespmem:s21], [sflag:$0x4], $0x80, s23, s19, $0xb8;
	[tilespmem:$0x1E800] =	vst v63  }
0x4f: {  	_ =	swait.ge [sflag:s24], $0x4000  }
0x50: {  	[sflag:s24] =	ssyncset.done $0x0  }
0x51: {  	s29 =	simm.s32 $0xFFFFB800;
	[sflag:s24] =	ssyncadd.s32 $0xFFFFC000  }
0x52: {  	[tilespmem:s16], [sflag:$0x1] =	stream.indirect.gather [hbm4b:s4+s19], $0x80, s25, s19, $0xb8;
	[tilespmem:$0x1E800] =	vst v63  }
.LBB2_4:
0x53: {  	_ =	swait.ge [sflag:s20], $0x4000  }
0x54: {  	s30 =	sshra.s32 s29, $0x2;
	[sflag:s20] =	ssyncset.done $0x0  }
0x55: {  	s0 =	sadd.s32 $0x2700, s30;
	[sflag:s20] =	ssyncadd.s32 $0xFFFFC000  }
0x56: {  	[spmem:s1] =	stream.indirect.scatter.add.f32 [tilespmem:s16], [sflag:$0x3], $0x80, s0, s19, $0xb8;
	[tilespmem:$0x1E800] =	vst v63  }
0x57: {  	_ =	swait.ge [sflag:s26], $0x4000  }
0x58: {  	[sflag:s26] =	ssyncset.done $0x0  }
0x59: {  	s31 =	sadd.s32 $0x1380, s30;
	[sflag:s26] =	ssyncadd.s32 $0xFFFFC000  }
0x5a: {  	[tilespmem:s21], [sflag:$0x2] =	stream.indirect.gather [hbm4b:s4+s19], $0x80, s31, s19, $0xb8;
	[tilespmem:$0x1E800] =	vst v63  }
0x5b: {  	_ =	swait.ge [sflag:s22], $0x4000  }
0x5c: {  	p0 =	seq.s32 s29, $0x0;
	[sflag:s22] =	ssyncset.done $0x0  }
.Ltmp3:
0x5d: {  	s31 =	sadd.s32 $0x2780, s30;
	[sflag:s22] =	ssyncadd.s32 $0xFFFFC000;
	(pc) =	sbr.rel @p0 .LBB2_6-.Ltmp3, $4  }
0x5e: {  	[spmem:s1] =	stream.indirect.scatter.add.f32 [tilespmem:s21], [sflag:$0x4], $0x80, s31, s19, $0xb8;
	[tilespmem:$0x1E800] =	vst v63  }
0x5f: {  	_ =	swait.ge [sflag:s24], $0x4000  }
0x60: {  	[sflag:s24] =	ssyncset.done $0x0  }
0x61: {  	[sflag:s24] =	ssyncadd.s32 $0xFFFFC000  }
.Ltmp4:
0x62: {  	(pc) =	sbr.rel .LBB2_4-.Ltmp4, $3  }
0x63: {  	_ =	sdelay $0x1  }
0x64: {  	s0 =	sadd.s32 $0x1400, s30;
	s29 =	sadd.s32 $0x400, s29  }
0x65: {  	[tilespmem:s16], [sflag:$0x1] =	stream.indirect.gather [hbm4b:s4+s19], $0x80, s0, s19, $0xb8;
	[tilespmem:$0x1E800] =	vst v63  }
.LBB2_6:
0x66: {  	_ =	swait.ge [sflag:s26], $0x4000  }
0x67: {  	[sflag:s26] =	ssyncset.done $0x0  }
0x68: {  	[sflag:s26] =	ssyncadd.s32 $0xFFFFC000  }
0x69: {  	[tilespmem:s3], [sflag:$0x5] =	stream.linear.gather [hbm4b:s12+s3], $0x1400, $0x38;
	[tilespmem:$0x1E800] =	vst v63  }
0x6a: {  	_ =	swait.ge [sflag:s17], $0x1400  }
0x6b: {  	[sflag:s17] =	ssyncset.done $0x0  }
0x6c: {  	[sflag:s17] =	ssyncadd.s32 $0xFFFFEC00  }
0x6d: {  	[tilespmem:s18], [sflag:$0x5] =	stream.linear.gather [hbm4b:s13+s3], $0x1400, $0x38;
	[tilespmem:$0x1E800] =	vst v63  }
0x6e: {  	_ =	swait.ge [sflag:s17], $0x1400  }
0x6f: {  	[sflag:s17] =	ssyncset.done $0x0  }
0x70: {  	[sflag:s17] =	ssyncadd.s32 $0xFFFFEC00  }
0x71: {  	[tilespmem:s16], [sflag:$0x1] =	stream.indirect.gather [hbm4b:s4+s19], $0x80, s3, s19, $0xb8;
	[tilespmem:$0x1E800] =	vst v63  }
0x72: {  	_ =	swait.ge [sflag:s20], $0x4000  }
0x73: {  	[sflag:s20] =	ssyncset.done $0x0  }
0x74: {  	[sflag:s20] =	ssyncadd.s32 $0xFFFFC000  }
0x75: {  	[spmem:s1] =	stream.indirect.scatter.add.f32 [tilespmem:s16], [sflag:$0x3], $0x80, s18, s19, $0xb8;
	[tilespmem:$0x1E800] =	vst v63  }
0x76: {  	_ = 	snop  }
0x77: {  	[tilespmem:s21], [sflag:$0x2] =	stream.indirect.gather [hbm4b:s4+s19], $0x80, s19, s19, $0xb8;
	[tilespmem:$0x1E800] =	vst v63  }
0x78: {  	_ =	swait.ge [sflag:s22], $0x4000  }
0x79: {  	[sflag:s22] =	ssyncset.done $0x0  }
0x7a: {  	[sflag:s22] =	ssyncadd.s32 $0xFFFFC000  }
0x7b: {  	[spmem:s1] =	stream.indirect.scatter.add.f32 [tilespmem:s21], [sflag:$0x4], $0x80, s23, s19, $0xb8;
	[tilespmem:$0x1E800] =	vst v63  }
0x7c: {  	_ =	swait.ge [sflag:s24], $0x4000  }
0x7d: {  	[sflag:s24] =	ssyncset.done $0x0  }
0x7e: {  	s29 =	simm.s32 $0xFFFFB800;
	[sflag:s24] =	ssyncadd.s32 $0xFFFFC000  }
0x7f: {  	[tilespmem:s16], [sflag:$0x1] =	stream.indirect.gather [hbm4b:s4+s19], $0x80, s25, s19, $0xb8;
	[tilespmem:$0x1E800] =	vst v63  }
.LBB2_7:
0x80: {  	_ =	swait.ge [sflag:s20], $0x4000  }
0x81: {  	s30 =	sshra.s32 s29, $0x2;
	[sflag:s20] =	ssyncset.done $0x0  }
0x82: {  	s0 =	sadd.s32 $0x2700, s30;
	[sflag:s20] =	ssyncadd.s32 $0xFFFFC000  }
0x83: {  	[spmem:s1] =	stream.indirect.scatter.add.f32 [tilespmem:s16], [sflag:$0x3], $0x80, s0, s19, $0xb8;
	[tilespmem:$0x1E800] =	vst v63  }
0x84: {  	_ =	swait.ge [sflag:s26], $0x4000  }
0x85: {  	[sflag:s26] =	ssyncset.done $0x0  }
0x86: {  	s31 =	sadd.s32 $0x1380, s30;
	[sflag:s26] =	ssyncadd.s32 $0xFFFFC000  }
0x87: {  	[tilespmem:s21], [sflag:$0x2] =	stream.indirect.gather [hbm4b:s4+s19], $0x80, s31, s19, $0xb8;
	[tilespmem:$0x1E800] =	vst v63  }
0x88: {  	_ =	swait.ge [sflag:s22], $0x4000  }
0x89: {  	p0 =	seq.s32 s29, $0x0;
	[sflag:s22] =	ssyncset.done $0x0  }
.Ltmp5:
0x8a: {  	s31 =	sadd.s32 $0x2780, s30;
	[sflag:s22] =	ssyncadd.s32 $0xFFFFC000;
	(pc) =	sbr.rel @p0 .LBB2_9-.Ltmp5, $4  }
0x8b: {  	[spmem:s1] =	stream.indirect.scatter.add.f32 [tilespmem:s21], [sflag:$0x4], $0x80, s31, s19, $0xb8;
	[tilespmem:$0x1E800] =	vst v63  }
0x8c: {  	_ =	swait.ge [sflag:s24], $0x4000  }
0x8d: {  	[sflag:s24] =	ssyncset.done $0x0  }
0x8e: {  	[sflag:s24] =	ssyncadd.s32 $0xFFFFC000  }
.Ltmp6:
0x8f: {  	(pc) =	sbr.rel .LBB2_7-.Ltmp6, $3  }
0x90: {  	_ =	sdelay $0x1  }
0x91: {  	s0 =	sadd.s32 $0x1400, s30;
	s29 =	sadd.s32 $0x400, s29  }
0x92: {  	[tilespmem:s16], [sflag:$0x1] =	stream.indirect.gather [hbm4b:s4+s19], $0x80, s0, s19, $0xb8;
	[tilespmem:$0x1E800] =	vst v63  }
.LBB2_10:
0x93: {  	_ =	sfence.sel $0x180000  }
0x94: {  	[bflag:$0x0] =	sbarrier.arrive $0xFFFF  }
0x95: {  	_ =	strace $0x9000004A  }
0x96: {  	[bflag:$0x2] =	sbarrier.arrive $0xFFFF  }
0x97: {  	p0 =	sne.s32 s2, $0x0;
	s0 =	rddreg [dreg:$0x3]  }
0x98: {  	s0 =	sadd.s32 @!p0 $0x100000, s0  }
0x99: {  	[sflag:s0] =	ssyncadd.tile.s32 @!p0 $0x1;
	_ =	shalt  }
.Lfunc_end2:
_tile_overlayer_lowered:
.L_overlay_start_2:
0x9a: {  	(tag) =	ssettag $0x2  }
0x9b: {  	s0 =	rddreg [dreg:$0x0];
	s2 =	stileid.u32  }
0x9c: {  	s1 =	rddreg [dreg:$0x1];
	p0 =	sne.s32 s2, $0x0  }
0x9d: {  	s3 =	rddreg [dreg:$0x2];
	[bflag:$0x3] =	sbarrier.arrive $0xFFFF;
	s2 =	simm.s32 @!p0 $0x1C05  }
0x9e: {  	[timem:s3], [sflag:s2] =	dma.local @!p0 [hbm:s0], s1  }
0x9f: {  	s0 =	simm.s32 @!p0 $0x5  }
0xa0: {  	_ =	swait.ge @!p0 [sflag:s0], s1  }
0xa1: {  	s1 =	ssub.s32 @!p0 $0x0, s1;
	[sflag:s0] =	ssyncset.done @!p0 $0x0  }
0xa2: {  	[sflag:s0] =	ssyncadd.s32 @!p0 s1  }
0xa3: {  	[bflag:$0x3] =	sbarrier.arrive $0xFFFF  }
0xa4: {  	_ =	shalt  }

// kernel: kernel.14.cloned.1.call-start
scs
__scs_entry_jumppad:
0x0: {  	(pc) =	sbr.rel $0x88, $3  }
0x1: {  	(tag) =	ssettag $0x0;
	lr =	simm.s32 $0x1  }
0x2: {  	[smem:$0x3F99] =	sst lr;
	_ =	strace $0xD0000000  }
0x3: {  	_ = 	snop  }
0x4: {  	_ = 	snop  }
0x5: {  	_ = 	snop  }
0x6: {  	_ = 	snop  }
0x7: {  	_ = 	snop  }
__scs_overlays_trampoline_lowered:
0x8: {  	[smem:$0x3FA8] =	sst s0  }
0x9: {  	[smem:$0x3FA9] =	sst s1  }
0xa: {  	[smem:$0x3FAA] =	sst s2  }
0xb: {  	[smem:$0x3FAB] =	sst s3  }
0xc: {  	[smem:$0x3FAC] =	sst s4  }
0xd: {  	[smem:$0x3FAD] =	sst s5  }
0xe: {  	[smem:$0x3FAE] =	sst s6  }
0xf: {  	[smem:$0x3FAF] =	sst s7  }
0x10: {  	[smem:$0x3FB0] =	sst s8  }
0x11: {  	[smem:$0x3FB1] =	sst s9;
	s0 =	simm.s32 @!p0 $0x0  }
0x12: {  	s1 =	sld [smem:$0x3F97];
	s0 =	simm.s32 @p0 $0x1  }
0x13: {  	[smem:$0x3FB2] =	sst s0;
	s0 =	simm.s32 @!p1 $0x0  }
0x14: {  	s2 =	sld [smem:$0x3F96];
	s0 =	simm.s32 @p1 $0x1  }
0x15: {  	[smem:$0x3FB3] =	sst s0;
	s0 =	simm.s32 @!p2 $0x0  }
0x16: {  	s3 =	sld [smem:$0x3FDB];
	s0 =	simm.s32 @p2 $0x1  }
0x17: {  	s4 =	simm.s32 $0x1BF5;
	[smem:$0x3FB5] =	sst s0  }
0x18: {  	s0 =	sld [smem:$0x3F98];
	_ =	swait.ge [sflag:s4], $0x0  }
0x19: {  	s7 =	sld [smem:$0x3F99]  }
0x1a: {  	s8 =	sadd.s32 $0xFFFFE003, lr  }
0x1b: {  	s9 =	sadd.s32 $0xFFFFFEF7, lr;
	s5 =	simm.s32 $0xFFFFFFFF;
	p2 =	slt.u32 s8, $0xFFFFF086  }
0x1c: {  	p1 =	slt.u32 s9, $0xF7A;
	s5 =	simm.s32 @!p2 $0x0  }
0x1d: {  	s5 =	simm.s32 @p1 $0x1;
	p0 =	seq.s32 s7, s2  }
0x1e: {  	s7 =	smul.u32 @!p0 $0xF7A, s2;
	p2 =	seq.s32 @!p0 s5, $0x0  }
0x1f: {  	s9 =	smul.u32 $0xF7A, s1;
	s8 =	simm.s32 @!p0 $0x1BF5;
	p2 =	por !p2, p0  }
0x20: {  	[sflag:s8] =	ssyncset.s32 @!p0 $0xFFFFF086;
	s6 =	sadd.s32 @!p0 s3, s7;
	s7 =	simm.s32 @!p0 $0x108  }
0x21: {  	s3 =	sadd.s32 s3, s9;
	s6 =	sadd.s32 @!p0 $0x88, s6;
	s7 =	simm.s32 @p2 $0x1082  }
0x22: {  	[simem:s7], [sflag:s8] =	dma.local @!p0 [hbm:s6], $0xF7A  }
0x23: {  	s9 =	sor.u32 $0xD0000000, s2;
	s6 =	simm.s32 $0x108;
	_ =	swait.ge @!p0 [sflag:s8], $0x0  }
0x24: {  	s3 =	sadd.s32 $0x88, s3;
	s6 =	simm.s32 @!p1 $0x1082;
	[sflag:s4] =	ssyncset.s32 $0xFFFFF086  }
0x25: {  	[simem:s6], [sflag:s4] =	dma.local [hbm:s3], $0xF7A  }
0x26: {  	[smem:$0x3F99] =	sst s1;
	(tag) =	ssettag s2;
	_ =	strace s9  }
0x27: {  	s1 =	sld [smem:$0x3FA9]  }
0x28: {  	s2 =	sld [smem:$0x3FAA]  }
0x29: {  	s4 =	sld [smem:$0x3FAC]  }
0x2a: {  	p0 =	seq.s32 s5, $0x0;
	s5 =	sld [smem:$0x3FAD]  }
0x2b: {  	s6 =	sld [smem:$0x3FAE]  }
0x2c: {  	s7 =	sld [smem:$0x3FAF]  }
0x2d: {  	s3 =	simm.s32 $0x108;
	s8 =	sld [smem:$0x3FB0]  }
0x2e: {  	s3 =	simm.s32 @!p0 $0x1082;
	s9 =	sld [smem:$0x3FB1]  }
0x2f: {  	lr =	sadd.s32 s0, s3;
	s0 =	sld [smem:$0x3FA8]  }
0x30: {  	s3 =	sld [smem:$0x3FAB]  }
0x31: {  	[smem:$0x3FB4] =	sst s10  }
0x32: {  	s10 =	sld [smem:$0x3FB2];
	_ =	sdelay $0x3  }
0x33: {  	p0 =	seq.s32 s10, $0x1;
	s10 =	sld [smem:$0x3FB4];
	_ =	sdelay $0x3  }
0x34: {  	[smem:$0x3FB4] =	sst s10  }
0x35: {  	s10 =	sld [smem:$0x3FB3];
	_ =	sdelay $0x3  }
0x36: {  	p1 =	seq.s32 s10, $0x1;
	s10 =	sld [smem:$0x3FB4];
	_ =	sdelay $0x3  }
0x37: {  	[smem:$0x3FB4] =	sst s10  }
0x38: {  	s10 =	sld [smem:$0x3FB5]  }
0x39: {  	_ = 	snop;
	(pc) =	sbr.ind lr, $3  }
0x3a: {  	_ = 	snop  }
0x3b: {  	_ = 	snop  }
0x3c: {  	p2 =	seq.s32 s10, $0x1;
	s10 =	sld [smem:$0x3FB4]  }
0x3d: {  	_ =	shalt  }
0x3e: {  	_ =	shalt  }
0x3f: {  	_ =	shalt  }
0x40: {  	_ =	shalt  }
0x41: {  	_ =	shalt  }
0x42: {  	_ =	shalt  }
0x43: {  	_ =	shalt  }
0x44: {  	_ =	shalt  }
0x45: {  	_ =	shalt  }
0x46: {  	_ =	shalt  }
0x47: {  	_ =	shalt  }
0x48: {  	_ =	shalt  }
0x49: {  	_ =	shalt  }
0x4a: {  	_ =	shalt  }
0x4b: {  	_ =	shalt  }
0x4c: {  	_ =	shalt  }
0x4d: {  	_ =	shalt  }
0x4e: {  	_ =	shalt  }
0x4f: {  	_ =	shalt  }
0x50: {  	_ =	shalt  }
0x51: {  	_ =	shalt  }
0x52: {  	_ =	shalt  }
0x53: {  	_ =	shalt  }
0x54: {  	_ =	shalt  }
0x55: {  	_ =	shalt  }
0x56: {  	_ =	shalt  }
0x57: {  	_ =	shalt  }
0x58: {  	_ =	shalt  }
0x59: {  	_ =	shalt  }
0x5a: {  	_ =	shalt  }
0x5b: {  	_ =	shalt  }
0x5c: {  	_ =	shalt  }
0x5d: {  	_ =	shalt  }
0x5e: {  	_ =	shalt  }
0x5f: {  	_ =	shalt  }
0x60: {  	_ =	shalt  }
0x61: {  	_ =	shalt  }
0x62: {  	_ =	shalt  }
0x63: {  	_ =	shalt  }
0x64: {  	_ =	shalt  }
0x65: {  	_ =	shalt  }
0x66: {  	_ =	shalt  }
0x67: {  	_ =	shalt  }
0x68: {  	_ =	shalt  }
0x69: {  	_ =	shalt  }
0x6a: {  	_ =	shalt  }
0x6b: {  	_ =	shalt  }
0x6c: {  	_ =	shalt  }
0x6d: {  	_ =	shalt  }
0x6e: {  	_ =	shalt  }
0x6f: {  	_ =	shalt  }
0x70: {  	_ =	shalt  }
0x71: {  	_ =	shalt  }
0x72: {  	_ =	shalt  }
0x73: {  	_ =	shalt  }
0x74: {  	_ =	shalt  }
0x75: {  	_ =	shalt  }
0x76: {  	_ =	shalt  }
0x77: {  	_ =	shalt  }
0x78: {  	_ =	shalt  }
0x79: {  	_ =	shalt  }
0x7a: {  	_ =	shalt  }
0x7b: {  	_ =	shalt  }
0x7c: {  	_ =	shalt  }
0x7d: {  	_ =	shalt  }
0x7e: {  	_ =	shalt  }
0x7f: {  	_ =	shalt  }
0x80: {  	_ =	shalt  }
0x81: {  	_ =	shalt  }
0x82: {  	_ =	shalt  }
0x83: {  	_ =	shalt  }
0x84: {  	_ =	shalt  }
0x85: {  	_ =	shalt  }
0x86: {  	_ =	shalt  }
0x87: {  	_ =	shalt  }
.Lfunc_end0:
.L_simem_size_0:
called_computation.2_lowered:
.L_overlay_start_0:
0x88: {  	s2 =	sld [smem:$0x3FD9]  }
0x89: {  	s3 =	sld [smem:$0x3FFE];
	_ =	sdelay $0x1  }
0x8a: {  	s1 =	srdreg.scid  }
0x8b: {  	s0 =	sand.u32 $0x1, s1  }
0x8c: {  	s17 =	sshll.u32 s0, $0xA;
	s2 =	sadd.s32 s3, s2  }
0x8d: {  	s2 =	sadd.s32 s2, s17  }
0x8e: {  	[smem:$0x3FC0] =	sst s2  }
0x8f: {  	_ = 	snop  }
0x90: {  	s2 =	sld [smem:$0x3FD0];
	(tm) =	ssettm $0x1  }
0x91: {  	s18 =	sld [smem:$0x3FFB];
	_ =	sdelay $0x3  }
0x92: {  	_ =	strace s18  }
0x93: {  	s3 =	sld [smem:$0x3FFC];
	_ =	sdelay $0x3  }
0x94: {  	_ =	strace s3  }
0x95: {  	s3 =	sld [smem:$0x3FFD];
	_ =	sdelay $0x3  }
0x96: {  	_ =	strace s3  }
0x97: {  	_ =	strace $0x8FFFFFFF  }
0x98: {  	s19 =	sld [smem:$0x3FDB];
	_ =	sdelay $0x1  }
0x99: {  	s4 =	simm.s32 $_scs_section_size  }
0x9a: {  	s5 =	simm.s32 $_size__tile_overlayer_lowered;
	s6 =	simm.s32 $_tile_overlayer_lowered  }
0x9b: {  	s22 =	simm.s32 $0x1BFF;
	s21 =	sshll.u32 s6, $0x1;
	s3 =	sadd.s32 s4, s19  }
0x9c: {  	s7 =	simm.s32 $0x0;
	s20 =	sshll.u32 s5, $0x1;
	s5 =	sadd.s32 s21, s3  }
0x9d: {  	[timem:s7], [sflag:s22] =	dma.local [hbm:s5], s20  }
0x9e: {  	_ =	swait.ge [sflag:s22], s20  }
0x9f: {  	s4 =	ssub.s32 $0x0, s20;
	[sflag:s22] =	ssyncset.done $0x0  }
0xa0: {  	[sflag:s22] =	ssyncadd.s32 s4;
	_ =	sdelay $0x1  }
0xa1: {  	s23 =	simm.s32 $0x1B8B  }
0xa2: {  	_ =	swait.ge [sflag:s23], $0x1  }
0xa3: {  	[sflag:s23] =	ssyncset.done $0x0  }
0xa4: {  	s25 =	simm.s32 $0x1B8E;
	s24 =	sld [smem:$0x3FFE];
	[sflag:s23] =	ssyncadd.s32 $0xFFFFFFFF  }
0xa5: {  	s26 =	simm.s32 $execute0_lowered;
	[smem:$0x3FD2] =	sst s25  }
0xa6: {  	s5 =	sshll.u32 s26, $0x1;
	_ =	strace $0x8000004C;
	[dreg:$0x1] =	wrdreg $0xFFFFFFFF  }
0xa7: {  	s28 =	simm.s32 $_size_execute0_lowered;
	s3 =	sadd.s32 s3, s5;
	[dreg:$0x0] =	wrdreg $0x0  }
0xa8: {  	s5 =	sshll.u32 s28, $0x1;
	[dreg:$0x2] =	wrdreg s3  }
0xa9: {  	[dreg:$0x3] =	wrdreg s5  }
0xaa: {  	[dreg:$0x4] =	wrdreg $0xC0  }
0xab: {  	_ =	task [dreg:s7], $0x5FFFF  }
0xac: {  	[dreg:$0x1] =	wrdreg $0xFFFFFFFF  }
0xad: {  	[dreg:$0x0] =	wrdreg $0x60  }
0xae: {  	[dreg:$0x2] =	wrdreg s24  }
0xaf: {  	[dreg:$0x3] =	wrdreg s2  }
0xb0: {  	[dreg:$0x4] =	wrdreg $0xA8000  }
0xb1: {  	[dreg:$0x5] =	wrdreg $0x9  }
0xb2: {  	_ =	task.clear_ibuf [dreg:s7], $0x6FFFF;
	_ =	strace $0x9000004C  }
0xb3: {  	s29 =	simm.s32 $0x9;
	_ =	strace $0x8000004E  }
0xb4: {  	_ =	swait.ge [sflag:s29], $0x1  }
0xb5: {  	[sflag:s29] =	ssyncadd.s32 $0xFFFFFFFF  }
0xb6: {  	_ =	strace $0x9000004E  }
0xb7: {  	_ =	sfence  }
0xb8: {  	s30 =	sld [smem:$0x0];
	_ =	sdelay $0x2  }
0xb9: {  	s31 =	sshll.u32 s1, $0xD;
	s1 =	sshrl.u32 s1, $0x2  }
0xba: {  	s3 =	sand.u32 $0x4000, s31;
	s1 =	sadd.s32 s1, s30  }
0xbb: {  	s0 =	sor.u32 s3, s0;
	s1 =	sshll.u32 s1, $0x11  }
0xbc: {  	s0 =	sor.u32 s1, s0  }
0xbd: {  	s0 =	sadd.s32 $0x8F2B, s0  }
0xbe: {  	[sflag:s0] =	ssyncadd.remote.s32 $0x1  }
0xbf: {  	_ =	sfence.sel $0xFFFF  }
0xc0: {  	[dreg:$0x0] =	wrdreg $0xFFFFFFFF;
	(pc) =	sbr.abs _section_cstart, $3  }
0xc1: {  	[dreg:$0x1] =	wrdreg $0xFFFFFFFF  }
0xc2: {  	_ =	task.clear_ibuf [dreg:s7], $0x2FFFF;
	_ =	strace $0x9FFFFFFF  }
0xc3: {  	(tm) =	ssettm $0x7FFFFFFF  }
tec
execute0_lowered:
.L_overlay_start_1:
0x0: {  	(tag) =	ssettag $0x1  }
0x1: {  	s13 =	rddreg [dreg:$0x0]  }
0x2: {  	s12 =	rddreg [dreg:$0x1]  }
0x3: {  	s1 =	rddreg [dreg:$0x2]  }
0x4: {  	s3 =	simm.s32 $0x0;
	s5 =	srdreg.scid;
	s2 =	stileid.u32  }
0x5: {  	s18 =	simm.s32 $0x85E00;
	s20 =	simm.s32 $0x1;
	s21 =	simm.s32 $0x6800  }
0x6: {  	s22 =	simm.s32 $0x2;
	s23 =	simm.s32 $0x1480;
	s24 =	simm.s32 $0x3  }
0x7: {  	s25 =	simm.s32 $0x100;
	s26 =	simm.s32 $0x4;
	s28 =	simm.s32 $0x0  }
0x8: {  	[smem:$0x7FF] =	sst s3;
	s4 =	sadd.s32 $0xDE00, s13;
	s30 =	smul.u32 $0x50000, s2  }
0x9: {  	s11 =	sand.u32 $0x1, s5;
	s14 =	sadd.s32 $0x3E00, s13;
	s19 =	smul.u32 $0x2800, s2  }
0xa: {  	_ =	strace $0x8000004D;
	s6 =	ssub.s32 $0x2, s11;
	s7 =	sshll.u32 s11, $0x4  }
0xb: {  	p0 =	seq.s32 s11, $0x1;
	s8 =	sshrl.u32 s6, $0x1;
	s9 =	sor.u32 s2, s7  }
0xc: {  	s5 =	sshrl.u32 s30, $0x2;
	s18 =	simm.s32 @!p0 $0x5DE00;
	s16 =	smul.u32 $0x500, s9  }
0xd: {  	s15 =	ssub.s32 s6, s8;
	s5 =	sadd.s32 s5, s1;
	s17 =	smul.u32 $0x2800, s9  }
0xe: {  	s31 =	sadd.s32 s18, s13;
	s18 =	simm.s32 $0x1400;
	s6 =	sadd.s32 $0x4000, s5  }
.Ltmp0:
0xf: {  	s7 =	sadd.s32 $0x8000, s5;
	s8 =	sadd.s32 $0xC000, s5;
	(pc) =	sbr.rel .LBB2_1-.Ltmp0, $4  }
0x10: {  	s9 =	sadd.s32 $0x10000, s5;
	s10 =	sadd.s32 s12, s16;
	s17 =	sshrl.u32 s17, $0x3  }
0x11: {  	s11 =	sadd.s32 s14, s16;
	s16 =	simm.s32 $0x2800;
	s17 =	sadd.s32 $0x280, s17  }
0x12: {  	s12 =	sadd.s32 s12, s17;
	s13 =	sadd.s32 s14, s17;
	s14 =	smax.u32 s15, $0x1  }
0x13: {  	v0 =	vimm.f32 $0.0e+00;
	s15 =	sadd.s32 s31, s19;
	s17 =	simm.s32 $0x5;
	s19 =	simm.s32 $0x80  }
.LBB2_9:
0x14: {  	_ =	swait.ge [sflag:s26], $0x4000  }
0x15: {  	s0 =	sshll.u32 s2, $0x6;
	s28 =	sadd.s32 $0x1, s28;
	[sflag:s26] =	ssyncset.done $0x0  }
0x16: {  	s29 =	sshrl.u32 s5, $0x3;
	p0 =	sne.s32 s28, s14;
	[sflag:s26] =	ssyncadd.s32 $0xFFFFC000  }
.Ltmp1:
0x17: {  	s0 =	sor.u32 $0x1C05, s0;
	[bflag:$0x0] =	sbarrier.arrive $0xFFFF;
	(pc) =	sbr.rel @!p0 .LBB2_10-.Ltmp1, $4  }
0x18: {  	[hbm:s15], [sflag:s0] =	dma.local [spmem:s29], $0x2800  }
0x19: {  	_ =	swait.ge [sflag:s17], $0x2800  }
0x1a: {  	[sflag:s17] =	ssyncset.done $0x0  }
0x1b: {  	[sflag:s17] =	ssyncadd.s32 $0xFFFFD800  }
.LBB2_1:
0x1c: {  	s29 =	sand.u32 $0xFE00, s3  }
0x1d: {  	s30 =	sand.u32 $0x70, s3;
	s31 =	sshrl.u32 s29, $0x2  }
0x1e: {  	s29 =	simm.s32 $0x40;
	s31 =	sor.u32 s30, s31;
	s30 =	simm.s32 $0x0  }
.LBB2_2:
0x1f: {  	p0 =	sne.s32 s29, $0xFFC0  }
0x20: {  	[tilespmem:s31+$0x2800] =	vst v0;
	s30 =	sadd.s32 $0x10, s30;
	s31 =	smov.u32 s29;
	s29 =	sadd.s32 $0x40, s29  }
.Ltmp2:
0x21: {  	(pc) =	sbr.rel @p0 .LBB2_2-.Ltmp2, $4  }
0x22: {  	_ = 	snop  }
0x23: {  	s31 =	sand.u32 $0xFE00, s31  }
0x24: {  	s0 =	sand.u32 $0x70, s30;
	s31 =	sshrl.u32 s31, $0x2  }
0x25: {  	s31 =	sor.u32 s0, s31  }
0x26: {  	[tilespmem:s31+$0x2800] =	vst v0  }
0x27: {  	[spmem:s5] =	stream.linear.scatter [tilespmem:s16], [sflag:$0x5], $0x4000, $0x38;
	[tilespmem:$0x1E800] =	vst v63  }
0x28: {  	_ =	swait.ge [sflag:s17], $0x4000  }
0x29: {  	[sflag:s17] =	ssyncset.done $0x0  }
0x2a: {  	[sflag:s17] =	ssyncadd.s32 $0xFFFFC000  }
0x2b: {  	[spmem:s6] =	stream.linear.scatter [tilespmem:s16], [sflag:$0x5], $0x4000, $0x38;
	[tilespmem:$0x1E800] =	vst v63  }
0x2c: {  	_ =	swait.ge [sflag:s17], $0x4000  }
0x2d: {  	[sflag:s17] =	ssyncset.done $0x0  }
0x2e: {  	[sflag:s17] =	ssyncadd.s32 $0xFFFFC000  }
0x2f: {  	[spmem:s7] =	stream.linear.scatter [tilespmem:s16], [sflag:$0x5], $0x4000, $0x38;
	[tilespmem:$0x1E800] =	vst v63  }
0x30: {  	_ =	swait.ge [sflag:s17], $0x4000  }
0x31: {  	[sflag:s17] =	ssyncset.done $0x0  }
0x32: {  	[sflag:s17] =	ssyncadd.s32 $0xFFFFC000  }
0x33: {  	[spmem:s8] =	stream.linear.scatter [tilespmem:s16], [sflag:$0x5], $0x4000, $0x38;
	[tilespmem:$0x1E800] =	vst v63  }
0x34: {  	_ =	swait.ge [sflag:s17], $0x4000  }
0x35: {  	[sflag:s17] =	ssyncset.done $0x0  }
0x36: {  	[sflag:s17] =	ssyncadd.s32 $0xFFFFC000  }
0x37: {  	[spmem:s9] =	stream.linear.scatter [tilespmem:s16], [sflag:$0x5], $0x4000, $0x38;
	[tilespmem:$0x1E800] =	vst v63  }
0x38: {  	_ =	swait.ge [sflag:s17], $0x4000  }
0x39: {  	[sflag:s17] =	ssyncset.done $0x0  }
0x3a: {  	[sflag:s17] =	ssyncadd.s32 $0xFFFFC000  }
0x3b: {  	[bflag:$0x0] =	sbarrier.arrive $0xFFFF  }
0x3c: {  	[tilespmem:s3], [sflag:$0x5] =	stream.linear.gather [hbm4b:s10+s3], $0x1400, $0x38;
	[tilespmem:$0x1E800] =	vst v63  }
0x3d: {  	_ =	swait.ge [sflag:s17], $0x1400  }
0x3e: {  	[sflag:s17] =	ssyncset.done $0x0  }
0x3f: {  	[sflag:s17] =	ssyncadd.s32 $0xFFFFEC00  }
0x40: {  	[tilespmem:s18], [sflag:$0x5] =	stream.linear.gather [hbm4b:s11+s3], $0x1400, $0x38;
	[tilespmem:$0x1E800] =	vst v63  }
0x41: {  	_ =	swait.ge [sflag:s17], $0x1400  }
0x42: {  	[sflag:s17] =	ssyncset.done $0x0  }
0x43: {  	[sflag:s17] =	ssyncadd.s32 $0xFFFFEC00  }
0x44: {  	[tilespmem:s16], [sflag:$0x1] =	stream.indirect.gather [hbm4b:s4+s19], $0x80, s3, s19, $0xb8;
	[tilespmem:$0x1E800] =	vst v63  }
0x45: {  	_ =	swait.ge [sflag:s20], $0x4000  }
0x46: {  	[sflag:s20] =	ssyncset.done $0x0  }
0x47: {  	[sflag:s20] =	ssyncadd.s32 $0xFFFFC000  }
0x48: {  	[spmem:s1] =	stream.indirect.scatter.add.f32 [tilespmem:s16], [sflag:$0x3], $0x80, s18, s19, $0xb8;
	[tilespmem:$0x1E800] =	vst v63  }
0x49: {  	_ = 	snop  }
0x4a: {  	[tilespmem:s21], [sflag:$0x2] =	stream.indirect.gather [hbm4b:s4+s19], $0x80, s19, s19, $0xb8;
	[tilespmem:$0x1E800] =	vst v63  }
0x4b: {  	_ =	swait.ge [sflag:s22], $0x4000  }
0x4c: {  	[sflag:s22] =	ssyncset.done $0x0  }
0x4d: {  	[sflag:s22] =	ssyncadd.s32 $0xFFFFC000  }
0x4e: {  	[spmem:s1] =	stream.indirect.scatter.add.f32 [tilespmem:s21], [sflag:$0x4], $0x80, s23, s19, $0xb8;
	[tilespmem:$0x1E800] =	vst v63  }
0x4f: {  	_ =	swait.ge [sflag:s24], $0x4000  }
0x50: {  	[sflag:s24] =	ssyncset.done $0x0  }
0x51: {  	s29 =	simm.s32 $0xFFFFB800;
	[sflag:s24] =	ssyncadd.s32 $0xFFFFC000  }
0x52: {  	[tilespmem:s16], [sflag:$0x1] =	stream.indirect.gather [hbm4b:s4+s19], $0x80, s25, s19, $0xb8;
	[tilespmem:$0x1E800] =	vst v63  }
.LBB2_4:
0x53: {  	_ =	swait.ge [sflag:s20], $0x4000  }
0x54: {  	s30 =	sshra.s32 s29, $0x2;
	[sflag:s20] =	ssyncset.done $0x0  }
0x55: {  	s0 =	sadd.s32 $0x2700, s30;
	[sflag:s20] =	ssyncadd.s32 $0xFFFFC000  }
0x56: {  	[spmem:s1] =	stream.indirect.scatter.add.f32 [tilespmem:s16], [sflag:$0x3], $0x80, s0, s19, $0xb8;
	[tilespmem:$0x1E800] =	vst v63  }
0x57: {  	_ =	swait.ge [sflag:s26], $0x4000  }
0x58: {  	[sflag:s26] =	ssyncset.done $0x0  }
0x59: {  	s31 =	sadd.s32 $0x1380, s30;
	[sflag:s26] =	ssyncadd.s32 $0xFFFFC000  }
0x5a: {  	[tilespmem:s21], [sflag:$0x2] =	stream.indirect.gather [hbm4b:s4+s19], $0x80, s31, s19, $0xb8;
	[tilespmem:$0x1E800] =	vst v63  }
0x5b: {  	_ =	swait.ge [sflag:s22], $0x4000  }
0x5c: {  	p0 =	seq.s32 s29, $0x0;
	[sflag:s22] =	ssyncset.done $0x0  }
.Ltmp3:
0x5d: {  	s31 =	sadd.s32 $0x2780, s30;
	[sflag:s22] =	ssyncadd.s32 $0xFFFFC000;
	(pc) =	sbr.rel @p0 .LBB2_6-.Ltmp3, $4  }
0x5e: {  	[spmem:s1] =	stream.indirect.scatter.add.f32 [tilespmem:s21], [sflag:$0x4], $0x80, s31, s19, $0xb8;
	[tilespmem:$0x1E800] =	vst v63  }
0x5f: {  	_ =	swait.ge [sflag:s24], $0x4000  }
0x60: {  	[sflag:s24] =	ssyncset.done $0x0  }
0x61: {  	[sflag:s24] =	ssyncadd.s32 $0xFFFFC000  }
.Ltmp4:
0x62: {  	(pc) =	sbr.rel .LBB2_4-.Ltmp4, $3  }
0x63: {  	_ =	sdelay $0x1  }
0x64: {  	s0 =	sadd.s32 $0x1400, s30;
	s29 =	sadd.s32 $0x400, s29  }
0x65: {  	[tilespmem:s16], [sflag:$0x1] =	stream.indirect.gather [hbm4b:s4+s19], $0x80, s0, s19, $0xb8;
	[tilespmem:$0x1E800] =	vst v63  }
.LBB2_6:
0x66: {  	_ =	swait.ge [sflag:s26], $0x4000  }
0x67: {  	[sflag:s26] =	ssyncset.done $0x0  }
0x68: {  	[sflag:s26] =	ssyncadd.s32 $0xFFFFC000  }
0x69: {  	[tilespmem:s3], [sflag:$0x5] =	stream.linear.gather [hbm4b:s12+s3], $0x1400, $0x38;
	[tilespmem:$0x1E800] =	vst v63  }
0x6a: {  	_ =	swait.ge [sflag:s17], $0x1400  }
0x6b: {  	[sflag:s17] =	ssyncset.done $0x0  }
0x6c: {  	[sflag:s17] =	ssyncadd.s32 $0xFFFFEC00  }
0x6d: {  	[tilespmem:s18], [sflag:$0x5] =	stream.linear.gather [hbm4b:s13+s3], $0x1400, $0x38;
	[tilespmem:$0x1E800] =	vst v63  }
0x6e: {  	_ =	swait.ge [sflag:s17], $0x1400  }
0x6f: {  	[sflag:s17] =	ssyncset.done $0x0  }
0x70: {  	[sflag:s17] =	ssyncadd.s32 $0xFFFFEC00  }
0x71: {  	[tilespmem:s16], [sflag:$0x1] =	stream.indirect.gather [hbm4b:s4+s19], $0x80, s3, s19, $0xb8;
	[tilespmem:$0x1E800] =	vst v63  }
0x72: {  	_ =	swait.ge [sflag:s20], $0x4000  }
0x73: {  	[sflag:s20] =	ssyncset.done $0x0  }
0x74: {  	[sflag:s20] =	ssyncadd.s32 $0xFFFFC000  }
0x75: {  	[spmem:s1] =	stream.indirect.scatter.add.f32 [tilespmem:s16], [sflag:$0x3], $0x80, s18, s19, $0xb8;
	[tilespmem:$0x1E800] =	vst v63  }
0x76: {  	_ = 	snop  }
0x77: {  	[tilespmem:s21], [sflag:$0x2] =	stream.indirect.gather [hbm4b:s4+s19], $0x80, s19, s19, $0xb8;
	[tilespmem:$0x1E800] =	vst v63  }
0x78: {  	_ =	swait.ge [sflag:s22], $0x4000  }
0x79: {  	[sflag:s22] =	ssyncset.done $0x0  }
0x7a: {  	[sflag:s22] =	ssyncadd.s32 $0xFFFFC000  }
0x7b: {  	[spmem:s1] =	stream.indirect.scatter.add.f32 [tilespmem:s21], [sflag:$0x4], $0x80, s23, s19, $0xb8;
	[tilespmem:$0x1E800] =	vst v63  }
0x7c: {  	_ =	swait.ge [sflag:s24], $0x4000  }
0x7d: {  	[sflag:s24] =	ssyncset.done $0x0  }
0x7e: {  	s29 =	simm.s32 $0xFFFFB800;
	[sflag:s24] =	ssyncadd.s32 $0xFFFFC000  }
0x7f: {  	[tilespmem:s16], [sflag:$0x1] =	stream.indirect.gather [hbm4b:s4+s19], $0x80, s25, s19, $0xb8;
	[tilespmem:$0x1E800] =	vst v63  }
.LBB2_7:
0x80: {  	_ =	swait.ge [sflag:s20], $0x4000  }
0x81: {  	s30 =	sshra.s32 s29, $0x2;
	[sflag:s20] =	ssyncset.done $0x0  }
0x82: {  	s0 =	sadd.s32 $0x2700, s30;
	[sflag:s20] =	ssyncadd.s32 $0xFFFFC000  }
0x83: {  	[spmem:s1] =	stream.indirect.scatter.add.f32 [tilespmem:s16], [sflag:$0x3], $0x80, s0, s19, $0xb8;
	[tilespmem:$0x1E800] =	vst v63  }
0x84: {  	_ =	swait.ge [sflag:s26], $0x4000  }
0x85: {  	[sflag:s26] =	ssyncset.done $0x0  }
0x86: {  	s31 =	sadd.s32 $0x1380, s30;
	[sflag:s26] =	ssyncadd.s32 $0xFFFFC000  }
0x87: {  	[tilespmem:s21], [sflag:$0x2] =	stream.indirect.gather [hbm4b:s4+s19], $0x80, s31, s19, $0xb8;
	[tilespmem:$0x1E800] =	vst v63  }
0x88: {  	_ =	swait.ge [sflag:s22], $0x4000  }
0x89: {  	p0 =	seq.s32 s29, $0x0;
	[sflag:s22] =	ssyncset.done $0x0  }
.Ltmp5:
0x8a: {  	s31 =	sadd.s32 $0x2780, s30;
	[sflag:s22] =	ssyncadd.s32 $0xFFFFC000;
	(pc) =	sbr.rel @p0 .LBB2_9-.Ltmp5, $4  }
0x8b: {  	[spmem:s1] =	stream.indirect.scatter.add.f32 [tilespmem:s21], [sflag:$0x4], $0x80, s31, s19, $0xb8;
	[tilespmem:$0x1E800] =	vst v63  }
0x8c: {  	_ =	swait.ge [sflag:s24], $0x4000  }
0x8d: {  	[sflag:s24] =	ssyncset.done $0x0  }
0x8e: {  	[sflag:s24] =	ssyncadd.s32 $0xFFFFC000  }
.Ltmp6:
0x8f: {  	(pc) =	sbr.rel .LBB2_7-.Ltmp6, $3  }
0x90: {  	_ =	sdelay $0x1  }
0x91: {  	s0 =	sadd.s32 $0x1400, s30;
	s29 =	sadd.s32 $0x400, s29  }
0x92: {  	[tilespmem:s16], [sflag:$0x1] =	stream.indirect.gather [hbm4b:s4+s19], $0x80, s0, s19, $0xb8;
	[tilespmem:$0x1E800] =	vst v63  }
.LBB2_10:
0x93: {  	_ =	sfence.sel $0x180000  }
0x94: {  	[bflag:$0x0] =	sbarrier.arrive $0xFFFF  }
0x95: {  	_ =	strace $0x9000004D  }
0x96: {  	[bflag:$0x2] =	sbarrier.arrive $0xFFFF  }
0x97: {  	p0 =	sne.s32 s2, $0x0;
	s0 =	rddreg [dreg:$0x3]  }
0x98: {  	s0 =	sadd.s32 @!p0 $0x100000, s0  }
0x99: {  	[sflag:s0] =	ssyncadd.tile.s32 @!p0 $0x1;
	_ =	shalt  }
.Lfunc_end2:
_tile_overlayer_lowered:
.L_overlay_start_2:
0x9a: {  	(tag) =	ssettag $0x2  }
0x9b: {  	s0 =	rddreg [dreg:$0x0];
	s2 =	stileid.u32  }
0x9c: {  	s1 =	rddreg [dreg:$0x1];
	p0 =	sne.s32 s2, $0x0  }
0x9d: {  	s3 =	rddreg [dreg:$0x2];
	[bflag:$0x3] =	sbarrier.arrive $0xFFFF;
	s2 =	simm.s32 @!p0 $0x1C05  }
0x9e: {  	[timem:s3], [sflag:s2] =	dma.local @!p0 [hbm:s0], s1  }
0x9f: {  	s0 =	simm.s32 @!p0 $0x5  }
0xa0: {  	_ =	swait.ge @!p0 [sflag:s0], s1  }
0xa1: {  	s1 =	ssub.s32 @!p0 $0x0, s1;
	[sflag:s0] =	ssyncset.done @!p0 $0x0  }
0xa2: {  	[sflag:s0] =	ssyncadd.s32 @!p0 s1  }
0xa3: {  	[bflag:$0x3] =	sbarrier.arrive $0xFFFF  }
0xa4: {  	_ =	shalt  }

// kernel: kernel.8.cloned.1.call-start
scs
__scs_entry_jumppad:
0x0: {  	(pc) =	sbr.rel $0x88, $3  }
0x1: {  	(tag) =	ssettag $0x0;
	lr =	simm.s32 $0x1  }
0x2: {  	[smem:$0x3F99] =	sst lr;
	_ =	strace $0xD0000000  }
0x3: {  	_ = 	snop  }
0x4: {  	_ = 	snop  }
0x5: {  	_ = 	snop  }
0x6: {  	_ = 	snop  }
0x7: {  	_ = 	snop  }
__scs_overlays_trampoline_lowered:
0x8: {  	[smem:$0x3FA8] =	sst s0  }
0x9: {  	[smem:$0x3FA9] =	sst s1  }
0xa: {  	[smem:$0x3FAA] =	sst s2  }
0xb: {  	[smem:$0x3FAB] =	sst s3  }
0xc: {  	[smem:$0x3FAC] =	sst s4  }
0xd: {  	[smem:$0x3FAD] =	sst s5  }
0xe: {  	[smem:$0x3FAE] =	sst s6  }
0xf: {  	[smem:$0x3FAF] =	sst s7  }
0x10: {  	[smem:$0x3FB0] =	sst s8  }
0x11: {  	[smem:$0x3FB1] =	sst s9;
	s0 =	simm.s32 @!p0 $0x0  }
0x12: {  	s1 =	sld [smem:$0x3F97];
	s0 =	simm.s32 @p0 $0x1  }
0x13: {  	[smem:$0x3FB2] =	sst s0;
	s0 =	simm.s32 @!p1 $0x0  }
0x14: {  	s2 =	sld [smem:$0x3F96];
	s0 =	simm.s32 @p1 $0x1  }
0x15: {  	[smem:$0x3FB3] =	sst s0;
	s0 =	simm.s32 @!p2 $0x0  }
0x16: {  	s3 =	sld [smem:$0x3FDB];
	s0 =	simm.s32 @p2 $0x1  }
0x17: {  	s4 =	simm.s32 $0x1BF5;
	[smem:$0x3FB5] =	sst s0  }
0x18: {  	s0 =	sld [smem:$0x3F98];
	_ =	swait.ge [sflag:s4], $0x0  }
0x19: {  	s7 =	sld [smem:$0x3F99]  }
0x1a: {  	s8 =	sadd.s32 $0xFFFFE003, lr  }
0x1b: {  	s9 =	sadd.s32 $0xFFFFFEF7, lr;
	s5 =	simm.s32 $0xFFFFFFFF;
	p2 =	slt.u32 s8, $0xFFFFF086  }
0x1c: {  	p1 =	slt.u32 s9, $0xF7A;
	s5 =	simm.s32 @!p2 $0x0  }
0x1d: {  	s5 =	simm.s32 @p1 $0x1;
	p0 =	seq.s32 s7, s2  }
0x1e: {  	s7 =	smul.u32 @!p0 $0xF7A, s2;
	p2 =	seq.s32 @!p0 s5, $0x0  }
0x1f: {  	s9 =	smul.u32 $0xF7A, s1;
	s8 =	simm.s32 @!p0 $0x1BF5;
	p2 =	por !p2, p0  }
0x20: {  	[sflag:s8] =	ssyncset.s32 @!p0 $0xFFFFF086;
	s6 =	sadd.s32 @!p0 s3, s7;
	s7 =	simm.s32 @!p0 $0x108  }
0x21: {  	s3 =	sadd.s32 s3, s9;
	s6 =	sadd.s32 @!p0 $0x88, s6;
	s7 =	simm.s32 @p2 $0x1082  }
0x22: {  	[simem:s7], [sflag:s8] =	dma.local @!p0 [hbm:s6], $0xF7A  }
0x23: {  	s9 =	sor.u32 $0xD0000000, s2;
	s6 =	simm.s32 $0x108;
	_ =	swait.ge @!p0 [sflag:s8], $0x0  }
0x24: {  	s3 =	sadd.s32 $0x88, s3;
	s6 =	simm.s32 @!p1 $0x1082;
	[sflag:s4] =	ssyncset.s32 $0xFFFFF086  }
0x25: {  	[simem:s6], [sflag:s4] =	dma.local [hbm:s3], $0xF7A  }
0x26: {  	[smem:$0x3F99] =	sst s1;
	(tag) =	ssettag s2;
	_ =	strace s9  }
0x27: {  	s1 =	sld [smem:$0x3FA9]  }
0x28: {  	s2 =	sld [smem:$0x3FAA]  }
0x29: {  	s4 =	sld [smem:$0x3FAC]  }
0x2a: {  	p0 =	seq.s32 s5, $0x0;
	s5 =	sld [smem:$0x3FAD]  }
0x2b: {  	s6 =	sld [smem:$0x3FAE]  }
0x2c: {  	s7 =	sld [smem:$0x3FAF]  }
0x2d: {  	s3 =	simm.s32 $0x108;
	s8 =	sld [smem:$0x3FB0]  }
0x2e: {  	s3 =	simm.s32 @!p0 $0x1082;
	s9 =	sld [smem:$0x3FB1]  }
0x2f: {  	lr =	sadd.s32 s0, s3;
	s0 =	sld [smem:$0x3FA8]  }
0x30: {  	s3 =	sld [smem:$0x3FAB]  }
0x31: {  	[smem:$0x3FB4] =	sst s10  }
0x32: {  	s10 =	sld [smem:$0x3FB2];
	_ =	sdelay $0x3  }
0x33: {  	p0 =	seq.s32 s10, $0x1;
	s10 =	sld [smem:$0x3FB4];
	_ =	sdelay $0x3  }
0x34: {  	[smem:$0x3FB4] =	sst s10  }
0x35: {  	s10 =	sld [smem:$0x3FB3];
	_ =	sdelay $0x3  }
0x36: {  	p1 =	seq.s32 s10, $0x1;
	s10 =	sld [smem:$0x3FB4];
	_ =	sdelay $0x3  }
0x37: {  	[smem:$0x3FB4] =	sst s10  }
0x38: {  	s10 =	sld [smem:$0x3FB5]  }
0x39: {  	_ = 	snop;
	(pc) =	sbr.ind lr, $3  }
0x3a: {  	_ = 	snop  }
0x3b: {  	_ = 	snop  }
0x3c: {  	p2 =	seq.s32 s10, $0x1;
	s10 =	sld [smem:$0x3FB4]  }
0x3d: {  	_ =	shalt  }
0x3e: {  	_ =	shalt  }
0x3f: {  	_ =	shalt  }
0x40: {  	_ =	shalt  }
0x41: {  	_ =	shalt  }
0x42: {  	_ =	shalt  }
0x43: {  	_ =	shalt  }
0x44: {  	_ =	shalt  }
0x45: {  	_ =	shalt  }
0x46: {  	_ =	shalt  }
0x47: {  	_ =	shalt  }
0x48: {  	_ =	shalt  }
0x49: {  	_ =	shalt  }
0x4a: {  	_ =	shalt  }
0x4b: {  	_ =	shalt  }
0x4c: {  	_ =	shalt  }
0x4d: {  	_ =	shalt  }
0x4e: {  	_ =	shalt  }
0x4f: {  	_ =	shalt  }
0x50: {  	_ =	shalt  }
0x51: {  	_ =	shalt  }
0x52: {  	_ =	shalt  }
0x53: {  	_ =	shalt  }
0x54: {  	_ =	shalt  }
0x55: {  	_ =	shalt  }
0x56: {  	_ =	shalt  }
0x57: {  	_ =	shalt  }
0x58: {  	_ =	shalt  }
0x59: {  	_ =	shalt  }
0x5a: {  	_ =	shalt  }
0x5b: {  	_ =	shalt  }
0x5c: {  	_ =	shalt  }
0x5d: {  	_ =	shalt  }
0x5e: {  	_ =	shalt  }
0x5f: {  	_ =	shalt  }
0x60: {  	_ =	shalt  }
0x61: {  	_ =	shalt  }
0x62: {  	_ =	shalt  }
0x63: {  	_ =	shalt  }
0x64: {  	_ =	shalt  }
0x65: {  	_ =	shalt  }
0x66: {  	_ =	shalt  }
0x67: {  	_ =	shalt  }
0x68: {  	_ =	shalt  }
0x69: {  	_ =	shalt  }
0x6a: {  	_ =	shalt  }
0x6b: {  	_ =	shalt  }
0x6c: {  	_ =	shalt  }
0x6d: {  	_ =	shalt  }
0x6e: {  	_ =	shalt  }
0x6f: {  	_ =	shalt  }
0x70: {  	_ =	shalt  }
0x71: {  	_ =	shalt  }
0x72: {  	_ =	shalt  }
0x73: {  	_ =	shalt  }
0x74: {  	_ =	shalt  }
0x75: {  	_ =	shalt  }
0x76: {  	_ =	shalt  }
0x77: {  	_ =	shalt  }
0x78: {  	_ =	shalt  }
0x79: {  	_ =	shalt  }
0x7a: {  	_ =	shalt  }
0x7b: {  	_ =	shalt  }
0x7c: {  	_ =	shalt  }
0x7d: {  	_ =	shalt  }
0x7e: {  	_ =	shalt  }
0x7f: {  	_ =	shalt  }
0x80: {  	_ =	shalt  }
0x81: {  	_ =	shalt  }
0x82: {  	_ =	shalt  }
0x83: {  	_ =	shalt  }
0x84: {  	_ =	shalt  }
0x85: {  	_ =	shalt  }
0x86: {  	_ =	shalt  }
0x87: {  	_ =	shalt  }
.Lfunc_end0:
.L_simem_size_0:
called_computation_lowered:
.L_overlay_start_0:
0x88: {  	s2 =	sld [smem:$0x3FD9]  }
0x89: {  	s3 =	sld [smem:$0x3FFE];
	_ =	sdelay $0x1  }
0x8a: {  	s1 =	srdreg.scid  }
0x8b: {  	s0 =	sand.u32 $0x1, s1  }
0x8c: {  	s16 =	sshll.u32 s0, $0xA;
	s2 =	sadd.s32 s3, s2  }
0x8d: {  	s2 =	sadd.s32 s2, s16  }
0x8e: {  	[smem:$0x3FC0] =	sst s2  }
0x8f: {  	_ = 	snop  }
0x90: {  	(tm) =	ssettm $0x1  }
0x91: {  	s17 =	sld [smem:$0x3FFB];
	_ =	sdelay $0x3  }
0x92: {  	_ =	strace s17  }
0x93: {  	s2 =	sld [smem:$0x3FFC];
	_ =	sdelay $0x3  }
0x94: {  	_ =	strace s2  }
0x95: {  	s2 =	sld [smem:$0x3FFD];
	_ =	sdelay $0x3  }
0x96: {  	_ =	strace s2  }
0x97: {  	_ =	strace $0x8FFFFFFF  }
0x98: {  	s18 =	sld [smem:$0x3FDB];
	_ =	sdelay $0x1  }
0x99: {  	s19 =	simm.s32 $_scs_section_size  }
0x9a: {  	s4 =	simm.s32 $_size__tile_overlayer_lowered;
	s5 =	simm.s32 $_tile_overlayer_lowered  }
0x9b: {  	s22 =	simm.s32 $0x1BFF;
	s21 =	sshll.u32 s5, $0x1;
	s2 =	sadd.s32 s19, s18  }
0x9c: {  	s6 =	simm.s32 $0x0;
	s20 =	sshll.u32 s4, $0x1;
	s4 =	sadd.s32 s21, s2  }
0x9d: {  	[timem:s6], [sflag:s22] =	dma.local [hbm:s4], s20  }
0x9e: {  	_ =	swait.ge [sflag:s22], s20  }
0x9f: {  	s3 =	ssub.s32 $0x0, s20;
	[sflag:s22] =	ssyncset.done $0x0  }
0xa0: {  	[sflag:s22] =	ssyncadd.s32 s3;
	_ =	sdelay $0x1  }
0xa1: {  	s23 =	simm.s32 $0x1B8B  }
0xa2: {  	_ =	swait.ge [sflag:s23], $0x1  }
0xa3: {  	[sflag:s23] =	ssyncset.done $0x0  }
0xa4: {  	s25 =	simm.s32 $0x1B8E;
	s24 =	sld [smem:$0x3FFE];
	[sflag:s23] =	ssyncadd.s32 $0xFFFFFFFF  }
0xa5: {  	s26 =	simm.s32 $execute0_lowered;
	[smem:$0x3FD2] =	sst s25  }
0xa6: {  	s4 =	sshll.u32 s26, $0x1;
	_ =	strace $0x80000046;
	[dreg:$0x1] =	wrdreg $0xFFFFFFFF  }
0xa7: {  	s28 =	simm.s32 $_size_execute0_lowered;
	s2 =	sadd.s32 s2, s4;
	[dreg:$0x0] =	wrdreg $0x0  }
0xa8: {  	s4 =	sshll.u32 s28, $0x1;
	[dreg:$0x2] =	wrdreg s2  }
0xa9: {  	[dreg:$0x3] =	wrdreg s4  }
0xaa: {  	[dreg:$0x4] =	wrdreg $0xC0  }
0xab: {  	_ =	task [dreg:s6], $0x5FFFF  }
0xac: {  	[dreg:$0x1] =	wrdreg $0xFFFFFFFF  }
0xad: {  	[dreg:$0x0] =	wrdreg $0x60  }
0xae: {  	[dreg:$0x2] =	wrdreg s24  }
0xaf: {  	[dreg:$0x3] =	wrdreg $0x2B000  }
0xb0: {  	[dreg:$0x4] =	wrdreg $0x9  }
0xb1: {  	_ =	task.clear_ibuf [dreg:s6], $0x5FFFF;
	_ =	strace $0x90000046  }
0xb2: {  	s29 =	simm.s32 $0x9;
	_ =	strace $0x80000048  }
0xb3: {  	_ =	swait.ge [sflag:s29], $0x1  }
0xb4: {  	[sflag:s29] =	ssyncadd.s32 $0xFFFFFFFF  }
0xb5: {  	_ =	strace $0x90000048  }
0xb6: {  	_ =	sfence  }
0xb7: {  	s30 =	sld [smem:$0x0];
	_ =	sdelay $0x2  }
0xb8: {  	s31 =	sshll.u32 s1, $0xD;
	s1 =	sshrl.u32 s1, $0x2  }
0xb9: {  	s3 =	sand.u32 $0x4000, s31;
	s1 =	sadd.s32 s1, s30  }
0xba: {  	s0 =	sor.u32 s3, s0;
	s1 =	sshll.u32 s1, $0x11  }
0xbb: {  	s0 =	sor.u32 s1, s0  }
0xbc: {  	s0 =	sadd.s32 $0x8F2B, s0  }
0xbd: {  	[sflag:s0] =	ssyncadd.remote.s32 $0x1  }
0xbe: {  	_ =	sfence.sel $0xFFFF  }
0xbf: {  	[dreg:$0x0] =	wrdreg $0xFFFFFFFF;
	(pc) =	sbr.abs _section_cstart, $3  }
0xc0: {  	[dreg:$0x1] =	wrdreg $0xFFFFFFFF  }
0xc1: {  	_ =	task.clear_ibuf [dreg:s6], $0x2FFFF;
	_ =	strace $0x9FFFFFFF  }
0xc2: {  	(tm) =	ssettm $0x7FFFFFFF  }
0xc3: {  	_ =	shalt  }
tec
execute0_lowered:
.L_overlay_start_1:
0x0: {  	(tag) =	ssettag $0x1  }
0x1: {  	s0 =	srdreg.scid;
	s7 =	rddreg [dreg:$0x0]  }
0x2: {  	s2 =	rddreg [dreg:$0x1];
	s1 =	stileid.u32  }
0x3: {  	s3 =	simm.s32 $0x0;
	s10 =	simm.s32 $0x80;
	s11 =	simm.s32 $0x2800  }
0x4: {  	s12 =	simm.s32 $0x0;
	s4 =	sand.u32 $0x1, s0;
	s0 =	rddreg [dreg:$0x2]  }
0x5: {  	[smem:$0x7FF] =	sst s3;
	s9 =	smul.u32 $0x280, s1;
	s5 =	sshll.u32 s4, $0x4  }
0x6: {  	_ =	strace $0x80000047;
	s6 =	ssub.s32 $0x2, s4;
	p0 =	seq.s32 s4, $0x1  }
0x7: {  	s5 =	sor.u32 s1, s5;
	s8 =	sshrl.u32 s6, $0x1;
	s4 =	sadd.s32 s9, s2  }
0x8: {  	s5 =	smul.u32 $0x500, s5;
	s6 =	ssub.s32 s6, s8;
	s8 =	simm.s32 $0xE400  }
0x9: {  	s9 =	sshrl.u32 s9, $0x3;
	s8 =	simm.s32 @!p0 $0xDE00;
	s6 =	smax.u32 s6, $0x1  }
0xa: {  	s5 =	sadd.s32 s5, s7;
	s7 =	sadd.s32 s8, s7;
	s8 =	simm.s32 $0x2880  }
0xb: {  	v0 =	vimm.f32 $1.000000000e+00;
	v1 =	vimm.f32 $0.0e+00;
	s5 =	sadd.s32 $0x3E00, s5;
	s7 =	sadd.s32 s7, s9;
	s9 =	simm.s32 $0x1  }
.LBB2_1:
0xc: {  	[tilespmem:$0x2800] =	vst v0  }
0xd: {  	[tilespmem:$0x2810] =	vst v0  }
0xe: {  	[tilespmem:$0x2820] =	vst v0  }
0xf: {  	[tilespmem:$0x2830] =	vst v0  }
0x10: {  	[tilespmem:$0x2840] =	vst v0  }
0x11: {  	[tilespmem:$0x2850] =	vst v0  }
0x12: {  	[tilespmem:$0x2860] =	vst v0  }
0x13: {  	[tilespmem:$0x2870] =	vst v0  }
0x14: {  	[tilespmem:$0x2880] =	vst v1  }
0x15: {  	[tilespmem:$0x2890] =	vst v1  }
0x16: {  	[tilespmem:$0x28A0] =	vst v1  }
0x17: {  	[tilespmem:$0x28B0] =	vst v1  }
0x18: {  	[tilespmem:$0x28C0] =	vst v1  }
0x19: {  	[tilespmem:$0x28D0] =	vst v1  }
0x1a: {  	[tilespmem:$0x28E0] =	vst v1  }
0x1b: {  	[tilespmem:$0x28F0] =	vst v1  }
0x1c: {  	[tilespmem:$0x2900] =	vst v1  }
0x1d: {  	[tilespmem:$0x2910] =	vst v1  }
0x1e: {  	[tilespmem:$0x2920] =	vst v1  }
0x1f: {  	[tilespmem:$0x2930] =	vst v1  }
0x20: {  	[tilespmem:$0x2940] =	vst v1  }
0x21: {  	[tilespmem:$0x2950] =	vst v1  }
0x22: {  	[tilespmem:$0x2960] =	vst v1  }
0x23: {  	[tilespmem:$0x2970] =	vst v1  }
0x24: {  	[tilespmem:$0x2980] =	vst v1  }
0x25: {  	[tilespmem:$0x2990] =	vst v1  }
0x26: {  	[tilespmem:$0x29A0] =	vst v1  }
0x27: {  	[tilespmem:$0x29B0] =	vst v1  }
0x28: {  	[tilespmem:$0x29C0] =	vst v1  }
0x29: {  	[tilespmem:$0x29D0] =	vst v1  }
0x2a: {  	[tilespmem:$0x29E0] =	vst v1  }
0x2b: {  	[tilespmem:$0x29F0] =	vst v1  }
0x2c: {  	[tilespmem:$0x2A00] =	vst v1  }
0x2d: {  	[tilespmem:$0x2A10] =	vst v1  }
0x2e: {  	[tilespmem:$0x2A20] =	vst v1  }
0x2f: {  	[tilespmem:$0x2A30] =	vst v1  }
0x30: {  	[tilespmem:$0x2A40] =	vst v1  }
0x31: {  	[tilespmem:$0x2A50] =	vst v1  }
0x32: {  	[tilespmem:$0x2A60] =	vst v1  }
0x33: {  	[tilespmem:$0x2A70] =	vst v1  }
0x34: {  	[tilespmem:$0x2A80] =	vst v1  }
0x35: {  	[tilespmem:$0x2A90] =	vst v1  }
0x36: {  	[tilespmem:$0x2AA0] =	vst v1  }
0x37: {  	[tilespmem:$0x2AB0] =	vst v1  }
0x38: {  	[tilespmem:$0x2AC0] =	vst v1  }
0x39: {  	[tilespmem:$0x2AD0] =	vst v1  }
0x3a: {  	[tilespmem:$0x2AE0] =	vst v1  }
0x3b: {  	[tilespmem:$0x2AF0] =	vst v1  }
0x3c: {  	[spmem:s4] =	stream.linear.scatter [tilespmem:s8], [sflag:$0x1], $0x280, $0x38;
	[tilespmem:$0x2D80] =	vst v63  }
0x3d: {  	_ =	swait.ge [sflag:s9], $0x280  }
0x3e: {  	[sflag:s9] =	ssyncset.done $0x0  }
0x3f: {  	[sflag:s9] =	ssyncadd.s32 $0xFFFFFD80  }
0x40: {  	[tilespmem:s3], [sflag:$0x1] =	stream.linear.gather [hbm4b:s5+s3], $0x2800, $0x38;
	[tilespmem:$0x2D80] =	vst v63  }
0x41: {  	_ =	swait.ge [sflag:s9], $0x2800  }
0x42: {  	[sflag:s9] =	ssyncset.done $0x0  }
0x43: {  	[sflag:s9] =	ssyncadd.s32 $0xFFFFD800  }
0x44: {  	s13 =	simm.s32 $0x0;
	[bflag:$0x0] =	sbarrier.arrive $0xFFFF  }
0x45: {  	[spmem:s2] =	stream.indirect.scatter.add.f32 [tilespmem:s11], [sflag:$0x1], $0x1, s13, s10, $0xb8;
	[tilespmem:$0x2D80] =	vst v63  }
0x46: {  	_ =	swait.ge [sflag:s9], $0x80  }
0x47: {  	s13 =	simm.s32 $0x200;
	[sflag:s9] =	ssyncset.done $0x0  }
.LBB2_2:
0x48: {  	s14 =	sshra.s32 s13, $0x2;
	[sflag:s9] =	ssyncadd.s32 $0xFFFFFF80;
	p0 =	sne.s32 s13, $0x9E00  }
0x49: {  	[spmem:s2] =	stream.indirect.scatter.add.f32 [tilespmem:s11], [sflag:$0x1], $0x1, s14, s10, $0xb8;
	[tilespmem:$0x2D80] =	vst v63  }
.Ltmp0:
0x4a: {  	_ = 	snop;
	(pc) =	sbr.rel @p0 .LBB2_2-.Ltmp0, $4  }
0x4b: {  	_ = 	snop  }
0x4c: {  	s13 =	sadd.s32 $0x200, s13  }
0x4d: {  	_ =	swait.ge [sflag:s9], $0x80  }
0x4e: {  	[sflag:s9] =	ssyncset.done $0x0  }
0x4f: {  	[sflag:s9] =	ssyncadd.s32 $0xFFFFFF80  }
0x50: {  	[bflag:$0x0] =	sbarrier.arrive $0xFFFF  }
0x51: {  	[tilespmem:s8], [sflag:$0x1] =	stream.linear.gather [spmem:s4], $0x280, $0x38;
	[tilespmem:$0x2D80] =	vst v63  }
0x52: {  	s12 =	sadd.s32 $0x1, s12;
	_ =	swait.ge [sflag:s9], $0x280  }
0x53: {  	p0 =	sne.s32 s12, s6;
	[sflag:s9] =	ssyncset.done $0x0  }
.Ltmp1:
0x54: {  	[sflag:s9] =	ssyncadd.s32 $0xFFFFFD80;
	(pc) =	sbr.rel @p0 .LBB2_1-.Ltmp1, $4  }
0x55: {  	[hbm4b:s7+s3] =	stream.linear.scatter [tilespmem:s8], [sflag:$0x1], $0x280, $0x38;
	[tilespmem:$0x2D80] =	vst v63  }
0x56: {  	_ =	swait.ge [sflag:s9], $0x280  }
0x57: {  	[sflag:s9] =	ssyncset.done $0x0  }
0x58: {  	[sflag:s9] =	ssyncadd.s32 $0xFFFFFD80  }
0x59: {  	_ =	sfence.sel $0x180000  }
0x5a: {  	[bflag:$0x0] =	sbarrier.arrive $0xFFFF  }
0x5b: {  	p0 =	sne.s32 s1, $0x0;
	_ =	strace $0x90000047  }
0x5c: {  	s0 =	sadd.s32 @!p0 $0x100000, s0;
	[bflag:$0x2] =	sbarrier.arrive $0xFFFF  }
0x5d: {  	[sflag:s0] =	ssyncadd.tile.s32 @!p0 $0x1;
	_ =	shalt  }
.Lfunc_end2:
_tile_overlayer_lowered:
.L_overlay_start_2:
0x5e: {  	(tag) =	ssettag $0x2  }
0x5f: {  	s0 =	rddreg [dreg:$0x0];
	s2 =	stileid.u32  }
0x60: {  	s1 =	rddreg [dreg:$0x1];
	p0 =	sne.s32 s2, $0x0  }
0x61: {  	s3 =	rddreg [dreg:$0x2];
	[bflag:$0x3] =	sbarrier.arrive $0xFFFF;
	s2 =	simm.s32 @!p0 $0x1C01  }
0x62: {  	[timem:s3], [sflag:s2] =	dma.local @!p0 [hbm:s0], s1  }
0x63: {  	s0 =	simm.s32 @!p0 $0x1  }
0x64: {  	_ =	swait.ge @!p0 [sflag:s0], s1  }
0x65: {  	s1 =	ssub.s32 @!p0 $0x0, s1;
	[sflag:s0] =	ssyncset.done @!p0 $0x0  }
0x66: {  	[sflag:s0] =	ssyncadd.s32 @!p0 s1  }
0x67: {  	[bflag:$0x3] =	sbarrier.arrive $0xFFFF  }
0x68: {  	_ =	shalt  }

</sc_bundles>
